<compile_context>
chip_gen: v7x
topology: tpu7x:2x2x1
jax: 0.10.2.dev20260603
libtpu: 0.0.44.dev20260713+nightly
codegen_flags: <defaults>
</compile_context>

<pallas_src>
import functools

import jax
import jax.numpy as jnp
from jax import lax
from jax.experimental import pallas as pl
from jax.experimental.pallas import tpu as pltpu
from jax.experimental.pallas import tpu_sc as plsc

B = 16384
F = 26
PER_FIELD = 38461
D = 16
V = F * PER_FIELD

NUM_CORES = 2
FPC = F // NUM_CORES

W = 38656
ROWB = W + 64
A_LAST = 961280
TAIL0 = A_LAST + W
NTAIL = V - TAIL0
NTAIL_PAD = 64
TTAIL = TAIL0 - (F - 1) * PER_FIELD

UNROLL = 4

_mesh = plsc.VectorSubcoreMesh(core_axis_name="c", subcore_axis_name="s")


@functools.partial(
    pl.kernel,
    mesh=_mesh,
    out_type=jax.ShapeDtypeStruct((F, D, B), jnp.float32),
    scratch_types=[
        pltpu.VMEM((ROWB,), jnp.float32),
        pltpu.VMEM((ROWB,), jnp.float32),
        pltpu.VMEM((B,), jnp.int32),
        pltpu.VMEM((B,), jnp.int32),
        pltpu.VMEM((B,), jnp.float32),
        pltpu.VMEM((NTAIL_PAD,), jnp.float32),
        pltpu.SemaphoreType.DMA,
        pltpu.SemaphoreType.DMA,
        pltpu.SemaphoreType.DMA,
        pltpu.SemaphoreType.DMA,
        pltpu.SemaphoreType.DMA,
    ],
    compiler_params=pltpu.CompilerParams(
        use_tc_tiling_on_sc=True, needs_layout_passes=False
    ),
)
def _fm_kernel(
    tfT, tabT, tail_lin, outT,
    row0, row1, idx0, idx1, obuf, tailbuf,
    ssem0, ssem1, isem0, isem1, osem,
):
    cid = lax.axis_index("c")
    sid = lax.axis_index("s")

    rows = (row0, row1)
    idxs = (idx0, idx1)
    ssems = (ssem0, ssem1)
    isems = (isem0, isem1)

    pltpu.sync_copy(tail_lin.at[pl.ds(sid * NTAIL_PAD, NTAIL_PAD)], tailbuf)

    def slab_start(f):
        if f == F - 1:
            return A_LAST
        return (f * PER_FIELD // 128) * 128

    def fetch(fi, slot):
        for cb in range(NUM_CORES):
            fs = cb * FPC + fi
            a = slab_start(fs)

            @pl.when(cid == cb)
            def _():
                pltpu.async_copy(
                    tabT.at[sid, pl.ds(a, W)], rows[slot].at[pl.ds(0, W)],
                    ssems[slot],
                )
                pltpu.async_copy(tfT.at[fs, :], idxs[slot], isems[slot])

    def wait_fetch(slot):
        pltpu.make_async_copy(
            tabT.at[sid, pl.ds(0, W)], rows[slot].at[pl.ds(0, W)], ssems[slot]
        ).wait()
        pltpu.make_async_copy(tfT.at[0, :], idxs[slot], isems[slot]).wait()

    def put(fi):
        for cb in range(NUM_CORES):
            fs = cb * FPC + fi

            @pl.when(cid == cb)
            def _():
                pltpu.async_copy(obuf, outT.at[fs, sid, :], osem)

    def wait_put():
        pltpu.make_async_copy(obuf, outT.at[0, sid, :], osem).wait()

    fetch(0, 0)
    for fi in range(FPC):
        slot = fi % 2
        wait_fetch(slot)
        if fi + 1 < FPC:
            fetch(fi + 1, 1 - slot)

        rowbuf = rows[slot]
        idxbuf = idxs[slot]

        if fi > 0:
            wait_put()

        def run_main():
            @plsc.parallel_loop(0, B // 16, unroll=UNROLL)
            def _body(j):
                idx16 = idxbuf[pl.ds(j * 16, 16)]
                obuf[pl.ds(j * 16, 16)] = plsc.load_gather(rowbuf, [idx16])

        def run_tail():
            @plsc.parallel_loop(0, B // 16, unroll=UNROLL)
            def _body(j):
                idx16 = idxbuf[pl.ds(j * 16, 16)]
                main = plsc.load_gather(rowbuf, [idx16])
                tval = plsc.load_gather(tailbuf, [jnp.maximum(idx16 - W, 0)])
                obuf[pl.ds(j * 16, 16)] = jnp.where(idx16 >= W, tval, main)

        if fi == FPC - 1:
            pl.when(cid < NUM_CORES - 1)(run_main)
            pl.when(cid == NUM_CORES - 1)(run_tail)
        else:
            run_main()

        put(fi)
    wait_put()


def _slab_starts():
    starts = [(f * PER_FIELD // 128) * 128 for f in range(F - 1)] + [A_LAST]
    return jnp.asarray(starts, dtype=jnp.int32)


def kernel(token_fields, table):
    tfT = token_fields.T
    tabT = table.T
    offs = jnp.arange(F, dtype=jnp.int32) * PER_FIELD - _slab_starts()
    local = tfT + offs[:, None]
    tail = jnp.pad(tabT[:, TAIL0:], ((0, 0), (0, NTAIL_PAD - NTAIL)))
    tail_lin = tail.reshape(D * NTAIL_PAD)
    outT = _fm_kernel(local, tabT, tail_lin)
    return jnp.transpose(outT, (2, 0, 1))

# --- scband reference (transcript-rebuilt; emitter-appended) ---
"""Pipeline reference for scband-context-recommender-8564164788819 (READ-ONLY COPY).

The authoritative reference and input builder live on the scoring server;
editing this copy changes nothing except your own understanding.
"""

import jax, jax.numpy as jnp
import numpy as np

B = 16384
F = 26
PER_FIELD = 38461
V = F * PER_FIELD
D = 16


def setup_inputs(seed: int = 0) -> dict:
    key = jax.random.key(seed)
    k1, k2 = jax.random.split(key)
    token_fields = jax.random.randint(k1, (B, F), 0, PER_FIELD, dtype=jnp.int32)
    # FMEmbedding table: single concatenated table over all token fields
    table = jax.random.normal(k2, (V, D), dtype=jnp.float32) * 0.01
    return {"token_fields": token_fields, "table": table}


def reference(token_fields, table):
    # FMEmbedding.forward: input_x = input_x + offsets; embed(input_x)
    offsets = (jnp.arange(F, dtype=token_fields.dtype) * PER_FIELD)[None, :]
    idx = token_fields + offsets
    token_embedding = jnp.take(table, idx, axis=0)  # [B, F, D]
    return token_embedding

if __name__ == "__main__":
    import jax
    _d = setup_inputs()
    print(jax.jit(kernel)(*tuple(_d.values())))

</pallas_src>

<mosaic_0001>
#map = affine_map<(d0, d1) -> (0, 0)>
#map1 = affine_map<(d0, d1) -> (0)>
#map2 = affine_map<(d0, d1) -> (0, 0, 0)>
module attributes {stable_mosaic.version = 14 : i64} {
  func.func @_fm_kernel(%arg0: i32, %arg1: i32, %arg2: memref<26x16384xi32, #tpu.memory_space<hbm>>, %arg3: memref<16x999986xf32, #tpu.memory_space<hbm>>, %arg4: memref<1024xf32, #tpu.memory_space<hbm>>, %arg5: memref<26x16x16384xf32, #tpu.memory_space<hbm>>, %arg6: memref<38720xf32, #tpu.memory_space<vmem>>, %arg7: memref<38720xf32, #tpu.memory_space<vmem>>, %arg8: memref<16384xi32, #tpu.memory_space<vmem>>, %arg9: memref<16384xi32, #tpu.memory_space<vmem>>, %arg10: memref<16384xf32, #tpu.memory_space<vmem>>, %arg11: memref<64xf32, #tpu.memory_space<vmem>>, %arg12: memref<!tpu.dma_semaphore, #tpu.memory_space<semaphore_mem>>, %arg13: memref<!tpu.dma_semaphore, #tpu.memory_space<semaphore_mem>>, %arg14: memref<!tpu.dma_semaphore, #tpu.memory_space<semaphore_mem>>, %arg15: memref<!tpu.dma_semaphore, #tpu.memory_space<semaphore_mem>>, %arg16: memref<!tpu.dma_semaphore, #tpu.memory_space<semaphore_mem>>) attributes {dimension_semantics = [#tpu.dimension_semantics<core_parallel>, #tpu.dimension_semantics<subcore_parallel>], iteration_bounds = array<i64: 2, 16>, scalar_prefetch = 0 : i64, scratch_operands = 11 : i64, tpu.core_type = #tpu.core_type<sc_vector_subcore>, window_params = [{transform_indices = #map}, {transform_indices = #map}, {transform_indices = #map1}, {transform_indices = #map2}]} {
    %mul3A = arith.constant 64 : i32
    %mul3A_0 = arith.muli %arg1, %mul3A : i32
    "tpu.region"() ({
      %run_scoped3A = tpu.sem_alloc : memref<!tpu.dma_semaphore, #tpu.memory_space<semaphore_mem>>
      %dma_start3A = tpu.memref_slice %arg4[%mul3A_0] : memref<1024xf32, #tpu.memory_space<hbm>> -> memref<64xf32, #tpu.memory_space<hbm>>
      %dma_start3A_613 = tpu.memref_slice %arg4[%mul3A_0] : memref<1024xf32, #tpu.memory_space<hbm>> -> memref<64xf32, #tpu.memory_space<hbm>>
      tpu.enqueue_dma source(%dma_start3A_613 : memref<64xf32, #tpu.memory_space<hbm>>) target(%arg11 : memref<64xf32, #tpu.memory_space<vmem>>) target_semaphore(%run_scoped3A : memref<!tpu.dma_semaphore, #tpu.memory_space<semaphore_mem>>)
      %dma_wait3A_614 = tpu.memref_slice %arg4[%mul3A_0] : memref<1024xf32, #tpu.memory_space<hbm>> -> memref<64xf32, #tpu.memory_space<hbm>>
      %dma_wait3A_615 = tpu.memref_slice %arg4[%mul3A_0] : memref<1024xf32, #tpu.memory_space<hbm>> -> memref<64xf32, #tpu.memory_space<hbm>>
      tpu.wait_dma2 semaphore(%run_scoped3A : memref<!tpu.dma_semaphore, #tpu.memory_space<semaphore_mem>>) src(%dma_wait3A_615 : memref<64xf32, #tpu.memory_space<hbm>>) dst(%arg11 : memref<64xf32, #tpu.memory_space<vmem>>)
      tpu.yield
    }) : () -> ()
    %eq3A = arith.constant 0 : i32
    %eq3A_1 = arith.cmpi eq, %arg0, %eq3A : i32
    %convert_element_type3A = arith.extui %eq3A_1 : i1 to i32
    %cond3A = arith.constant 0 : i32
    %cond3A_2 = arith.cmpi ne, %convert_element_type3A, %cond3A : i32
    scf.if %cond3A_2 {
      %dma_start3A = arith.constant 0 : i32
      %dma_start3A_613 = tpu.memref_slice %arg6[%dma_start3A] : memref<38720xf32, #tpu.memory_space<vmem>> -> memref<38656xf32, #tpu.memory_space<vmem>>
      %dma_start3A_614 = arith.constant 0 : i32
      %dma_start3A_615 = tpu.memref_slice %arg3[%arg1, %dma_start3A_614] : memref<16x999986xf32, #tpu.memory_space<hbm>> -> memref<1x38656xf32, #tpu.memory_space<hbm>>
      %dma_start3A_616 = tpu.memref_squeeze %dma_start3A_615 : memref<1x38656xf32, #tpu.memory_space<hbm>> -> memref<38656xf32, #tpu.memory_space<hbm>>
      %dma_start3A_617 = arith.constant 0 : i32
      %dma_start3A_618 = tpu.memref_slice %arg6[%dma_start3A_617] : memref<38720xf32, #tpu.memory_space<vmem>> -> memref<38656xf32, #tpu.memory_space<vmem>>
      %dma_start3A_619 = arith.constant 0 : i32
      %dma_start3A_620 = tpu.memref_slice %arg3[%arg1, %dma_start3A_619] : memref<16x999986xf32, #tpu.memory_space<hbm>> -> memref<1x38656xf32, #tpu.memory_space<hbm>>
      %dma_start3A_621 = tpu.memref_squeeze %dma_start3A_620 : memref<1x38656xf32, #tpu.memory_space<hbm>> -> memref<38656xf32, #tpu.memory_space<hbm>>
      tpu.enqueue_dma source(%dma_start3A_621 : memref<38656xf32, #tpu.memory_space<hbm>>) target(%dma_start3A_618 : memref<38656xf32, #tpu.memory_space<vmem>>) target_semaphore(%arg12 : memref<!tpu.dma_semaphore, #tpu.memory_space<semaphore_mem>>)
      %dma_start3A_622 = arith.constant 0 : i32
      %dma_start3A_623 = arith.constant 0 : i32
      %dma_start3A_624 = tpu.memref_slice %arg2[%dma_start3A_622, %dma_start3A_623] : memref<26x16384xi32, #tpu.memory_space<hbm>> -> memref<1x16384xi32, #tpu.memory_space<hbm>>
      %dma_start3A_625 = tpu.memref_squeeze %dma_start3A_624 : memref<1x16384xi32, #tpu.memory_space<hbm>> -> memref<16384xi32, #tpu.memory_space<hbm>>
      %dma_start3A_626 = arith.constant 0 : i32
      %dma_start3A_627 = tpu.memref_slice %arg2[%dma_start3A_622, %dma_start3A_626] : memref<26x16384xi32, #tpu.memory_space<hbm>> -> memref<1x16384xi32, #tpu.memory_space<hbm>>
      %dma_start3A_628 = tpu.memref_squeeze %dma_start3A_627 : memref<1x16384xi32, #tpu.memory_space<hbm>> -> memref<16384xi32, #tpu.memory_space<hbm>>
      tpu.enqueue_dma source(%dma_start3A_628 : memref<16384xi32, #tpu.memory_space<hbm>>) target(%arg8 : memref<16384xi32, #tpu.memory_space<vmem>>) target_semaphore(%arg14 : memref<!tpu.dma_semaphore, #tpu.memory_space<semaphore_mem>>)
    } else {
    }
    %eq3A_3 = arith.constant 1 : i32
    %eq3A_4 = arith.cmpi eq, %arg0, %eq3A_3 : i32
    %convert_element_type3A_5 = arith.extui %eq3A_4 : i1 to i32
    %cond3A_6 = arith.constant 0 : i32
    %cond3A_7 = arith.cmpi ne, %convert_element_type3A_5, %cond3A_6 : i32
    scf.if %cond3A_7 {
      %dma_start3A = arith.constant 0 : i32
      %dma_start3A_613 = tpu.memref_slice %arg6[%dma_start3A] : memref<38720xf32, #tpu.memory_space<vmem>> -> memref<38656xf32, #tpu.memory_space<vmem>>
      %dma_start3A_614 = arith.constant 499968 : i32
      %dma_start3A_615 = tpu.memref_slice %arg3[%arg1, %dma_start3A_614] : memref<16x999986xf32, #tpu.memory_space<hbm>> -> memref<1x38656xf32, #tpu.memory_space<hbm>>
      %dma_start3A_616 = tpu.memref_squeeze %dma_start3A_615 : memref<1x38656xf32, #tpu.memory_space<hbm>> -> memref<38656xf32, #tpu.memory_space<hbm>>
      %dma_start3A_617 = arith.constant 0 : i32
      %dma_start3A_618 = tpu.memref_slice %arg6[%dma_start3A_617] : memref<38720xf32, #tpu.memory_space<vmem>> -> memref<38656xf32, #tpu.memory_space<vmem>>
      %dma_start3A_619 = arith.constant 499968 : i32
      %dma_start3A_620 = tpu.memref_slice %arg3[%arg1, %dma_start3A_619] : memref<16x999986xf32, #tpu.memory_space<hbm>> -> memref<1x38656xf32, #tpu.memory_space<hbm>>
      %dma_start3A_621 = tpu.memref_squeeze %dma_start3A_620 : memref<1x38656xf32, #tpu.memory_space<hbm>> -> memref<38656xf32, #tpu.memory_space<hbm>>
      tpu.enqueue_dma source(%dma_start3A_621 : memref<38656xf32, #tpu.memory_space<hbm>>) target(%dma_start3A_618 : memref<38656xf32, #tpu.memory_space<vmem>>) target_semaphore(%arg12 : memref<!tpu.dma_semaphore, #tpu.memory_space<semaphore_mem>>)
      %dma_start3A_622 = arith.constant 13 : i32
      %dma_start3A_623 = arith.constant 0 : i32
      %dma_start3A_624 = tpu.memref_slice %arg2[%dma_start3A_622, %dma_start3A_623] : memref<26x16384xi32, #tpu.memory_space<hbm>> -> memref<1x16384xi32, #tpu.memory_space<hbm>>
      %dma_start3A_625 = tpu.memref_squeeze %dma_start3A_624 : memref<1x16384xi32, #tpu.memory_space<hbm>> -> memref<16384xi32, #tpu.memory_space<hbm>>
      %dma_start3A_626 = arith.constant 0 : i32
      %dma_start3A_627 = tpu.memref_slice %arg2[%dma_start3A_622, %dma_start3A_626] : memref<26x16384xi32, #tpu.memory_space<hbm>> -> memref<1x16384xi32, #tpu.memory_space<hbm>>
      %dma_start3A_628 = tpu.memref_squeeze %dma_start3A_627 : memref<1x16384xi32, #tpu.memory_space<hbm>> -> memref<16384xi32, #tpu.memory_space<hbm>>
      tpu.enqueue_dma source(%dma_start3A_628 : memref<16384xi32, #tpu.memory_space<hbm>>) target(%arg8 : memref<16384xi32, #tpu.memory_space<vmem>>) target_semaphore(%arg14 : memref<!tpu.dma_semaphore, #tpu.memory_space<semaphore_mem>>)
    } else {
    }
    %dma_wait3A = arith.constant 0 : i32
    %dma_wait3A_8 = tpu.memref_slice %arg6[%dma_wait3A] : memref<38720xf32, #tpu.memory_space<vmem>> -> memref<38656xf32, #tpu.memory_space<vmem>>
    %dma_wait3A_9 = arith.constant 0 : i32
    %dma_wait3A_10 = tpu.memref_slice %arg3[%arg1, %dma_wait3A_9] : memref<16x999986xf32, #tpu.memory_space<hbm>> -> memref<1x38656xf32, #tpu.memory_space<hbm>>
    %dma_wait3A_11 = tpu.memref_squeeze %dma_wait3A_10 : memref<1x38656xf32, #tpu.memory_space<hbm>> -> memref<38656xf32, #tpu.memory_space<hbm>>
    %dma_wait3A_12 = arith.constant 0 : i32
    %dma_wait3A_13 = tpu.memref_slice %arg6[%dma_wait3A_12] : memref<38720xf32, #tpu.memory_space<vmem>> -> memref<38656xf32, #tpu.memory_space<vmem>>
    %dma_wait3A_14 = arith.constant 0 : i32
    %dma_wait3A_15 = tpu.memref_slice %arg3[%arg1, %dma_wait3A_14] : memref<16x999986xf32, #tpu.memory_space<hbm>> -> memref<1x38656xf32, #tpu.memory_space<hbm>>
    %dma_wait3A_16 = tpu.memref_squeeze %dma_wait3A_15 : memref<1x38656xf32, #tpu.memory_space<hbm>> -> memref<38656xf32, #tpu.memory_space<hbm>>
    tpu.wait_dma2 semaphore(%arg12 : memref<!tpu.dma_semaphore, #tpu.memory_space<semaphore_mem>>) src(%dma_wait3A_16 : memref<38656xf32, #tpu.memory_space<hbm>>) dst(%dma_wait3A_13 : memref<38656xf32, #tpu.memory_space<vmem>>)
    %dma_wait3A_17 = arith.constant 0 : i32
    %dma_wait3A_18 = arith.constant 0 : i32
    %dma_wait3A_19 = tpu.memref_slice %arg2[%dma_wait3A_17, %dma_wait3A_18] : memref<26x16384xi32, #tpu.memory_space<hbm>> -> memref<1x16384xi32, #tpu.memory_space<hbm>>
    %dma_wait3A_20 = tpu.memref_squeeze %dma_wait3A_19 : memref<1x16384xi32, #tpu.memory_space<hbm>> -> memref<16384xi32, #tpu.memory_space<hbm>>
    %dma_wait3A_21 = arith.constant 0 : i32
    %dma_wait3A_22 = tpu.memref_slice %arg2[%dma_wait3A_17, %dma_wait3A_21] : memref<26x16384xi32, #tpu.memory_space<hbm>> -> memref<1x16384xi32, #tpu.memory_space<hbm>>
    %dma_wait3A_23 = tpu.memref_squeeze %dma_wait3A_22 : memref<1x16384xi32, #tpu.memory_space<hbm>> -> memref<16384xi32, #tpu.memory_space<hbm>>
    tpu.wait_dma2 semaphore(%arg14 : memref<!tpu.dma_semaphore, #tpu.memory_space<semaphore_mem>>) src(%dma_wait3A_23 : memref<16384xi32, #tpu.memory_space<hbm>>) dst(%arg8 : memref<16384xi32, #tpu.memory_space<vmem>>)
    %eq3A_24 = arith.constant 0 : i32
    %eq3A_25 = arith.cmpi eq, %arg0, %eq3A_24 : i32
    %convert_element_type3A_26 = arith.extui %eq3A_25 : i1 to i32
    %cond3A_27 = arith.constant 0 : i32
    %cond3A_28 = arith.cmpi ne, %convert_element_type3A_26, %cond3A_27 : i32
    scf.if %cond3A_28 {
      %dma_start3A = arith.constant 0 : i32
      %dma_start3A_613 = tpu.memref_slice %arg7[%dma_start3A] : memref<38720xf32, #tpu.memory_space<vmem>> -> memref<38656xf32, #tpu.memory_space<vmem>>
      %dma_start3A_614 = arith.constant 38400 : i32
      %dma_start3A_615 = tpu.memref_slice %arg3[%arg1, %dma_start3A_614] : memref<16x999986xf32, #tpu.memory_space<hbm>> -> memref<1x38656xf32, #tpu.memory_space<hbm>>
      %dma_start3A_616 = tpu.memref_squeeze %dma_start3A_615 : memref<1x38656xf32, #tpu.memory_space<hbm>> -> memref<38656xf32, #tpu.memory_space<hbm>>
      %dma_start3A_617 = arith.constant 0 : i32
      %dma_start3A_618 = tpu.memref_slice %arg7[%dma_start3A_617] : memref<38720xf32, #tpu.memory_space<vmem>> -> memref<38656xf32, #tpu.memory_space<vmem>>
      %dma_start3A_619 = arith.constant 38400 : i32
      %dma_start3A_620 = tpu.memref_slice %arg3[%arg1, %dma_start3A_619] : memref<16x999986xf32, #tpu.memory_space<hbm>> -> memref<1x38656xf32, #tpu.memory_space<hbm>>
      %dma_start3A_621 = tpu.memref_squeeze %dma_start3A_620 : memref<1x38656xf32, #tpu.memory_space<hbm>> -> memref<38656xf32, #tpu.memory_space<hbm>>
      tpu.enqueue_dma source(%dma_start3A_621 : memref<38656xf32, #tpu.memory_space<hbm>>) target(%dma_start3A_618 : memref<38656xf32, #tpu.memory_space<vmem>>) target_semaphore(%arg13 : memref<!tpu.dma_semaphore, #tpu.memory_space<semaphore_mem>>)
      %dma_start3A_622 = arith.constant 1 : i32
      %dma_start3A_623 = arith.constant 0 : i32
      %dma_start3A_624 = tpu.memref_slice %arg2[%dma_start3A_622, %dma_start3A_623] : memref<26x16384xi32, #tpu.memory_space<hbm>> -> memref<1x16384xi32, #tpu.memory_space<hbm>>
      %dma_start3A_625 = tpu.memref_squeeze %dma_start3A_624 : memref<1x16384xi32, #tpu.memory_space<hbm>> -> memref<16384xi32, #tpu.memory_space<hbm>>
      %dma_start3A_626 = arith.constant 0 : i32
      %dma_start3A_627 = tpu.memref_slice %arg2[%dma_start3A_622, %dma_start3A_626] : memref<26x16384xi32, #tpu.memory_space<hbm>> -> memref<1x16384xi32, #tpu.memory_space<hbm>>
      %dma_start3A_628 = tpu.memref_squeeze %dma_start3A_627 : memref<1x16384xi32, #tpu.memory_space<hbm>> -> memref<16384xi32, #tpu.memory_space<hbm>>
      tpu.enqueue_dma source(%dma_start3A_628 : memref<16384xi32, #tpu.memory_space<hbm>>) target(%arg9 : memref<16384xi32, #tpu.memory_space<vmem>>) target_semaphore(%arg15 : memref<!tpu.dma_semaphore, #tpu.memory_space<semaphore_mem>>)
    } else {
    }
    %eq3A_29 = arith.constant 1 : i32
    %eq3A_30 = arith.cmpi eq, %arg0, %eq3A_29 : i32
    %convert_element_type3A_31 = arith.extui %eq3A_30 : i1 to i32
    %cond3A_32 = arith.constant 0 : i32
    %cond3A_33 = arith.cmpi ne, %convert_element_type3A_31, %cond3A_32 : i32
    scf.if %cond3A_33 {
      %dma_start3A = arith.constant 0 : i32
      %dma_start3A_613 = tpu.memref_slice %arg7[%dma_start3A] : memref<38720xf32, #tpu.memory_space<vmem>> -> memref<38656xf32, #tpu.memory_space<vmem>>
      %dma_start3A_614 = arith.constant 538368 : i32
      %dma_start3A_615 = tpu.memref_slice %arg3[%arg1, %dma_start3A_614] : memref<16x999986xf32, #tpu.memory_space<hbm>> -> memref<1x38656xf32, #tpu.memory_space<hbm>>
      %dma_start3A_616 = tpu.memref_squeeze %dma_start3A_615 : memref<1x38656xf32, #tpu.memory_space<hbm>> -> memref<38656xf32, #tpu.memory_space<hbm>>
      %dma_start3A_617 = arith.constant 0 : i32
      %dma_start3A_618 = tpu.memref_slice %arg7[%dma_start3A_617] : memref<38720xf32, #tpu.memory_space<vmem>> -> memref<38656xf32, #tpu.memory_space<vmem>>
      %dma_start3A_619 = arith.constant 538368 : i32
      %dma_start3A_620 = tpu.memref_slice %arg3[%arg1, %dma_start3A_619] : memref<16x999986xf32, #tpu.memory_space<hbm>> -> memref<1x38656xf32, #tpu.memory_space<hbm>>
      %dma_start3A_621 = tpu.memref_squeeze %dma_start3A_620 : memref<1x38656xf32, #tpu.memory_space<hbm>> -> memref<38656xf32, #tpu.memory_space<hbm>>
      tpu.enqueue_dma source(%dma_start3A_621 : memref<38656xf32, #tpu.memory_space<hbm>>) target(%dma_start3A_618 : memref<38656xf32, #tpu.memory_space<vmem>>) target_semaphore(%arg13 : memref<!tpu.dma_semaphore, #tpu.memory_space<semaphore_mem>>)
      %dma_start3A_622 = arith.constant 14 : i32
      %dma_start3A_623 = arith.constant 0 : i32
      %dma_start3A_624 = tpu.memref_slice %arg2[%dma_start3A_622, %dma_start3A_623] : memref<26x16384xi32, #tpu.memory_space<hbm>> -> memref<1x16384xi32, #tpu.memory_space<hbm>>
      %dma_start3A_625 = tpu.memref_squeeze %dma_start3A_624 : memref<1x16384xi32, #tpu.memory_space<hbm>> -> memref<16384xi32, #tpu.memory_space<hbm>>
      %dma_start3A_626 = arith.constant 0 : i32
      %dma_start3A_627 = tpu.memref_slice %arg2[%dma_start3A_622, %dma_start3A_626] : memref<26x16384xi32, #tpu.memory_space<hbm>> -> memref<1x16384xi32, #tpu.memory_space<hbm>>
      %dma_start3A_628 = tpu.memref_squeeze %dma_start3A_627 : memref<1x16384xi32, #tpu.memory_space<hbm>> -> memref<16384xi32, #tpu.memory_space<hbm>>
      tpu.enqueue_dma source(%dma_start3A_628 : memref<16384xi32, #tpu.memory_space<hbm>>) target(%arg9 : memref<16384xi32, #tpu.memory_space<vmem>>) target_semaphore(%arg15 : memref<!tpu.dma_semaphore, #tpu.memory_space<semaphore_mem>>)
    } else {
    }
    %parallel_loop3A = arith.constant 0 : i32
    %parallel_loop3A_34 = arith.constant 1024 : i32
    %parallel_loop3A_35 = arith.constant 1 : i32
    scf.for %parallel_loop3A_613 = %parallel_loop3A to %parallel_loop3A_34 step %parallel_loop3A_35  : i32 {
      %parallel_loop3A_614 = arith.constant 16 : i32
      %parallel_loop3A_615 = arith.muli %parallel_loop3A_613, %parallel_loop3A_614 : i32
      %parallel_loop3A_616 = arith.index_cast %parallel_loop3A_615 : i32 to index
      %parallel_loop3A_617 = tpu.vector_load %arg8[%parallel_loop3A_616] {strides = array<i32>} : memref<16384xi32, #tpu.memory_space<vmem>>, vector<16xi32>,
      %parallel_loop3A_618 = tpu.vector_load_idx %arg6[%parallel_loop3A_617] : memref<38720xf32, #tpu.memory_space<vmem>>[vector<16xi32>], vector<16xf32>,
      %parallel_loop3A_619 = arith.constant 16 : i32
      %parallel_loop3A_620 = arith.muli %parallel_loop3A_613, %parallel_loop3A_619 : i32
      %parallel_loop3A_621 = arith.index_cast %parallel_loop3A_620 : i32 to index
      %parallel_loop3A_622 = tpu.vector_load %arg10[%parallel_loop3A_621] {strides = array<i32>} : memref<16384xf32, #tpu.memory_space<vmem>>, vector<16xf32>,
      tpu.vector_store %arg10[%parallel_loop3A_621], %parallel_loop3A_618 {strides = array<i32>} : memref<16384xf32, #tpu.memory_space<vmem>>, vector<16xf32>,
    } {sc.loop_unroll_factor = 4 : i64, sc.parallel_access}
    %eq3A_36 = arith.constant 0 : i32
    %eq3A_37 = arith.cmpi eq, %arg0, %eq3A_36 : i32
    %convert_element_type3A_38 = arith.extui %eq3A_37 : i1 to i32
    %cond3A_39 = arith.constant 0 : i32
    %cond3A_40 = arith.cmpi ne, %convert_element_type3A_38, %cond3A_39 : i32
    scf.if %cond3A_40 {
      %dma_start3A = arith.constant 0 : i32
      %dma_start3A_613 = arith.constant 0 : i32
      %dma_start3A_614 = tpu.memref_slice %arg5[%dma_start3A, %arg1, %dma_start3A_613] : memref<26x16x16384xf32, #tpu.memory_space<hbm>> -> memref<1x1x16384xf32, #tpu.memory_space<hbm>>
      %dma_start3A_615 = tpu.memref_squeeze %dma_start3A_614 : memref<1x1x16384xf32, #tpu.memory_space<hbm>> -> memref<16384xf32, #tpu.memory_space<hbm>>
      %dma_start3A_616 = arith.constant 0 : i32
      %dma_start3A_617 = tpu.memref_slice %arg5[%dma_start3A, %arg1, %dma_start3A_616] : memref<26x16x16384xf32, #tpu.memory_space<hbm>> -> memref<1x1x16384xf32, #tpu.memory_space<hbm>>
      %dma_start3A_618 = tpu.memref_squeeze %dma_start3A_617 : memref<1x1x16384xf32, #tpu.memory_space<hbm>> -> memref<16384xf32, #tpu.memory_space<hbm>>
      tpu.enqueue_dma source(%arg10 : memref<16384xf32, #tpu.memory_space<vmem>>) target(%dma_start3A_618 : memref<16384xf32, #tpu.memory_space<hbm>>) target_semaphore(%arg16 : memref<!tpu.dma_semaphore, #tpu.memory_space<semaphore_mem>>)
    } else {
    }
    %eq3A_41 = arith.constant 1 : i32
    %eq3A_42 = arith.cmpi eq, %arg0, %eq3A_41 : i32
    %convert_element_type3A_43 = arith.extui %eq3A_42 : i1 to i32
    %cond3A_44 = arith.constant 0 : i32
    %cond3A_45 = arith.cmpi ne, %convert_element_type3A_43, %cond3A_44 : i32
    scf.if %cond3A_45 {
      %dma_start3A = arith.constant 13 : i32
      %dma_start3A_613 = arith.constant 0 : i32
      %dma_start3A_614 = tpu.memref_slice %arg5[%dma_start3A, %arg1, %dma_start3A_613] : memref<26x16x16384xf32, #tpu.memory_space<hbm>> -> memref<1x1x16384xf32, #tpu.memory_space<hbm>>
      %dma_start3A_615 = tpu.memref_squeeze %dma_start3A_614 : memref<1x1x16384xf32, #tpu.memory_space<hbm>> -> memref<16384xf32, #tpu.memory_space<hbm>>
      %dma_start3A_616 = arith.constant 0 : i32
      %dma_start3A_617 = tpu.memref_slice %arg5[%dma_start3A, %arg1, %dma_start3A_616] : memref<26x16x16384xf32, #tpu.memory_space<hbm>> -> memref<1x1x16384xf32, #tpu.memory_space<hbm>>
      %dma_start3A_618 = tpu.memref_squeeze %dma_start3A_617 : memref<1x1x16384xf32, #tpu.memory_space<hbm>> -> memref<16384xf32, #tpu.memory_space<hbm>>
      tpu.enqueue_dma source(%arg10 : memref<16384xf32, #tpu.memory_space<vmem>>) target(%dma_start3A_618 : memref<16384xf32, #tpu.memory_space<hbm>>) target_semaphore(%arg16 : memref<!tpu.dma_semaphore, #tpu.memory_space<semaphore_mem>>)
    } else {
    }
    %dma_wait3A_46 = arith.constant 0 : i32
    %dma_wait3A_47 = tpu.memref_slice %arg7[%dma_wait3A_46] : memref<38720xf32, #tpu.memory_space<vmem>> -> memref<38656xf32, #tpu.memory_space<vmem>>
    %dma_wait3A_48 = arith.constant 0 : i32
    %dma_wait3A_49 = tpu.memref_slice %arg3[%arg1, %dma_wait3A_48] : memref<16x999986xf32, #tpu.memory_space<hbm>> -> memref<1x38656xf32, #tpu.memory_space<hbm>>
    %dma_wait3A_50 = tpu.memref_squeeze %dma_wait3A_49 : memref<1x38656xf32, #tpu.memory_space<hbm>> -> memref<38656xf32, #tpu.memory_space<hbm>>
    %dma_wait3A_51 = arith.constant 0 : i32
    %dma_wait3A_52 = tpu.memref_slice %arg7[%dma_wait3A_51] : memref<38720xf32, #tpu.memory_space<vmem>> -> memref<38656xf32, #tpu.memory_space<vmem>>
    %dma_wait3A_53 = arith.constant 0 : i32
    %dma_wait3A_54 = tpu.memref_slice %arg3[%arg1, %dma_wait3A_53] : memref<16x999986xf32, #tpu.memory_space<hbm>> -> memref<1x38656xf32, #tpu.memory_space<hbm>>
    %dma_wait3A_55 = tpu.memref_squeeze %dma_wait3A_54 : memref<1x38656xf32, #tpu.memory_space<hbm>> -> memref<38656xf32, #tpu.memory_space<hbm>>
    tpu.wait_dma2 semaphore(%arg13 : memref<!tpu.dma_semaphore, #tpu.memory_space<semaphore_mem>>) src(%dma_wait3A_55 : memref<38656xf32, #tpu.memory_space<hbm>>) dst(%dma_wait3A_52 : memref<38656xf32, #tpu.memory_space<vmem>>)
    %dma_wait3A_56 = arith.constant 0 : i32
    %dma_wait3A_57 = arith.constant 0 : i32
    %dma_wait3A_58 = tpu.memref_slice %arg2[%dma_wait3A_56, %dma_wait3A_57] : memref<26x16384xi32, #tpu.memory_space<hbm>> -> memref<1x16384xi32, #tpu.memory_space<hbm>>
    %dma_wait3A_59 = tpu.memref_squeeze %dma_wait3A_58 : memref<1x16384xi32, #tpu.memory_space<hbm>> -> memref<16384xi32, #tpu.memory_space<hbm>>
    %dma_wait3A_60 = arith.constant 0 : i32
    %dma_wait3A_61 = tpu.memref_slice %arg2[%dma_wait3A_56, %dma_wait3A_60] : memref<26x16384xi32, #tpu.memory_space<hbm>> -> memref<1x16384xi32, #tpu.memory_space<hbm>>
    %dma_wait3A_62 = tpu.memref_squeeze %dma_wait3A_61 : memref<1x16384xi32, #tpu.memory_space<hbm>> -> memref<16384xi32, #tpu.memory_space<hbm>>
    tpu.wait_dma2 semaphore(%arg15 : memref<!tpu.dma_semaphore, #tpu.memory_space<semaphore_mem>>) src(%dma_wait3A_62 : memref<16384xi32, #tpu.memory_space<hbm>>) dst(%arg9 : memref<16384xi32, #tpu.memory_space<vmem>>)
    %eq3A_63 = arith.constant 0 : i32
    %eq3A_64 = arith.cmpi eq, %arg0, %eq3A_63 : i32
    %convert_element_type3A_65 = arith.extui %eq3A_64 : i1 to i32
    %cond3A_66 = arith.constant 0 : i32
    %cond3A_67 = arith.cmpi ne, %convert_element_type3A_65, %cond3A_66 : i32
    scf.if %cond3A_67 {
      %dma_start3A = arith.constant 0 : i32
      %dma_start3A_613 = tpu.memref_slice %arg6[%dma_start3A] : memref<38720xf32, #tpu.memory_space<vmem>> -> memref<38656xf32, #tpu.memory_space<vmem>>
      %dma_start3A_614 = arith.constant 76800 : i32
      %dma_start3A_615 = tpu.memref_slice %arg3[%arg1, %dma_start3A_614] : memref<16x999986xf32, #tpu.memory_space<hbm>> -> memref<1x38656xf32, #tpu.memory_space<hbm>>
      %dma_start3A_616 = tpu.memref_squeeze %dma_start3A_615 : memref<1x38656xf32, #tpu.memory_space<hbm>> -> memref<38656xf32, #tpu.memory_space<hbm>>
      %dma_start3A_617 = arith.constant 0 : i32
      %dma_start3A_618 = tpu.memref_slice %arg6[%dma_start3A_617] : memref<38720xf32, #tpu.memory_space<vmem>> -> memref<38656xf32, #tpu.memory_space<vmem>>
      %dma_start3A_619 = arith.constant 76800 : i32
      %dma_start3A_620 = tpu.memref_slice %arg3[%arg1, %dma_start3A_619] : memref<16x999986xf32, #tpu.memory_space<hbm>> -> memref<1x38656xf32, #tpu.memory_space<hbm>>
      %dma_start3A_621 = tpu.memref_squeeze %dma_start3A_620 : memref<1x38656xf32, #tpu.memory_space<hbm>> -> memref<38656xf32, #tpu.memory_space<hbm>>
      tpu.enqueue_dma source(%dma_start3A_621 : memref<38656xf32, #tpu.memory_space<hbm>>) target(%dma_start3A_618 : memref<38656xf32, #tpu.memory_space<vmem>>) target_semaphore(%arg12 : memref<!tpu.dma_semaphore, #tpu.memory_space<semaphore_mem>>)
      %dma_start3A_622 = arith.constant 2 : i32
      %dma_start3A_623 = arith.constant 0 : i32
      %dma_start3A_624 = tpu.memref_slice %arg2[%dma_start3A_622, %dma_start3A_623] : memref<26x16384xi32, #tpu.memory_space<hbm>> -> memref<1x16384xi32, #tpu.memory_space<hbm>>
      %dma_start3A_625 = tpu.memref_squeeze %dma_start3A_624 : memref<1x16384xi32, #tpu.memory_space<hbm>> -> memref<16384xi32, #tpu.memory_space<hbm>>
      %dma_start3A_626 = arith.constant 0 : i32
      %dma_start3A_627 = tpu.memref_slice %arg2[%dma_start3A_622, %dma_start3A_626] : memref<26x16384xi32, #tpu.memory_space<hbm>> -> memref<1x16384xi32, #tpu.memory_space<hbm>>
      %dma_start3A_628 = tpu.memref_squeeze %dma_start3A_627 : memref<1x16384xi32, #tpu.memory_space<hbm>> -> memref<16384xi32, #tpu.memory_space<hbm>>
      tpu.enqueue_dma source(%dma_start3A_628 : memref<16384xi32, #tpu.memory_space<hbm>>) target(%arg8 : memref<16384xi32, #tpu.memory_space<vmem>>) target_semaphore(%arg14 : memref<!tpu.dma_semaphore, #tpu.memory_space<semaphore_mem>>)
    } else {
    }
    %eq3A_68 = arith.constant 1 : i32
    %eq3A_69 = arith.cmpi eq, %arg0, %eq3A_68 : i32
    %convert_element_type3A_70 = arith.extui %eq3A_69 : i1 to i32
    %cond3A_71 = arith.constant 0 : i32
    %cond3A_72 = arith.cmpi ne, %convert_element_type3A_70, %cond3A_71 : i32
    scf.if %cond3A_72 {
      %dma_start3A = arith.constant 0 : i32
      %dma_start3A_613 = tpu.memref_slice %arg6[%dma_start3A] : memref<38720xf32, #tpu.memory_space<vmem>> -> memref<38656xf32, #tpu.memory_space<vmem>>
      %dma_start3A_614 = arith.constant 576896 : i32
      %dma_start3A_615 = tpu.memref_slice %arg3[%arg1, %dma_start3A_614] : memref<16x999986xf32, #tpu.memory_space<hbm>> -> memref<1x38656xf32, #tpu.memory_space<hbm>>
      %dma_start3A_616 = tpu.memref_squeeze %dma_start3A_615 : memref<1x38656xf32, #tpu.memory_space<hbm>> -> memref<38656xf32, #tpu.memory_space<hbm>>
      %dma_start3A_617 = arith.constant 0 : i32
      %dma_start3A_618 = tpu.memref_slice %arg6[%dma_start3A_617] : memref<38720xf32, #tpu.memory_space<vmem>> -> memref<38656xf32, #tpu.memory_space<vmem>>
      %dma_start3A_619 = arith.constant 576896 : i32
      %dma_start3A_620 = tpu.memref_slice %arg3[%arg1, %dma_start3A_619] : memref<16x999986xf32, #tpu.memory_space<hbm>> -> memref<1x38656xf32, #tpu.memory_space<hbm>>
      %dma_start3A_621 = tpu.memref_squeeze %dma_start3A_620 : memref<1x38656xf32, #tpu.memory_space<hbm>> -> memref<38656xf32, #tpu.memory_space<hbm>>
      tpu.enqueue_dma source(%dma_start3A_621 : memref<38656xf32, #tpu.memory_space<hbm>>) target(%dma_start3A_618 : memref<38656xf32, #tpu.memory_space<vmem>>) target_semaphore(%arg12 : memref<!tpu.dma_semaphore, #tpu.memory_space<semaphore_mem>>)
      %dma_start3A_622 = arith.constant 15 : i32
      %dma_start3A_623 = arith.constant 0 : i32
      %dma_start3A_624 = tpu.memref_slice %arg2[%dma_start3A_622, %dma_start3A_623] : memref<26x16384xi32, #tpu.memory_space<hbm>> -> memref<1x16384xi32, #tpu.memory_space<hbm>>
      %dma_start3A_625 = tpu.memref_squeeze %dma_start3A_624 : memref<1x16384xi32, #tpu.memory_space<hbm>> -> memref<16384xi32, #tpu.memory_space<hbm>>
      %dma_start3A_626 = arith.constant 0 : i32
      %dma_start3A_627 = tpu.memref_slice %arg2[%dma_start3A_622, %dma_start3A_626] : memref<26x16384xi32, #tpu.memory_space<hbm>> -> memref<1x16384xi32, #tpu.memory_space<hbm>>
      %dma_start3A_628 = tpu.memref_squeeze %dma_start3A_627 : memref<1x16384xi32, #tpu.memory_space<hbm>> -> memref<16384xi32, #tpu.memory_space<hbm>>
      tpu.enqueue_dma source(%dma_start3A_628 : memref<16384xi32, #tpu.memory_space<hbm>>) target(%arg8 : memref<16384xi32, #tpu.memory_space<vmem>>) target_semaphore(%arg14 : memref<!tpu.dma_semaphore, #tpu.memory_space<semaphore_mem>>)
    } else {
    }
    %dma_wait3A_73 = arith.constant 0 : i32
    %dma_wait3A_74 = arith.constant 0 : i32
    %dma_wait3A_75 = tpu.memref_slice %arg5[%dma_wait3A_73, %arg1, %dma_wait3A_74] : memref<26x16x16384xf32, #tpu.memory_space<hbm>> -> memref<1x1x16384xf32, #tpu.memory_space<hbm>>
    %dma_wait3A_76 = tpu.memref_squeeze %dma_wait3A_75 : memref<1x1x16384xf32, #tpu.memory_space<hbm>> -> memref<16384xf32, #tpu.memory_space<hbm>>
    %dma_wait3A_77 = arith.constant 0 : i32
    %dma_wait3A_78 = tpu.memref_slice %arg5[%dma_wait3A_73, %arg1, %dma_wait3A_77] : memref<26x16x16384xf32, #tpu.memory_space<hbm>> -> memref<1x1x16384xf32, #tpu.memory_space<hbm>>
    %dma_wait3A_79 = tpu.memref_squeeze %dma_wait3A_78 : memref<1x1x16384xf32, #tpu.memory_space<hbm>> -> memref<16384xf32, #tpu.memory_space<hbm>>
    tpu.wait_dma2 semaphore(%arg16 : memref<!tpu.dma_semaphore, #tpu.memory_space<semaphore_mem>>) src(%arg10 : memref<16384xf32, #tpu.memory_space<vmem>>) dst(%dma_wait3A_79 : memref<16384xf32, #tpu.memory_space<hbm>>)
    %parallel_loop3A_80 = arith.constant 0 : i32
    %parallel_loop3A_81 = arith.constant 1024 : i32
    %parallel_loop3A_82 = arith.constant 1 : i32
    scf.for %parallel_loop3A_613 = %parallel_loop3A_80 to %parallel_loop3A_81 step %parallel_loop3A_82  : i32 {
      %parallel_loop3A_614 = arith.constant 16 : i32
      %parallel_loop3A_615 = arith.muli %parallel_loop3A_613, %parallel_loop3A_614 : i32
      %parallel_loop3A_616 = arith.index_cast %parallel_loop3A_615 : i32 to index
      %parallel_loop3A_617 = tpu.vector_load %arg9[%parallel_loop3A_616] {strides = array<i32>} : memref<16384xi32, #tpu.memory_space<vmem>>, vector<16xi32>,
      %parallel_loop3A_618 = tpu.vector_load_idx %arg7[%parallel_loop3A_617] : memref<38720xf32, #tpu.memory_space<vmem>>[vector<16xi32>], vector<16xf32>,
      %parallel_loop3A_619 = arith.constant 16 : i32
      %parallel_loop3A_620 = arith.muli %parallel_loop3A_613, %parallel_loop3A_619 : i32
      %parallel_loop3A_621 = arith.index_cast %parallel_loop3A_620 : i32 to index
      %parallel_loop3A_622 = tpu.vector_load %arg10[%parallel_loop3A_621] {strides = array<i32>} : memref<16384xf32, #tpu.memory_space<vmem>>, vector<16xf32>,
      tpu.vector_store %arg10[%parallel_loop3A_621], %parallel_loop3A_618 {strides = array<i32>} : memref<16384xf32, #tpu.memory_space<vmem>>, vector<16xf32>,
    } {sc.loop_unroll_factor = 4 : i64, sc.parallel_access}
    %eq3A_83 = arith.constant 0 : i32
    %eq3A_84 = arith.cmpi eq, %arg0, %eq3A_83 : i32
    %convert_element_type3A_85 = arith.extui %eq3A_84 : i1 to i32
    %cond3A_86 = arith.constant 0 : i32
    %cond3A_87 = arith.cmpi ne, %convert_element_type3A_85, %cond3A_86 : i32
    scf.if %cond3A_87 {
      %dma_start3A = arith.constant 1 : i32
      %dma_start3A_613 = arith.constant 0 : i32
      %dma_start3A_614 = tpu.memref_slice %arg5[%dma_start3A, %arg1, %dma_start3A_613] : memref<26x16x16384xf32, #tpu.memory_space<hbm>> -> memref<1x1x16384xf32, #tpu.memory_space<hbm>>
      %dma_start3A_615 = tpu.memref_squeeze %dma_start3A_614 : memref<1x1x16384xf32, #tpu.memory_space<hbm>> -> memref<16384xf32, #tpu.memory_space<hbm>>
      %dma_start3A_616 = arith.constant 0 : i32
      %dma_start3A_617 = tpu.memref_slice %arg5[%dma_start3A, %arg1, %dma_start3A_616] : memref<26x16x16384xf32, #tpu.memory_space<hbm>> -> memref<1x1x16384xf32, #tpu.memory_space<hbm>>
      %dma_start3A_618 = tpu.memref_squeeze %dma_start3A_617 : memref<1x1x16384xf32, #tpu.memory_space<hbm>> -> memref<16384xf32, #tpu.memory_space<hbm>>
      tpu.enqueue_dma source(%arg10 : memref<16384xf32, #tpu.memory_space<vmem>>) target(%dma_start3A_618 : memref<16384xf32, #tpu.memory_space<hbm>>) target_semaphore(%arg16 : memref<!tpu.dma_semaphore, #tpu.memory_space<semaphore_mem>>)
    } else {
    }
    %eq3A_88 = arith.constant 1 : i32
    %eq3A_89 = arith.cmpi eq, %arg0, %eq3A_88 : i32
    %convert_element_type3A_90 = arith.extui %eq3A_89 : i1 to i32
    %cond3A_91 = arith.constant 0 : i32
    %cond3A_92 = arith.cmpi ne, %convert_element_type3A_90, %cond3A_91 : i32
    scf.if %cond3A_92 {
      %dma_start3A = arith.constant 14 : i32
      %dma_start3A_613 = arith.constant 0 : i32
      %dma_start3A_614 = tpu.memref_slice %arg5[%dma_start3A, %arg1, %dma_start3A_613] : memref<26x16x16384xf32, #tpu.memory_space<hbm>> -> memref<1x1x16384xf32, #tpu.memory_space<hbm>>
      %dma_start3A_615 = tpu.memref_squeeze %dma_start3A_614 : memref<1x1x16384xf32, #tpu.memory_space<hbm>> -> memref<16384xf32, #tpu.memory_space<hbm>>
      %dma_start3A_616 = arith.constant 0 : i32
      %dma_start3A_617 = tpu.memref_slice %arg5[%dma_start3A, %arg1, %dma_start3A_616] : memref<26x16x16384xf32, #tpu.memory_space<hbm>> -> memref<1x1x16384xf32, #tpu.memory_space<hbm>>
      %dma_start3A_618 = tpu.memref_squeeze %dma_start3A_617 : memref<1x1x16384xf32, #tpu.memory_space<hbm>> -> memref<16384xf32, #tpu.memory_space<hbm>>
      tpu.enqueue_dma source(%arg10 : memref<16384xf32, #tpu.memory_space<vmem>>) target(%dma_start3A_618 : memref<16384xf32, #tpu.memory_space<hbm>>) target_semaphore(%arg16 : memref<!tpu.dma_semaphore, #tpu.memory_space<semaphore_mem>>)
    } else {
    }
    %dma_wait3A_93 = arith.constant 0 : i32
    %dma_wait3A_94 = tpu.memref_slice %arg6[%dma_wait3A_93] : memref<38720xf32, #tpu.memory_space<vmem>> -> memref<38656xf32, #tpu.memory_space<vmem>>
    %dma_wait3A_95 = arith.constant 0 : i32
    %dma_wait3A_96 = tpu.memref_slice %arg3[%arg1, %dma_wait3A_95] : memref<16x999986xf32, #tpu.memory_space<hbm>> -> memref<1x38656xf32, #tpu.memory_space<hbm>>
    %dma_wait3A_97 = tpu.memref_squeeze %dma_wait3A_96 : memref<1x38656xf32, #tpu.memory_space<hbm>> -> memref<38656xf32, #tpu.memory_space<hbm>>
    %dma_wait3A_98 = arith.constant 0 : i32
    %dma_wait3A_99 = tpu.memref_slice %arg6[%dma_wait3A_98] : memref<38720xf32, #tpu.memory_space<vmem>> -> memref<38656xf32, #tpu.memory_space<vmem>>
    %dma_wait3A_100 = arith.constant 0 : i32
    %dma_wait3A_101 = tpu.memref_slice %arg3[%arg1, %dma_wait3A_100] : memref<16x999986xf32, #tpu.memory_space<hbm>> -> memref<1x38656xf32, #tpu.memory_space<hbm>>
    %dma_wait3A_102 = tpu.memref_squeeze %dma_wait3A_101 : memref<1x38656xf32, #tpu.memory_space<hbm>> -> memref<38656xf32, #tpu.memory_space<hbm>>
    tpu.wait_dma2 semaphore(%arg12 : memref<!tpu.dma_semaphore, #tpu.memory_space<semaphore_mem>>) src(%dma_wait3A_102 : memref<38656xf32, #tpu.memory_space<hbm>>) dst(%dma_wait3A_99 : memref<38656xf32, #tpu.memory_space<vmem>>)
    %dma_wait3A_103 = arith.constant 0 : i32
    %dma_wait3A_104 = arith.constant 0 : i32
    %dma_wait3A_105 = tpu.memref_slice %arg2[%dma_wait3A_103, %dma_wait3A_104] : memref<26x16384xi32, #tpu.memory_space<hbm>> -> memref<1x16384xi32, #tpu.memory_space<hbm>>
    %dma_wait3A_106 = tpu.memref_squeeze %dma_wait3A_105 : memref<1x16384xi32, #tpu.memory_space<hbm>> -> memref<16384xi32, #tpu.memory_space<hbm>>
    %dma_wait3A_107 = arith.constant 0 : i32
    %dma_wait3A_108 = tpu.memref_slice %arg2[%dma_wait3A_103, %dma_wait3A_107] : memref<26x16384xi32, #tpu.memory_space<hbm>> -> memref<1x16384xi32, #tpu.memory_space<hbm>>
    %dma_wait3A_109 = tpu.memref_squeeze %dma_wait3A_108 : memref<1x16384xi32, #tpu.memory_space<hbm>> -> memref<16384xi32, #tpu.memory_space<hbm>>
    tpu.wait_dma2 semaphore(%arg14 : memref<!tpu.dma_semaphore, #tpu.memory_space<semaphore_mem>>) src(%dma_wait3A_109 : memref<16384xi32, #tpu.memory_space<hbm>>) dst(%arg8 : memref<16384xi32, #tpu.memory_space<vmem>>)
    %eq3A_110 = arith.constant 0 : i32
    %eq3A_111 = arith.cmpi eq, %arg0, %eq3A_110 : i32
    %convert_element_type3A_112 = arith.extui %eq3A_111 : i1 to i32
    %cond3A_113 = arith.constant 0 : i32
    %cond3A_114 = arith.cmpi ne, %convert_element_type3A_112, %cond3A_113 : i32
    scf.if %cond3A_114 {
      %dma_start3A = arith.constant 0 : i32
      %dma_start3A_613 = tpu.memref_slice %arg7[%dma_start3A] : memref<38720xf32, #tpu.memory_space<vmem>> -> memref<38656xf32, #tpu.memory_space<vmem>>
      %dma_start3A_614 = arith.constant 115328 : i32
      %dma_start3A_615 = tpu.memref_slice %arg3[%arg1, %dma_start3A_614] : memref<16x999986xf32, #tpu.memory_space<hbm>> -> memref<1x38656xf32, #tpu.memory_space<hbm>>
      %dma_start3A_616 = tpu.memref_squeeze %dma_start3A_615 : memref<1x38656xf32, #tpu.memory_space<hbm>> -> memref<38656xf32, #tpu.memory_space<hbm>>
      %dma_start3A_617 = arith.constant 0 : i32
      %dma_start3A_618 = tpu.memref_slice %arg7[%dma_start3A_617] : memref<38720xf32, #tpu.memory_space<vmem>> -> memref<38656xf32, #tpu.memory_space<vmem>>
      %dma_start3A_619 = arith.constant 115328 : i32
      %dma_start3A_620 = tpu.memref_slice %arg3[%arg1, %dma_start3A_619] : memref<16x999986xf32, #tpu.memory_space<hbm>> -> memref<1x38656xf32, #tpu.memory_space<hbm>>
      %dma_start3A_621 = tpu.memref_squeeze %dma_start3A_620 : memref<1x38656xf32, #tpu.memory_space<hbm>> -> memref<38656xf32, #tpu.memory_space<hbm>>
      tpu.enqueue_dma source(%dma_start3A_621 : memref<38656xf32, #tpu.memory_space<hbm>>) target(%dma_start3A_618 : memref<38656xf32, #tpu.memory_space<vmem>>) target_semaphore(%arg13 : memref<!tpu.dma_semaphore, #tpu.memory_space<semaphore_mem>>)
      %dma_start3A_622 = arith.constant 3 : i32
      %dma_start3A_623 = arith.constant 0 : i32
      %dma_start3A_624 = tpu.memref_slice %arg2[%dma_start3A_622, %dma_start3A_623] : memref<26x16384xi32, #tpu.memory_space<hbm>> -> memref<1x16384xi32, #tpu.memory_space<hbm>>
      %dma_start3A_625 = tpu.memref_squeeze %dma_start3A_624 : memref<1x16384xi32, #tpu.memory_space<hbm>> -> memref<16384xi32, #tpu.memory_space<hbm>>
      %dma_start3A_626 = arith.constant 0 : i32
      %dma_start3A_627 = tpu.memref_slice %arg2[%dma_start3A_622, %dma_start3A_626] : memref<26x16384xi32, #tpu.memory_space<hbm>> -> memref<1x16384xi32, #tpu.memory_space<hbm>>
      %dma_start3A_628 = tpu.memref_squeeze %dma_start3A_627 : memref<1x16384xi32, #tpu.memory_space<hbm>> -> memref<16384xi32, #tpu.memory_space<hbm>>
      tpu.enqueue_dma source(%dma_start3A_628 : memref<16384xi32, #tpu.memory_space<hbm>>) target(%arg9 : memref<16384xi32, #tpu.memory_space<vmem>>) target_semaphore(%arg15 : memref<!tpu.dma_semaphore, #tpu.memory_space<semaphore_mem>>)
    } else {
    }
    %eq3A_115 = arith.constant 1 : i32
    %eq3A_116 = arith.cmpi eq, %arg0, %eq3A_115 : i32
    %convert_element_type3A_117 = arith.extui %eq3A_116 : i1 to i32
    %cond3A_118 = arith.constant 0 : i32
    %cond3A_119 = arith.cmpi ne, %convert_element_type3A_117, %cond3A_118 : i32
    scf.if %cond3A_119 {
      %dma_start3A = arith.constant 0 : i32
      %dma_start3A_613 = tpu.memref_slice %arg7[%dma_start3A] : memref<38720xf32, #tpu.memory_space<vmem>> -> memref<38656xf32, #tpu.memory_space<vmem>>
      %dma_start3A_614 = arith.constant 615296 : i32
      %dma_start3A_615 = tpu.memref_slice %arg3[%arg1, %dma_start3A_614] : memref<16x999986xf32, #tpu.memory_space<hbm>> -> memref<1x38656xf32, #tpu.memory_space<hbm>>
      %dma_start3A_616 = tpu.memref_squeeze %dma_start3A_615 : memref<1x38656xf32, #tpu.memory_space<hbm>> -> memref<38656xf32, #tpu.memory_space<hbm>>
      %dma_start3A_617 = arith.constant 0 : i32
      %dma_start3A_618 = tpu.memref_slice %arg7[%dma_start3A_617] : memref<38720xf32, #tpu.memory_space<vmem>> -> memref<38656xf32, #tpu.memory_space<vmem>>
      %dma_start3A_619 = arith.constant 615296 : i32
      %dma_start3A_620 = tpu.memref_slice %arg3[%arg1, %dma_start3A_619] : memref<16x999986xf32, #tpu.memory_space<hbm>> -> memref<1x38656xf32, #tpu.memory_space<hbm>>
      %dma_start3A_621 = tpu.memref_squeeze %dma_start3A_620 : memref<1x38656xf32, #tpu.memory_space<hbm>> -> memref<38656xf32, #tpu.memory_space<hbm>>
      tpu.enqueue_dma source(%dma_start3A_621 : memref<38656xf32, #tpu.memory_space<hbm>>) target(%dma_start3A_618 : memref<38656xf32, #tpu.memory_space<vmem>>) target_semaphore(%arg13 : memref<!tpu.dma_semaphore, #tpu.memory_space<semaphore_mem>>)
      %dma_start3A_622 = arith.constant 16 : i32
      %dma_start3A_623 = arith.constant 0 : i32
      %dma_start3A_624 = tpu.memref_slice %arg2[%dma_start3A_622, %dma_start3A_623] : memref<26x16384xi32, #tpu.memory_space<hbm>> -> memref<1x16384xi32, #tpu.memory_space<hbm>>
      %dma_start3A_625 = tpu.memref_squeeze %dma_start3A_624 : memref<1x16384xi32, #tpu.memory_space<hbm>> -> memref<16384xi32, #tpu.memory_space<hbm>>
      %dma_start3A_626 = arith.constant 0 : i32
      %dma_start3A_627 = tpu.memref_slice %arg2[%dma_start3A_622, %dma_start3A_626] : memref<26x16384xi32, #tpu.memory_space<hbm>> -> memref<1x16384xi32, #tpu.memory_space<hbm>>
      %dma_start3A_628 = tpu.memref_squeeze %dma_start3A_627 : memref<1x16384xi32, #tpu.memory_space<hbm>> -> memref<16384xi32, #tpu.memory_space<hbm>>
      tpu.enqueue_dma source(%dma_start3A_628 : memref<16384xi32, #tpu.memory_space<hbm>>) target(%arg9 : memref<16384xi32, #tpu.memory_space<vmem>>) target_semaphore(%arg15 : memref<!tpu.dma_semaphore, #tpu.memory_space<semaphore_mem>>)
    } else {
    }
    %dma_wait3A_120 = arith.constant 0 : i32
    %dma_wait3A_121 = arith.constant 0 : i32
    %dma_wait3A_122 = tpu.memref_slice %arg5[%dma_wait3A_120, %arg1, %dma_wait3A_121] : memref<26x16x16384xf32, #tpu.memory_space<hbm>> -> memref<1x1x16384xf32, #tpu.memory_space<hbm>>
    %dma_wait3A_123 = tpu.memref_squeeze %dma_wait3A_122 : memref<1x1x16384xf32, #tpu.memory_space<hbm>> -> memref<16384xf32, #tpu.memory_space<hbm>>
    %dma_wait3A_124 = arith.constant 0 : i32
    %dma_wait3A_125 = tpu.memref_slice %arg5[%dma_wait3A_120, %arg1, %dma_wait3A_124] : memref<26x16x16384xf32, #tpu.memory_space<hbm>> -> memref<1x1x16384xf32, #tpu.memory_space<hbm>>
    %dma_wait3A_126 = tpu.memref_squeeze %dma_wait3A_125 : memref<1x1x16384xf32, #tpu.memory_space<hbm>> -> memref<16384xf32, #tpu.memory_space<hbm>>
    tpu.wait_dma2 semaphore(%arg16 : memref<!tpu.dma_semaphore, #tpu.memory_space<semaphore_mem>>) src(%arg10 : memref<16384xf32, #tpu.memory_space<vmem>>) dst(%dma_wait3A_126 : memref<16384xf32, #tpu.memory_space<hbm>>)
    %parallel_loop3A_127 = arith.constant 0 : i32
    %parallel_loop3A_128 = arith.constant 1024 : i32
    %parallel_loop3A_129 = arith.constant 1 : i32
    scf.for %parallel_loop3A_613 = %parallel_loop3A_127 to %parallel_loop3A_128 step %parallel_loop3A_129  : i32 {
      %parallel_loop3A_614 = arith.constant 16 : i32
      %parallel_loop3A_615 = arith.muli %parallel_loop3A_613, %parallel_loop3A_614 : i32
      %parallel_loop3A_616 = arith.index_cast %parallel_loop3A_615 : i32 to index
      %parallel_loop3A_617 = tpu.vector_load %arg8[%parallel_loop3A_616] {strides = array<i32>} : memref<16384xi32, #tpu.memory_space<vmem>>, vector<16xi32>,
      %parallel_loop3A_618 = tpu.vector_load_idx %arg6[%parallel_loop3A_617] : memref<38720xf32, #tpu.memory_space<vmem>>[vector<16xi32>], vector<16xf32>,
      %parallel_loop3A_619 = arith.constant 16 : i32
      %parallel_loop3A_620 = arith.muli %parallel_loop3A_613, %parallel_loop3A_619 : i32
      %parallel_loop3A_621 = arith.index_cast %parallel_loop3A_620 : i32 to index
      %parallel_loop3A_622 = tpu.vector_load %arg10[%parallel_loop3A_621] {strides = array<i32>} : memref<16384xf32, #tpu.memory_space<vmem>>, vector<16xf32>,
      tpu.vector_store %arg10[%parallel_loop3A_621], %parallel_loop3A_618 {strides = array<i32>} : memref<16384xf32, #tpu.memory_space<vmem>>, vector<16xf32>,
    } {sc.loop_unroll_factor = 4 : i64, sc.parallel_access}
    %eq3A_130 = arith.constant 0 : i32
    %eq3A_131 = arith.cmpi eq, %arg0, %eq3A_130 : i32
    %convert_element_type3A_132 = arith.extui %eq3A_131 : i1 to i32
    %cond3A_133 = arith.constant 0 : i32
    %cond3A_134 = arith.cmpi ne, %convert_element_type3A_132, %cond3A_133 : i32
    scf.if %cond3A_134 {
      %dma_start3A = arith.constant 2 : i32
      %dma_start3A_613 = arith.constant 0 : i32
      %dma_start3A_614 = tpu.memref_slice %arg5[%dma_start3A, %arg1, %dma_start3A_613] : memref<26x16x16384xf32, #tpu.memory_space<hbm>> -> memref<1x1x16384xf32, #tpu.memory_space<hbm>>
      %dma_start3A_615 = tpu.memref_squeeze %dma_start3A_614 : memref<1x1x16384xf32, #tpu.memory_space<hbm>> -> memref<16384xf32, #tpu.memory_space<hbm>>
      %dma_start3A_616 = arith.constant 0 : i32
      %dma_start3A_617 = tpu.memref_slice %arg5[%dma_start3A, %arg1, %dma_start3A_616] : memref<26x16x16384xf32, #tpu.memory_space<hbm>> -> memref<1x1x16384xf32, #tpu.memory_space<hbm>>
      %dma_start3A_618 = tpu.memref_squeeze %dma_start3A_617 : memref<1x1x16384xf32, #tpu.memory_space<hbm>> -> memref<16384xf32, #tpu.memory_space<hbm>>
      tpu.enqueue_dma source(%arg10 : memref<16384xf32, #tpu.memory_space<vmem>>) target(%dma_start3A_618 : memref<16384xf32, #tpu.memory_space<hbm>>) target_semaphore(%arg16 : memref<!tpu.dma_semaphore, #tpu.memory_space<semaphore_mem>>)
    } else {
    }
    %eq3A_135 = arith.constant 1 : i32
    %eq3A_136 = arith.cmpi eq, %arg0, %eq3A_135 : i32
    %convert_element_type3A_137 = arith.extui %eq3A_136 : i1 to i32
    %cond3A_138 = arith.constant 0 : i32
    %cond3A_139 = arith.cmpi ne, %convert_element_type3A_137, %cond3A_138 : i32
    scf.if %cond3A_139 {
      %dma_start3A = arith.constant 15 : i32
      %dma_start3A_613 = arith.constant 0 : i32
      %dma_start3A_614 = tpu.memref_slice %arg5[%dma_start3A, %arg1, %dma_start3A_613] : memref<26x16x16384xf32, #tpu.memory_space<hbm>> -> memref<1x1x16384xf32, #tpu.memory_space<hbm>>
      %dma_start3A_615 = tpu.memref_squeeze %dma_start3A_614 : memref<1x1x16384xf32, #tpu.memory_space<hbm>> -> memref<16384xf32, #tpu.memory_space<hbm>>
      %dma_start3A_616 = arith.constant 0 : i32
      %dma_start3A_617 = tpu.memref_slice %arg5[%dma_start3A, %arg1, %dma_start3A_616] : memref<26x16x16384xf32, #tpu.memory_space<hbm>> -> memref<1x1x16384xf32, #tpu.memory_space<hbm>>
      %dma_start3A_618 = tpu.memref_squeeze %dma_start3A_617 : memref<1x1x16384xf32, #tpu.memory_space<hbm>> -> memref<16384xf32, #tpu.memory_space<hbm>>
      tpu.enqueue_dma source(%arg10 : memref<16384xf32, #tpu.memory_space<vmem>>) target(%dma_start3A_618 : memref<16384xf32, #tpu.memory_space<hbm>>) target_semaphore(%arg16 : memref<!tpu.dma_semaphore, #tpu.memory_space<semaphore_mem>>)
    } else {
    }
    %dma_wait3A_140 = arith.constant 0 : i32
    %dma_wait3A_141 = tpu.memref_slice %arg7[%dma_wait3A_140] : memref<38720xf32, #tpu.memory_space<vmem>> -> memref<38656xf32, #tpu.memory_space<vmem>>
    %dma_wait3A_142 = arith.constant 0 : i32
    %dma_wait3A_143 = tpu.memref_slice %arg3[%arg1, %dma_wait3A_142] : memref<16x999986xf32, #tpu.memory_space<hbm>> -> memref<1x38656xf32, #tpu.memory_space<hbm>>
    %dma_wait3A_144 = tpu.memref_squeeze %dma_wait3A_143 : memref<1x38656xf32, #tpu.memory_space<hbm>> -> memref<38656xf32, #tpu.memory_space<hbm>>
    %dma_wait3A_145 = arith.constant 0 : i32
    %dma_wait3A_146 = tpu.memref_slice %arg7[%dma_wait3A_145] : memref<38720xf32, #tpu.memory_space<vmem>> -> memref<38656xf32, #tpu.memory_space<vmem>>
    %dma_wait3A_147 = arith.constant 0 : i32
    %dma_wait3A_148 = tpu.memref_slice %arg3[%arg1, %dma_wait3A_147] : memref<16x999986xf32, #tpu.memory_space<hbm>> -> memref<1x38656xf32, #tpu.memory_space<hbm>>
    %dma_wait3A_149 = tpu.memref_squeeze %dma_wait3A_148 : memref<1x38656xf32, #tpu.memory_space<hbm>> -> memref<38656xf32, #tpu.memory_space<hbm>>
    tpu.wait_dma2 semaphore(%arg13 : memref<!tpu.dma_semaphore, #tpu.memory_space<semaphore_mem>>) src(%dma_wait3A_149 : memref<38656xf32, #tpu.memory_space<hbm>>) dst(%dma_wait3A_146 : memref<38656xf32, #tpu.memory_space<vmem>>)
    %dma_wait3A_150 = arith.constant 0 : i32
    %dma_wait3A_151 = arith.constant 0 : i32
    %dma_wait3A_152 = tpu.memref_slice %arg2[%dma_wait3A_150, %dma_wait3A_151] : memref<26x16384xi32, #tpu.memory_space<hbm>> -> memref<1x16384xi32, #tpu.memory_space<hbm>>
    %dma_wait3A_153 = tpu.memref_squeeze %dma_wait3A_152 : memref<1x16384xi32, #tpu.memory_space<hbm>> -> memref<16384xi32, #tpu.memory_space<hbm>>
    %dma_wait3A_154 = arith.constant 0 : i32
    %dma_wait3A_155 = tpu.memref_slice %arg2[%dma_wait3A_150, %dma_wait3A_154] : memref<26x16384xi32, #tpu.memory_space<hbm>> -> memref<1x16384xi32, #tpu.memory_space<hbm>>
    %dma_wait3A_156 = tpu.memref_squeeze %dma_wait3A_155 : memref<1x16384xi32, #tpu.memory_space<hbm>> -> memref<16384xi32, #tpu.memory_space<hbm>>
    tpu.wait_dma2 semaphore(%arg15 : memref<!tpu.dma_semaphore, #tpu.memory_space<semaphore_mem>>) src(%dma_wait3A_156 : memref<16384xi32, #tpu.memory_space<hbm>>) dst(%arg9 : memref<16384xi32, #tpu.memory_space<vmem>>)
    %eq3A_157 = arith.constant 0 : i32
    %eq3A_158 = arith.cmpi eq, %arg0, %eq3A_157 : i32
    %convert_element_type3A_159 = arith.extui %eq3A_158 : i1 to i32
    %cond3A_160 = arith.constant 0 : i32
    %cond3A_161 = arith.cmpi ne, %convert_element_type3A_159, %cond3A_160 : i32
    scf.if %cond3A_161 {
      %dma_start3A = arith.constant 0 : i32
      %dma_start3A_613 = tpu.memref_slice %arg6[%dma_start3A] : memref<38720xf32, #tpu.memory_space<vmem>> -> memref<38656xf32, #tpu.memory_space<vmem>>
      %dma_start3A_614 = arith.constant 153728 : i32
      %dma_start3A_615 = tpu.memref_slice %arg3[%arg1, %dma_start3A_614] : memref<16x999986xf32, #tpu.memory_space<hbm>> -> memref<1x38656xf32, #tpu.memory_space<hbm>>
      %dma_start3A_616 = tpu.memref_squeeze %dma_start3A_615 : memref<1x38656xf32, #tpu.memory_space<hbm>> -> memref<38656xf32, #tpu.memory_space<hbm>>
      %dma_start3A_617 = arith.constant 0 : i32
      %dma_start3A_618 = tpu.memref_slice %arg6[%dma_start3A_617] : memref<38720xf32, #tpu.memory_space<vmem>> -> memref<38656xf32, #tpu.memory_space<vmem>>
      %dma_start3A_619 = arith.constant 153728 : i32
      %dma_start3A_620 = tpu.memref_slice %arg3[%arg1, %dma_start3A_619] : memref<16x999986xf32, #tpu.memory_space<hbm>> -> memref<1x38656xf32, #tpu.memory_space<hbm>>
      %dma_start3A_621 = tpu.memref_squeeze %dma_start3A_620 : memref<1x38656xf32, #tpu.memory_space<hbm>> -> memref<38656xf32, #tpu.memory_space<hbm>>
      tpu.enqueue_dma source(%dma_start3A_621 : memref<38656xf32, #tpu.memory_space<hbm>>) target(%dma_start3A_618 : memref<38656xf32, #tpu.memory_space<vmem>>) target_semaphore(%arg12 : memref<!tpu.dma_semaphore, #tpu.memory_space<semaphore_mem>>)
      %dma_start3A_622 = arith.constant 4 : i32
      %dma_start3A_623 = arith.constant 0 : i32
      %dma_start3A_624 = tpu.memref_slice %arg2[%dma_start3A_622, %dma_start3A_623] : memref<26x16384xi32, #tpu.memory_space<hbm>> -> memref<1x16384xi32, #tpu.memory_space<hbm>>
      %dma_start3A_625 = tpu.memref_squeeze %dma_start3A_624 : memref<1x16384xi32, #tpu.memory_space<hbm>> -> memref<16384xi32, #tpu.memory_space<hbm>>
      %dma_start3A_626 = arith.constant 0 : i32
      %dma_start3A_627 = tpu.memref_slice %arg2[%dma_start3A_622, %dma_start3A_626] : memref<26x16384xi32, #tpu.memory_space<hbm>> -> memref<1x16384xi32, #tpu.memory_space<hbm>>
      %dma_start3A_628 = tpu.memref_squeeze %dma_start3A_627 : memref<1x16384xi32, #tpu.memory_space<hbm>> -> memref<16384xi32, #tpu.memory_space<hbm>>
      tpu.enqueue_dma source(%dma_start3A_628 : memref<16384xi32, #tpu.memory_space<hbm>>) target(%arg8 : memref<16384xi32, #tpu.memory_space<vmem>>) target_semaphore(%arg14 : memref<!tpu.dma_semaphore, #tpu.memory_space<semaphore_mem>>)
    } else {
    }
    %eq3A_162 = arith.constant 1 : i32
    %eq3A_163 = arith.cmpi eq, %arg0, %eq3A_162 : i32
    %convert_element_type3A_164 = arith.extui %eq3A_163 : i1 to i32
    %cond3A_165 = arith.constant 0 : i32
    %cond3A_166 = arith.cmpi ne, %convert_element_type3A_164, %cond3A_165 : i32
    scf.if %cond3A_166 {
      %dma_start3A = arith.constant 0 : i32
      %dma_start3A_613 = tpu.memref_slice %arg6[%dma_start3A] : memref<38720xf32, #tpu.memory_space<vmem>> -> memref<38656xf32, #tpu.memory_space<vmem>>
      %dma_start3A_614 = arith.constant 653824 : i32
      %dma_start3A_615 = tpu.memref_slice %arg3[%arg1, %dma_start3A_614] : memref<16x999986xf32, #tpu.memory_space<hbm>> -> memref<1x38656xf32, #tpu.memory_space<hbm>>
      %dma_start3A_616 = tpu.memref_squeeze %dma_start3A_615 : memref<1x38656xf32, #tpu.memory_space<hbm>> -> memref<38656xf32, #tpu.memory_space<hbm>>
      %dma_start3A_617 = arith.constant 0 : i32
      %dma_start3A_618 = tpu.memref_slice %arg6[%dma_start3A_617] : memref<38720xf32, #tpu.memory_space<vmem>> -> memref<38656xf32, #tpu.memory_space<vmem>>
      %dma_start3A_619 = arith.constant 653824 : i32
      %dma_start3A_620 = tpu.memref_slice %arg3[%arg1, %dma_start3A_619] : memref<16x999986xf32, #tpu.memory_space<hbm>> -> memref<1x38656xf32, #tpu.memory_space<hbm>>
      %dma_start3A_621 = tpu.memref_squeeze %dma_start3A_620 : memref<1x38656xf32, #tpu.memory_space<hbm>> -> memref<38656xf32, #tpu.memory_space<hbm>>
      tpu.enqueue_dma source(%dma_start3A_621 : memref<38656xf32, #tpu.memory_space<hbm>>) target(%dma_start3A_618 : memref<38656xf32, #tpu.memory_space<vmem>>) target_semaphore(%arg12 : memref<!tpu.dma_semaphore, #tpu.memory_space<semaphore_mem>>)
      %dma_start3A_622 = arith.constant 17 : i32
      %dma_start3A_623 = arith.constant 0 : i32
      %dma_start3A_624 = tpu.memref_slice %arg2[%dma_start3A_622, %dma_start3A_623] : memref<26x16384xi32, #tpu.memory_space<hbm>> -> memref<1x16384xi32, #tpu.memory_space<hbm>>
      %dma_start3A_625 = tpu.memref_squeeze %dma_start3A_624 : memref<1x16384xi32, #tpu.memory_space<hbm>> -> memref<16384xi32, #tpu.memory_space<hbm>>
      %dma_start3A_626 = arith.constant 0 : i32
      %dma_start3A_627 = tpu.memref_slice %arg2[%dma_start3A_622, %dma_start3A_626] : memref<26x16384xi32, #tpu.memory_space<hbm>> -> memref<1x16384xi32, #tpu.memory_space<hbm>>
      %dma_start3A_628 = tpu.memref_squeeze %dma_start3A_627 : memref<1x16384xi32, #tpu.memory_space<hbm>> -> memref<16384xi32, #tpu.memory_space<hbm>>
      tpu.enqueue_dma source(%dma_start3A_628 : memref<16384xi32, #tpu.memory_space<hbm>>) target(%arg8 : memref<16384xi32, #tpu.memory_space<vmem>>) target_semaphore(%arg14 : memref<!tpu.dma_semaphore, #tpu.memory_space<semaphore_mem>>)
    } else {
    }
    %dma_wait3A_167 = arith.constant 0 : i32
    %dma_wait3A_168 = arith.constant 0 : i32
    %dma_wait3A_169 = tpu.memref_slice %arg5[%dma_wait3A_167, %arg1, %dma_wait3A_168] : memref<26x16x16384xf32, #tpu.memory_space<hbm>> -> memref<1x1x16384xf32, #tpu.memory_space<hbm>>
    %dma_wait3A_170 = tpu.memref_squeeze %dma_wait3A_169 : memref<1x1x16384xf32, #tpu.memory_space<hbm>> -> memref<16384xf32, #tpu.memory_space<hbm>>
    %dma_wait3A_171 = arith.constant 0 : i32
    %dma_wait3A_172 = tpu.memref_slice %arg5[%dma_wait3A_167, %arg1, %dma_wait3A_171] : memref<26x16x16384xf32, #tpu.memory_space<hbm>> -> memref<1x1x16384xf32, #tpu.memory_space<hbm>>
    %dma_wait3A_173 = tpu.memref_squeeze %dma_wait3A_172 : memref<1x1x16384xf32, #tpu.memory_space<hbm>> -> memref<16384xf32, #tpu.memory_space<hbm>>
    tpu.wait_dma2 semaphore(%arg16 : memref<!tpu.dma_semaphore, #tpu.memory_space<semaphore_mem>>) src(%arg10 : memref<16384xf32, #tpu.memory_space<vmem>>) dst(%dma_wait3A_173 : memref<16384xf32, #tpu.memory_space<hbm>>)
    %parallel_loop3A_174 = arith.constant 0 : i32
    %parallel_loop3A_175 = arith.constant 1024 : i32
    %parallel_loop3A_176 = arith.constant 1 : i32
    scf.for %parallel_loop3A_613 = %parallel_loop3A_174 to %parallel_loop3A_175 step %parallel_loop3A_176  : i32 {
      %parallel_loop3A_614 = arith.constant 16 : i32
      %parallel_loop3A_615 = arith.muli %parallel_loop3A_613, %parallel_loop3A_614 : i32
      %parallel_loop3A_616 = arith.index_cast %parallel_loop3A_615 : i32 to index
      %parallel_loop3A_617 = tpu.vector_load %arg9[%parallel_loop3A_616] {strides = array<i32>} : memref<16384xi32, #tpu.memory_space<vmem>>, vector<16xi32>,
      %parallel_loop3A_618 = tpu.vector_load_idx %arg7[%parallel_loop3A_617] : memref<38720xf32, #tpu.memory_space<vmem>>[vector<16xi32>], vector<16xf32>,
      %parallel_loop3A_619 = arith.constant 16 : i32
      %parallel_loop3A_620 = arith.muli %parallel_loop3A_613, %parallel_loop3A_619 : i32
      %parallel_loop3A_621 = arith.index_cast %parallel_loop3A_620 : i32 to index
      %parallel_loop3A_622 = tpu.vector_load %arg10[%parallel_loop3A_621] {strides = array<i32>} : memref<16384xf32, #tpu.memory_space<vmem>>, vector<16xf32>,
      tpu.vector_store %arg10[%parallel_loop3A_621], %parallel_loop3A_618 {strides = array<i32>} : memref<16384xf32, #tpu.memory_space<vmem>>, vector<16xf32>,
    } {sc.loop_unroll_factor = 4 : i64, sc.parallel_access}
    %eq3A_177 = arith.constant 0 : i32
    %eq3A_178 = arith.cmpi eq, %arg0, %eq3A_177 : i32
    %convert_element_type3A_179 = arith.extui %eq3A_178 : i1 to i32
    %cond3A_180 = arith.constant 0 : i32
    %cond3A_181 = arith.cmpi ne, %convert_element_type3A_179, %cond3A_180 : i32
    scf.if %cond3A_181 {
      %dma_start3A = arith.constant 3 : i32
      %dma_start3A_613 = arith.constant 0 : i32
      %dma_start3A_614 = tpu.memref_slice %arg5[%dma_start3A, %arg1, %dma_start3A_613] : memref<26x16x16384xf32, #tpu.memory_space<hbm>> -> memref<1x1x16384xf32, #tpu.memory_space<hbm>>
      %dma_start3A_615 = tpu.memref_squeeze %dma_start3A_614 : memref<1x1x16384xf32, #tpu.memory_space<hbm>> -> memref<16384xf32, #tpu.memory_space<hbm>>
      %dma_start3A_616 = arith.constant 0 : i32
      %dma_start3A_617 = tpu.memref_slice %arg5[%dma_start3A, %arg1, %dma_start3A_616] : memref<26x16x16384xf32, #tpu.memory_space<hbm>> -> memref<1x1x16384xf32, #tpu.memory_space<hbm>>
      %dma_start3A_618 = tpu.memref_squeeze %dma_start3A_617 : memref<1x1x16384xf32, #tpu.memory_space<hbm>> -> memref<16384xf32, #tpu.memory_space<hbm>>
      tpu.enqueue_dma source(%arg10 : memref<16384xf32, #tpu.memory_space<vmem>>) target(%dma_start3A_618 : memref<16384xf32, #tpu.memory_space<hbm>>) target_semaphore(%arg16 : memref<!tpu.dma_semaphore, #tpu.memory_space<semaphore_mem>>)
    } else {
    }
    %eq3A_182 = arith.constant 1 : i32
    %eq3A_183 = arith.cmpi eq, %arg0, %eq3A_182 : i32
    %convert_element_type3A_184 = arith.extui %eq3A_183 : i1 to i32
    %cond3A_185 = arith.constant 0 : i32
    %cond3A_186 = arith.cmpi ne, %convert_element_type3A_184, %cond3A_185 : i32
    scf.if %cond3A_186 {
      %dma_start3A = arith.constant 16 : i32
      %dma_start3A_613 = arith.constant 0 : i32
      %dma_start3A_614 = tpu.memref_slice %arg5[%dma_start3A, %arg1, %dma_start3A_613] : memref<26x16x16384xf32, #tpu.memory_space<hbm>> -> memref<1x1x16384xf32, #tpu.memory_space<hbm>>
      %dma_start3A_615 = tpu.memref_squeeze %dma_start3A_614 : memref<1x1x16384xf32, #tpu.memory_space<hbm>> -> memref<16384xf32, #tpu.memory_space<hbm>>
      %dma_start3A_616 = arith.constant 0 : i32
      %dma_start3A_617 = tpu.memref_slice %arg5[%dma_start3A, %arg1, %dma_start3A_616] : memref<26x16x16384xf32, #tpu.memory_space<hbm>> -> memref<1x1x16384xf32, #tpu.memory_space<hbm>>
      %dma_start3A_618 = tpu.memref_squeeze %dma_start3A_617 : memref<1x1x16384xf32, #tpu.memory_space<hbm>> -> memref<16384xf32, #tpu.memory_space<hbm>>
      tpu.enqueue_dma source(%arg10 : memref<16384xf32, #tpu.memory_space<vmem>>) target(%dma_start3A_618 : memref<16384xf32, #tpu.memory_space<hbm>>) target_semaphore(%arg16 : memref<!tpu.dma_semaphore, #tpu.memory_space<semaphore_mem>>)
    } else {
    }
    %dma_wait3A_187 = arith.constant 0 : i32
    %dma_wait3A_188 = tpu.memref_slice %arg6[%dma_wait3A_187] : memref<38720xf32, #tpu.memory_space<vmem>> -> memref<38656xf32, #tpu.memory_space<vmem>>
    %dma_wait3A_189 = arith.constant 0 : i32
    %dma_wait3A_190 = tpu.memref_slice %arg3[%arg1, %dma_wait3A_189] : memref<16x999986xf32, #tpu.memory_space<hbm>> -> memref<1x38656xf32, #tpu.memory_space<hbm>>
    %dma_wait3A_191 = tpu.memref_squeeze %dma_wait3A_190 : memref<1x38656xf32, #tpu.memory_space<hbm>> -> memref<38656xf32, #tpu.memory_space<hbm>>
    %dma_wait3A_192 = arith.constant 0 : i32
    %dma_wait3A_193 = tpu.memref_slice %arg6[%dma_wait3A_192] : memref<38720xf32, #tpu.memory_space<vmem>> -> memref<38656xf32, #tpu.memory_space<vmem>>
    %dma_wait3A_194 = arith.constant 0 : i32
    %dma_wait3A_195 = tpu.memref_slice %arg3[%arg1, %dma_wait3A_194] : memref<16x999986xf32, #tpu.memory_space<hbm>> -> memref<1x38656xf32, #tpu.memory_space<hbm>>
    %dma_wait3A_196 = tpu.memref_squeeze %dma_wait3A_195 : memref<1x38656xf32, #tpu.memory_space<hbm>> -> memref<38656xf32, #tpu.memory_space<hbm>>
    tpu.wait_dma2 semaphore(%arg12 : memref<!tpu.dma_semaphore, #tpu.memory_space<semaphore_mem>>) src(%dma_wait3A_196 : memref<38656xf32, #tpu.memory_space<hbm>>) dst(%dma_wait3A_193 : memref<38656xf32, #tpu.memory_space<vmem>>)
    %dma_wait3A_197 = arith.constant 0 : i32
    %dma_wait3A_198 = arith.constant 0 : i32
    %dma_wait3A_199 = tpu.memref_slice %arg2[%dma_wait3A_197, %dma_wait3A_198] : memref<26x16384xi32, #tpu.memory_space<hbm>> -> memref<1x16384xi32, #tpu.memory_space<hbm>>
    %dma_wait3A_200 = tpu.memref_squeeze %dma_wait3A_199 : memref<1x16384xi32, #tpu.memory_space<hbm>> -> memref<16384xi32, #tpu.memory_space<hbm>>
    %dma_wait3A_201 = arith.constant 0 : i32
    %dma_wait3A_202 = tpu.memref_slice %arg2[%dma_wait3A_197, %dma_wait3A_201] : memref<26x16384xi32, #tpu.memory_space<hbm>> -> memref<1x16384xi32, #tpu.memory_space<hbm>>
    %dma_wait3A_203 = tpu.memref_squeeze %dma_wait3A_202 : memref<1x16384xi32, #tpu.memory_space<hbm>> -> memref<16384xi32, #tpu.memory_space<hbm>>
    tpu.wait_dma2 semaphore(%arg14 : memref<!tpu.dma_semaphore, #tpu.memory_space<semaphore_mem>>) src(%dma_wait3A_203 : memref<16384xi32, #tpu.memory_space<hbm>>) dst(%arg8 : memref<16384xi32, #tpu.memory_space<vmem>>)
    %eq3A_204 = arith.constant 0 : i32
    %eq3A_205 = arith.cmpi eq, %arg0, %eq3A_204 : i32
    %convert_element_type3A_206 = arith.extui %eq3A_205 : i1 to i32
    %cond3A_207 = arith.constant 0 : i32
    %cond3A_208 = arith.cmpi ne, %convert_element_type3A_206, %cond3A_207 : i32
    scf.if %cond3A_208 {
      %dma_start3A = arith.constant 0 : i32
      %dma_start3A_613 = tpu.memref_slice %arg7[%dma_start3A] : memref<38720xf32, #tpu.memory_space<vmem>> -> memref<38656xf32, #tpu.memory_space<vmem>>
      %dma_start3A_614 = arith.constant 192256 : i32
      %dma_start3A_615 = tpu.memref_slice %arg3[%arg1, %dma_start3A_614] : memref<16x999986xf32, #tpu.memory_space<hbm>> -> memref<1x38656xf32, #tpu.memory_space<hbm>>
      %dma_start3A_616 = tpu.memref_squeeze %dma_start3A_615 : memref<1x38656xf32, #tpu.memory_space<hbm>> -> memref<38656xf32, #tpu.memory_space<hbm>>
      %dma_start3A_617 = arith.constant 0 : i32
      %dma_start3A_618 = tpu.memref_slice %arg7[%dma_start3A_617] : memref<38720xf32, #tpu.memory_space<vmem>> -> memref<38656xf32, #tpu.memory_space<vmem>>
      %dma_start3A_619 = arith.constant 192256 : i32
      %dma_start3A_620 = tpu.memref_slice %arg3[%arg1, %dma_start3A_619] : memref<16x999986xf32, #tpu.memory_space<hbm>> -> memref<1x38656xf32, #tpu.memory_space<hbm>>
      %dma_start3A_621 = tpu.memref_squeeze %dma_start3A_620 : memref<1x38656xf32, #tpu.memory_space<hbm>> -> memref<38656xf32, #tpu.memory_space<hbm>>
      tpu.enqueue_dma source(%dma_start3A_621 : memref<38656xf32, #tpu.memory_space<hbm>>) target(%dma_start3A_618 : memref<38656xf32, #tpu.memory_space<vmem>>) target_semaphore(%arg13 : memref<!tpu.dma_semaphore, #tpu.memory_space<semaphore_mem>>)
      %dma_start3A_622 = arith.constant 5 : i32
      %dma_start3A_623 = arith.constant 0 : i32
      %dma_start3A_624 = tpu.memref_slice %arg2[%dma_start3A_622, %dma_start3A_623] : memref<26x16384xi32, #tpu.memory_space<hbm>> -> memref<1x16384xi32, #tpu.memory_space<hbm>>
      %dma_start3A_625 = tpu.memref_squeeze %dma_start3A_624 : memref<1x16384xi32, #tpu.memory_space<hbm>> -> memref<16384xi32, #tpu.memory_space<hbm>>
      %dma_start3A_626 = arith.constant 0 : i32
      %dma_start3A_627 = tpu.memref_slice %arg2[%dma_start3A_622, %dma_start3A_626] : memref<26x16384xi32, #tpu.memory_space<hbm>> -> memref<1x16384xi32, #tpu.memory_space<hbm>>
      %dma_start3A_628 = tpu.memref_squeeze %dma_start3A_627 : memref<1x16384xi32, #tpu.memory_space<hbm>> -> memref<16384xi32, #tpu.memory_space<hbm>>
      tpu.enqueue_dma source(%dma_start3A_628 : memref<16384xi32, #tpu.memory_space<hbm>>) target(%arg9 : memref<16384xi32, #tpu.memory_space<vmem>>) target_semaphore(%arg15 : memref<!tpu.dma_semaphore, #tpu.memory_space<semaphore_mem>>)
    } else {
    }
    %eq3A_209 = arith.constant 1 : i32
    %eq3A_210 = arith.cmpi eq, %arg0, %eq3A_209 : i32
    %convert_element_type3A_211 = arith.extui %eq3A_210 : i1 to i32
    %cond3A_212 = arith.constant 0 : i32
    %cond3A_213 = arith.cmpi ne, %convert_element_type3A_211, %cond3A_212 : i32
    scf.if %cond3A_213 {
      %dma_start3A = arith.constant 0 : i32
      %dma_start3A_613 = tpu.memref_slice %arg7[%dma_start3A] : memref<38720xf32, #tpu.memory_space<vmem>> -> memref<38656xf32, #tpu.memory_space<vmem>>
      %dma_start3A_614 = arith.constant 692224 : i32
      %dma_start3A_615 = tpu.memref_slice %arg3[%arg1, %dma_start3A_614] : memref<16x999986xf32, #tpu.memory_space<hbm>> -> memref<1x38656xf32, #tpu.memory_space<hbm>>
      %dma_start3A_616 = tpu.memref_squeeze %dma_start3A_615 : memref<1x38656xf32, #tpu.memory_space<hbm>> -> memref<38656xf32, #tpu.memory_space<hbm>>
      %dma_start3A_617 = arith.constant 0 : i32
      %dma_start3A_618 = tpu.memref_slice %arg7[%dma_start3A_617] : memref<38720xf32, #tpu.memory_space<vmem>> -> memref<38656xf32, #tpu.memory_space<vmem>>
      %dma_start3A_619 = arith.constant 692224 : i32
      %dma_start3A_620 = tpu.memref_slice %arg3[%arg1, %dma_start3A_619] : memref<16x999986xf32, #tpu.memory_space<hbm>> -> memref<1x38656xf32, #tpu.memory_space<hbm>>
      %dma_start3A_621 = tpu.memref_squeeze %dma_start3A_620 : memref<1x38656xf32, #tpu.memory_space<hbm>> -> memref<38656xf32, #tpu.memory_space<hbm>>
      tpu.enqueue_dma source(%dma_start3A_621 : memref<38656xf32, #tpu.memory_space<hbm>>) target(%dma_start3A_618 : memref<38656xf32, #tpu.memory_space<vmem>>) target_semaphore(%arg13 : memref<!tpu.dma_semaphore, #tpu.memory_space<semaphore_mem>>)
      %dma_start3A_622 = arith.constant 18 : i32
      %dma_start3A_623 = arith.constant 0 : i32
      %dma_start3A_624 = tpu.memref_slice %arg2[%dma_start3A_622, %dma_start3A_623] : memref<26x16384xi32, #tpu.memory_space<hbm>> -> memref<1x16384xi32, #tpu.memory_space<hbm>>
      %dma_start3A_625 = tpu.memref_squeeze %dma_start3A_624 : memref<1x16384xi32, #tpu.memory_space<hbm>> -> memref<16384xi32, #tpu.memory_space<hbm>>
      %dma_start3A_626 = arith.constant 0 : i32
      %dma_start3A_627 = tpu.memref_slice %arg2[%dma_start3A_622, %dma_start3A_626] : memref<26x16384xi32, #tpu.memory_space<hbm>> -> memref<1x16384xi32, #tpu.memory_space<hbm>>
      %dma_start3A_628 = tpu.memref_squeeze %dma_start3A_627 : memref<1x16384xi32, #tpu.memory_space<hbm>> -> memref<16384xi32, #tpu.memory_space<hbm>>
      tpu.enqueue_dma source(%dma_start3A_628 : memref<16384xi32, #tpu.memory_space<hbm>>) target(%arg9 : memref<16384xi32, #tpu.memory_space<vmem>>) target_semaphore(%arg15 : memref<!tpu.dma_semaphore, #tpu.memory_space<semaphore_mem>>)
    } else {
    }
    %dma_wait3A_214 = arith.constant 0 : i32
    %dma_wait3A_215 = arith.constant 0 : i32
    %dma_wait3A_216 = tpu.memref_slice %arg5[%dma_wait3A_214, %arg1, %dma_wait3A_215] : memref<26x16x16384xf32, #tpu.memory_space<hbm>> -> memref<1x1x16384xf32, #tpu.memory_space<hbm>>
    %dma_wait3A_217 = tpu.memref_squeeze %dma_wait3A_216 : memref<1x1x16384xf32, #tpu.memory_space<hbm>> -> memref<16384xf32, #tpu.memory_space<hbm>>
    %dma_wait3A_218 = arith.constant 0 : i32
    %dma_wait3A_219 = tpu.memref_slice %arg5[%dma_wait3A_214, %arg1, %dma_wait3A_218] : memref<26x16x16384xf32, #tpu.memory_space<hbm>> -> memref<1x1x16384xf32, #tpu.memory_space<hbm>>
    %dma_wait3A_220 = tpu.memref_squeeze %dma_wait3A_219 : memref<1x1x16384xf32, #tpu.memory_space<hbm>> -> memref<16384xf32, #tpu.memory_space<hbm>>
    tpu.wait_dma2 semaphore(%arg16 : memref<!tpu.dma_semaphore, #tpu.memory_space<semaphore_mem>>) src(%arg10 : memref<16384xf32, #tpu.memory_space<vmem>>) dst(%dma_wait3A_220 : memref<16384xf32, #tpu.memory_space<hbm>>)
    %parallel_loop3A_221 = arith.constant 0 : i32
    %parallel_loop3A_222 = arith.constant 1024 : i32
    %parallel_loop3A_223 = arith.constant 1 : i32
    scf.for %parallel_loop3A_613 = %parallel_loop3A_221 to %parallel_loop3A_222 step %parallel_loop3A_223  : i32 {
      %parallel_loop3A_614 = arith.constant 16 : i32
      %parallel_loop3A_615 = arith.muli %parallel_loop3A_613, %parallel_loop3A_614 : i32
      %parallel_loop3A_616 = arith.index_cast %parallel_loop3A_615 : i32 to index
      %parallel_loop3A_617 = tpu.vector_load %arg8[%parallel_loop3A_616] {strides = array<i32>} : memref<16384xi32, #tpu.memory_space<vmem>>, vector<16xi32>,
      %parallel_loop3A_618 = tpu.vector_load_idx %arg6[%parallel_loop3A_617] : memref<38720xf32, #tpu.memory_space<vmem>>[vector<16xi32>], vector<16xf32>,
      %parallel_loop3A_619 = arith.constant 16 : i32
      %parallel_loop3A_620 = arith.muli %parallel_loop3A_613, %parallel_loop3A_619 : i32
      %parallel_loop3A_621 = arith.index_cast %parallel_loop3A_620 : i32 to index
      %parallel_loop3A_622 = tpu.vector_load %arg10[%parallel_loop3A_621] {strides = array<i32>} : memref<16384xf32, #tpu.memory_space<vmem>>, vector<16xf32>,
      tpu.vector_store %arg10[%parallel_loop3A_621], %parallel_loop3A_618 {strides = array<i32>} : memref<16384xf32, #tpu.memory_space<vmem>>, vector<16xf32>,
    } {sc.loop_unroll_factor = 4 : i64, sc.parallel_access}
    %eq3A_224 = arith.constant 0 : i32
    %eq3A_225 = arith.cmpi eq, %arg0, %eq3A_224 : i32
    %convert_element_type3A_226 = arith.extui %eq3A_225 : i1 to i32
    %cond3A_227 = arith.constant 0 : i32
    %cond3A_228 = arith.cmpi ne, %convert_element_type3A_226, %cond3A_227 : i32
    scf.if %cond3A_228 {
      %dma_start3A = arith.constant 4 : i32
      %dma_start3A_613 = arith.constant 0 : i32
      %dma_start3A_614 = tpu.memref_slice %arg5[%dma_start3A, %arg1, %dma_start3A_613] : memref<26x16x16384xf32, #tpu.memory_space<hbm>> -> memref<1x1x16384xf32, #tpu.memory_space<hbm>>
      %dma_start3A_615 = tpu.memref_squeeze %dma_start3A_614 : memref<1x1x16384xf32, #tpu.memory_space<hbm>> -> memref<16384xf32, #tpu.memory_space<hbm>>
      %dma_start3A_616 = arith.constant 0 : i32
      %dma_start3A_617 = tpu.memref_slice %arg5[%dma_start3A, %arg1, %dma_start3A_616] : memref<26x16x16384xf32, #tpu.memory_space<hbm>> -> memref<1x1x16384xf32, #tpu.memory_space<hbm>>
      %dma_start3A_618 = tpu.memref_squeeze %dma_start3A_617 : memref<1x1x16384xf32, #tpu.memory_space<hbm>> -> memref<16384xf32, #tpu.memory_space<hbm>>
      tpu.enqueue_dma source(%arg10 : memref<16384xf32, #tpu.memory_space<vmem>>) target(%dma_start3A_618 : memref<16384xf32, #tpu.memory_space<hbm>>) target_semaphore(%arg16 : memref<!tpu.dma_semaphore, #tpu.memory_space<semaphore_mem>>)
    } else {
    }
    %eq3A_229 = arith.constant 1 : i32
    %eq3A_230 = arith.cmpi eq, %arg0, %eq3A_229 : i32
    %convert_element_type3A_231 = arith.extui %eq3A_230 : i1 to i32
    %cond3A_232 = arith.constant 0 : i32
    %cond3A_233 = arith.cmpi ne, %convert_element_type3A_231, %cond3A_232 : i32
    scf.if %cond3A_233 {
      %dma_start3A = arith.constant 17 : i32
      %dma_start3A_613 = arith.constant 0 : i32
      %dma_start3A_614 = tpu.memref_slice %arg5[%dma_start3A, %arg1, %dma_start3A_613] : memref<26x16x16384xf32, #tpu.memory_space<hbm>> -> memref<1x1x16384xf32, #tpu.memory_space<hbm>>
      %dma_start3A_615 = tpu.memref_squeeze %dma_start3A_614 : memref<1x1x16384xf32, #tpu.memory_space<hbm>> -> memref<16384xf32, #tpu.memory_space<hbm>>
      %dma_start3A_616 = arith.constant 0 : i32
      %dma_start3A_617 = tpu.memref_slice %arg5[%dma_start3A, %arg1, %dma_start3A_616] : memref<26x16x16384xf32, #tpu.memory_space<hbm>> -> memref<1x1x16384xf32, #tpu.memory_space<hbm>>
      %dma_start3A_618 = tpu.memref_squeeze %dma_start3A_617 : memref<1x1x16384xf32, #tpu.memory_space<hbm>> -> memref<16384xf32, #tpu.memory_space<hbm>>
      tpu.enqueue_dma source(%arg10 : memref<16384xf32, #tpu.memory_space<vmem>>) target(%dma_start3A_618 : memref<16384xf32, #tpu.memory_space<hbm>>) target_semaphore(%arg16 : memref<!tpu.dma_semaphore, #tpu.memory_space<semaphore_mem>>)
    } else {
    }
    %dma_wait3A_234 = arith.constant 0 : i32
    %dma_wait3A_235 = tpu.memref_slice %arg7[%dma_wait3A_234] : memref<38720xf32, #tpu.memory_space<vmem>> -> memref<38656xf32, #tpu.memory_space<vmem>>
    %dma_wait3A_236 = arith.constant 0 : i32
    %dma_wait3A_237 = tpu.memref_slice %arg3[%arg1, %dma_wait3A_236] : memref<16x999986xf32, #tpu.memory_space<hbm>> -> memref<1x38656xf32, #tpu.memory_space<hbm>>
    %dma_wait3A_238 = tpu.memref_squeeze %dma_wait3A_237 : memref<1x38656xf32, #tpu.memory_space<hbm>> -> memref<38656xf32, #tpu.memory_space<hbm>>
    %dma_wait3A_239 = arith.constant 0 : i32
    %dma_wait3A_240 = tpu.memref_slice %arg7[%dma_wait3A_239] : memref<38720xf32, #tpu.memory_space<vmem>> -> memref<38656xf32, #tpu.memory_space<vmem>>
    %dma_wait3A_241 = arith.constant 0 : i32
    %dma_wait3A_242 = tpu.memref_slice %arg3[%arg1, %dma_wait3A_241] : memref<16x999986xf32, #tpu.memory_space<hbm>> -> memref<1x38656xf32, #tpu.memory_space<hbm>>
    %dma_wait3A_243 = tpu.memref_squeeze %dma_wait3A_242 : memref<1x38656xf32, #tpu.memory_space<hbm>> -> memref<38656xf32, #tpu.memory_space<hbm>>
    tpu.wait_dma2 semaphore(%arg13 : memref<!tpu.dma_semaphore, #tpu.memory_space<semaphore_mem>>) src(%dma_wait3A_243 : memref<38656xf32, #tpu.memory_space<hbm>>) dst(%dma_wait3A_240 : memref<38656xf32, #tpu.memory_space<vmem>>)
    %dma_wait3A_244 = arith.constant 0 : i32
    %dma_wait3A_245 = arith.constant 0 : i32
    %dma_wait3A_246 = tpu.memref_slice %arg2[%dma_wait3A_244, %dma_wait3A_245] : memref<26x16384xi32, #tpu.memory_space<hbm>> -> memref<1x16384xi32, #tpu.memory_space<hbm>>
    %dma_wait3A_247 = tpu.memref_squeeze %dma_wait3A_246 : memref<1x16384xi32, #tpu.memory_space<hbm>> -> memref<16384xi32, #tpu.memory_space<hbm>>
    %dma_wait3A_248 = arith.constant 0 : i32
    %dma_wait3A_249 = tpu.memref_slice %arg2[%dma_wait3A_244, %dma_wait3A_248] : memref<26x16384xi32, #tpu.memory_space<hbm>> -> memref<1x16384xi32, #tpu.memory_space<hbm>>
    %dma_wait3A_250 = tpu.memref_squeeze %dma_wait3A_249 : memref<1x16384xi32, #tpu.memory_space<hbm>> -> memref<16384xi32, #tpu.memory_space<hbm>>
    tpu.wait_dma2 semaphore(%arg15 : memref<!tpu.dma_semaphore, #tpu.memory_space<semaphore_mem>>) src(%dma_wait3A_250 : memref<16384xi32, #tpu.memory_space<hbm>>) dst(%arg9 : memref<16384xi32, #tpu.memory_space<vmem>>)
    %eq3A_251 = arith.constant 0 : i32
    %eq3A_252 = arith.cmpi eq, %arg0, %eq3A_251 : i32
    %convert_element_type3A_253 = arith.extui %eq3A_252 : i1 to i32
    %cond3A_254 = arith.constant 0 : i32
    %cond3A_255 = arith.cmpi ne, %convert_element_type3A_253, %cond3A_254 : i32
    scf.if %cond3A_255 {
      %dma_start3A = arith.constant 0 : i32
      %dma_start3A_613 = tpu.memref_slice %arg6[%dma_start3A] : memref<38720xf32, #tpu.memory_space<vmem>> -> memref<38656xf32, #tpu.memory_space<vmem>>
      %dma_start3A_614 = arith.constant 230656 : i32
      %dma_start3A_615 = tpu.memref_slice %arg3[%arg1, %dma_start3A_614] : memref<16x999986xf32, #tpu.memory_space<hbm>> -> memref<1x38656xf32, #tpu.memory_space<hbm>>
      %dma_start3A_616 = tpu.memref_squeeze %dma_start3A_615 : memref<1x38656xf32, #tpu.memory_space<hbm>> -> memref<38656xf32, #tpu.memory_space<hbm>>
      %dma_start3A_617 = arith.constant 0 : i32
      %dma_start3A_618 = tpu.memref_slice %arg6[%dma_start3A_617] : memref<38720xf32, #tpu.memory_space<vmem>> -> memref<38656xf32, #tpu.memory_space<vmem>>
      %dma_start3A_619 = arith.constant 230656 : i32
      %dma_start3A_620 = tpu.memref_slice %arg3[%arg1, %dma_start3A_619] : memref<16x999986xf32, #tpu.memory_space<hbm>> -> memref<1x38656xf32, #tpu.memory_space<hbm>>
      %dma_start3A_621 = tpu.memref_squeeze %dma_start3A_620 : memref<1x38656xf32, #tpu.memory_space<hbm>> -> memref<38656xf32, #tpu.memory_space<hbm>>
      tpu.enqueue_dma source(%dma_start3A_621 : memref<38656xf32, #tpu.memory_space<hbm>>) target(%dma_start3A_618 : memref<38656xf32, #tpu.memory_space<vmem>>) target_semaphore(%arg12 : memref<!tpu.dma_semaphore, #tpu.memory_space<semaphore_mem>>)
      %dma_start3A_622 = arith.constant 6 : i32
      %dma_start3A_623 = arith.constant 0 : i32
      %dma_start3A_624 = tpu.memref_slice %arg2[%dma_start3A_622, %dma_start3A_623] : memref<26x16384xi32, #tpu.memory_space<hbm>> -> memref<1x16384xi32, #tpu.memory_space<hbm>>
      %dma_start3A_625 = tpu.memref_squeeze %dma_start3A_624 : memref<1x16384xi32, #tpu.memory_space<hbm>> -> memref<16384xi32, #tpu.memory_space<hbm>>
      %dma_start3A_626 = arith.constant 0 : i32
      %dma_start3A_627 = tpu.memref_slice %arg2[%dma_start3A_622, %dma_start3A_626] : memref<26x16384xi32, #tpu.memory_space<hbm>> -> memref<1x16384xi32, #tpu.memory_space<hbm>>
      %dma_start3A_628 = tpu.memref_squeeze %dma_start3A_627 : memref<1x16384xi32, #tpu.memory_space<hbm>> -> memref<16384xi32, #tpu.memory_space<hbm>>
      tpu.enqueue_dma source(%dma_start3A_628 : memref<16384xi32, #tpu.memory_space<hbm>>) target(%arg8 : memref<16384xi32, #tpu.memory_space<vmem>>) target_semaphore(%arg14 : memref<!tpu.dma_semaphore, #tpu.memory_space<semaphore_mem>>)
    } else {
    }
    %eq3A_256 = arith.constant 1 : i32
    %eq3A_257 = arith.cmpi eq, %arg0, %eq3A_256 : i32
    %convert_element_type3A_258 = arith.extui %eq3A_257 : i1 to i32
    %cond3A_259 = arith.constant 0 : i32
    %cond3A_260 = arith.cmpi ne, %convert_element_type3A_258, %cond3A_259 : i32
    scf.if %cond3A_260 {
      %dma_start3A = arith.constant 0 : i32
      %dma_start3A_613 = tpu.memref_slice %arg6[%dma_start3A] : memref<38720xf32, #tpu.memory_space<vmem>> -> memref<38656xf32, #tpu.memory_space<vmem>>
      %dma_start3A_614 = arith.constant 730752 : i32
      %dma_start3A_615 = tpu.memref_slice %arg3[%arg1, %dma_start3A_614] : memref<16x999986xf32, #tpu.memory_space<hbm>> -> memref<1x38656xf32, #tpu.memory_space<hbm>>
      %dma_start3A_616 = tpu.memref_squeeze %dma_start3A_615 : memref<1x38656xf32, #tpu.memory_space<hbm>> -> memref<38656xf32, #tpu.memory_space<hbm>>
      %dma_start3A_617 = arith.constant 0 : i32
      %dma_start3A_618 = tpu.memref_slice %arg6[%dma_start3A_617] : memref<38720xf32, #tpu.memory_space<vmem>> -> memref<38656xf32, #tpu.memory_space<vmem>>
      %dma_start3A_619 = arith.constant 730752 : i32
      %dma_start3A_620 = tpu.memref_slice %arg3[%arg1, %dma_start3A_619] : memref<16x999986xf32, #tpu.memory_space<hbm>> -> memref<1x38656xf32, #tpu.memory_space<hbm>>
      %dma_start3A_621 = tpu.memref_squeeze %dma_start3A_620 : memref<1x38656xf32, #tpu.memory_space<hbm>> -> memref<38656xf32, #tpu.memory_space<hbm>>
      tpu.enqueue_dma source(%dma_start3A_621 : memref<38656xf32, #tpu.memory_space<hbm>>) target(%dma_start3A_618 : memref<38656xf32, #tpu.memory_space<vmem>>) target_semaphore(%arg12 : memref<!tpu.dma_semaphore, #tpu.memory_space<semaphore_mem>>)
      %dma_start3A_622 = arith.constant 19 : i32
      %dma_start3A_623 = arith.constant 0 : i32
      %dma_start3A_624 = tpu.memref_slice %arg2[%dma_start3A_622, %dma_start3A_623] : memref<26x16384xi32, #tpu.memory_space<hbm>> -> memref<1x16384xi32, #tpu.memory_space<hbm>>
      %dma_start3A_625 = tpu.memref_squeeze %dma_start3A_624 : memref<1x16384xi32, #tpu.memory_space<hbm>> -> memref<16384xi32, #tpu.memory_space<hbm>>
      %dma_start3A_626 = arith.constant 0 : i32
      %dma_start3A_627 = tpu.memref_slice %arg2[%dma_start3A_622, %dma_start3A_626] : memref<26x16384xi32, #tpu.memory_space<hbm>> -> memref<1x16384xi32, #tpu.memory_space<hbm>>
      %dma_start3A_628 = tpu.memref_squeeze %dma_start3A_627 : memref<1x16384xi32, #tpu.memory_space<hbm>> -> memref<16384xi32, #tpu.memory_space<hbm>>
      tpu.enqueue_dma source(%dma_start3A_628 : memref<16384xi32, #tpu.memory_space<hbm>>) target(%arg8 : memref<16384xi32, #tpu.memory_space<vmem>>) target_semaphore(%arg14 : memref<!tpu.dma_semaphore, #tpu.memory_space<semaphore_mem>>)
    } else {
    }
    %dma_wait3A_261 = arith.constant 0 : i32
    %dma_wait3A_262 = arith.constant 0 : i32
    %dma_wait3A_263 = tpu.memref_slice %arg5[%dma_wait3A_261, %arg1, %dma_wait3A_262] : memref<26x16x16384xf32, #tpu.memory_space<hbm>> -> memref<1x1x16384xf32, #tpu.memory_space<hbm>>
    %dma_wait3A_264 = tpu.memref_squeeze %dma_wait3A_263 : memref<1x1x16384xf32, #tpu.memory_space<hbm>> -> memref<16384xf32, #tpu.memory_space<hbm>>
    %dma_wait3A_265 = arith.constant 0 : i32
    %dma_wait3A_266 = tpu.memref_slice %arg5[%dma_wait3A_261, %arg1, %dma_wait3A_265] : memref<26x16x16384xf32, #tpu.memory_space<hbm>> -> memref<1x1x16384xf32, #tpu.memory_space<hbm>>
    %dma_wait3A_267 = tpu.memref_squeeze %dma_wait3A_266 : memref<1x1x16384xf32, #tpu.memory_space<hbm>> -> memref<16384xf32, #tpu.memory_space<hbm>>
    tpu.wait_dma2 semaphore(%arg16 : memref<!tpu.dma_semaphore, #tpu.memory_space<semaphore_mem>>) src(%arg10 : memref<16384xf32, #tpu.memory_space<vmem>>) dst(%dma_wait3A_267 : memref<16384xf32, #tpu.memory_space<hbm>>)
    %parallel_loop3A_268 = arith.constant 0 : i32
    %parallel_loop3A_269 = arith.constant 1024 : i32
    %parallel_loop3A_270 = arith.constant 1 : i32
    scf.for %parallel_loop3A_613 = %parallel_loop3A_268 to %parallel_loop3A_269 step %parallel_loop3A_270  : i32 {
      %parallel_loop3A_614 = arith.constant 16 : i32
      %parallel_loop3A_615 = arith.muli %parallel_loop3A_613, %parallel_loop3A_614 : i32
      %parallel_loop3A_616 = arith.index_cast %parallel_loop3A_615 : i32 to index
      %parallel_loop3A_617 = tpu.vector_load %arg9[%parallel_loop3A_616] {strides = array<i32>} : memref<16384xi32, #tpu.memory_space<vmem>>, vector<16xi32>,
      %parallel_loop3A_618 = tpu.vector_load_idx %arg7[%parallel_loop3A_617] : memref<38720xf32, #tpu.memory_space<vmem>>[vector<16xi32>], vector<16xf32>,
      %parallel_loop3A_619 = arith.constant 16 : i32
      %parallel_loop3A_620 = arith.muli %parallel_loop3A_613, %parallel_loop3A_619 : i32
      %parallel_loop3A_621 = arith.index_cast %parallel_loop3A_620 : i32 to index
      %parallel_loop3A_622 = tpu.vector_load %arg10[%parallel_loop3A_621] {strides = array<i32>} : memref<16384xf32, #tpu.memory_space<vmem>>, vector<16xf32>,
      tpu.vector_store %arg10[%parallel_loop3A_621], %parallel_loop3A_618 {strides = array<i32>} : memref<16384xf32, #tpu.memory_space<vmem>>, vector<16xf32>,
    } {sc.loop_unroll_factor = 4 : i64, sc.parallel_access}
    %eq3A_271 = arith.constant 0 : i32
    %eq3A_272 = arith.cmpi eq, %arg0, %eq3A_271 : i32
    %convert_element_type3A_273 = arith.extui %eq3A_272 : i1 to i32
    %cond3A_274 = arith.constant 0 : i32
    %cond3A_275 = arith.cmpi ne, %convert_element_type3A_273, %cond3A_274 : i32
    scf.if %cond3A_275 {
      %dma_start3A = arith.constant 5 : i32
      %dma_start3A_613 = arith.constant 0 : i32
      %dma_start3A_614 = tpu.memref_slice %arg5[%dma_start3A, %arg1, %dma_start3A_613] : memref<26x16x16384xf32, #tpu.memory_space<hbm>> -> memref<1x1x16384xf32, #tpu.memory_space<hbm>>
      %dma_start3A_615 = tpu.memref_squeeze %dma_start3A_614 : memref<1x1x16384xf32, #tpu.memory_space<hbm>> -> memref<16384xf32, #tpu.memory_space<hbm>>
      %dma_start3A_616 = arith.constant 0 : i32
      %dma_start3A_617 = tpu.memref_slice %arg5[%dma_start3A, %arg1, %dma_start3A_616] : memref<26x16x16384xf32, #tpu.memory_space<hbm>> -> memref<1x1x16384xf32, #tpu.memory_space<hbm>>
      %dma_start3A_618 = tpu.memref_squeeze %dma_start3A_617 : memref<1x1x16384xf32, #tpu.memory_space<hbm>> -> memref<16384xf32, #tpu.memory_space<hbm>>
      tpu.enqueue_dma source(%arg10 : memref<16384xf32, #tpu.memory_space<vmem>>) target(%dma_start3A_618 : memref<16384xf32, #tpu.memory_space<hbm>>) target_semaphore(%arg16 : memref<!tpu.dma_semaphore, #tpu.memory_space<semaphore_mem>>)
    } else {
    }
    %eq3A_276 = arith.constant 1 : i32
    %eq3A_277 = arith.cmpi eq, %arg0, %eq3A_276 : i32
    %convert_element_type3A_278 = arith.extui %eq3A_277 : i1 to i32
    %cond3A_279 = arith.constant 0 : i32
    %cond3A_280 = arith.cmpi ne, %convert_element_type3A_278, %cond3A_279 : i32
    scf.if %cond3A_280 {
      %dma_start3A = arith.constant 18 : i32
      %dma_start3A_613 = arith.constant 0 : i32
      %dma_start3A_614 = tpu.memref_slice %arg5[%dma_start3A, %arg1, %dma_start3A_613] : memref<26x16x16384xf32, #tpu.memory_space<hbm>> -> memref<1x1x16384xf32, #tpu.memory_space<hbm>>
      %dma_start3A_615 = tpu.memref_squeeze %dma_start3A_614 : memref<1x1x16384xf32, #tpu.memory_space<hbm>> -> memref<16384xf32, #tpu.memory_space<hbm>>
      %dma_start3A_616 = arith.constant 0 : i32
      %dma_start3A_617 = tpu.memref_slice %arg5[%dma_start3A, %arg1, %dma_start3A_616] : memref<26x16x16384xf32, #tpu.memory_space<hbm>> -> memref<1x1x16384xf32, #tpu.memory_space<hbm>>
      %dma_start3A_618 = tpu.memref_squeeze %dma_start3A_617 : memref<1x1x16384xf32, #tpu.memory_space<hbm>> -> memref<16384xf32, #tpu.memory_space<hbm>>
      tpu.enqueue_dma source(%arg10 : memref<16384xf32, #tpu.memory_space<vmem>>) target(%dma_start3A_618 : memref<16384xf32, #tpu.memory_space<hbm>>) target_semaphore(%arg16 : memref<!tpu.dma_semaphore, #tpu.memory_space<semaphore_mem>>)
    } else {
    }
    %dma_wait3A_281 = arith.constant 0 : i32
    %dma_wait3A_282 = tpu.memref_slice %arg6[%dma_wait3A_281] : memref<38720xf32, #tpu.memory_space<vmem>> -> memref<38656xf32, #tpu.memory_space<vmem>>
    %dma_wait3A_283 = arith.constant 0 : i32
    %dma_wait3A_284 = tpu.memref_slice %arg3[%arg1, %dma_wait3A_283] : memref<16x999986xf32, #tpu.memory_space<hbm>> -> memref<1x38656xf32, #tpu.memory_space<hbm>>
    %dma_wait3A_285 = tpu.memref_squeeze %dma_wait3A_284 : memref<1x38656xf32, #tpu.memory_space<hbm>> -> memref<38656xf32, #tpu.memory_space<hbm>>
    %dma_wait3A_286 = arith.constant 0 : i32
    %dma_wait3A_287 = tpu.memref_slice %arg6[%dma_wait3A_286] : memref<38720xf32, #tpu.memory_space<vmem>> -> memref<38656xf32, #tpu.memory_space<vmem>>
    %dma_wait3A_288 = arith.constant 0 : i32
    %dma_wait3A_289 = tpu.memref_slice %arg3[%arg1, %dma_wait3A_288] : memref<16x999986xf32, #tpu.memory_space<hbm>> -> memref<1x38656xf32, #tpu.memory_space<hbm>>
    %dma_wait3A_290 = tpu.memref_squeeze %dma_wait3A_289 : memref<1x38656xf32, #tpu.memory_space<hbm>> -> memref<38656xf32, #tpu.memory_space<hbm>>
    tpu.wait_dma2 semaphore(%arg12 : memref<!tpu.dma_semaphore, #tpu.memory_space<semaphore_mem>>) src(%dma_wait3A_290 : memref<38656xf32, #tpu.memory_space<hbm>>) dst(%dma_wait3A_287 : memref<38656xf32, #tpu.memory_space<vmem>>)
    %dma_wait3A_291 = arith.constant 0 : i32
    %dma_wait3A_292 = arith.constant 0 : i32
    %dma_wait3A_293 = tpu.memref_slice %arg2[%dma_wait3A_291, %dma_wait3A_292] : memref<26x16384xi32, #tpu.memory_space<hbm>> -> memref<1x16384xi32, #tpu.memory_space<hbm>>
    %dma_wait3A_294 = tpu.memref_squeeze %dma_wait3A_293 : memref<1x16384xi32, #tpu.memory_space<hbm>> -> memref<16384xi32, #tpu.memory_space<hbm>>
    %dma_wait3A_295 = arith.constant 0 : i32
    %dma_wait3A_296 = tpu.memref_slice %arg2[%dma_wait3A_291, %dma_wait3A_295] : memref<26x16384xi32, #tpu.memory_space<hbm>> -> memref<1x16384xi32, #tpu.memory_space<hbm>>
    %dma_wait3A_297 = tpu.memref_squeeze %dma_wait3A_296 : memref<1x16384xi32, #tpu.memory_space<hbm>> -> memref<16384xi32, #tpu.memory_space<hbm>>
    tpu.wait_dma2 semaphore(%arg14 : memref<!tpu.dma_semaphore, #tpu.memory_space<semaphore_mem>>) src(%dma_wait3A_297 : memref<16384xi32, #tpu.memory_space<hbm>>) dst(%arg8 : memref<16384xi32, #tpu.memory_space<vmem>>)
    %eq3A_298 = arith.constant 0 : i32
    %eq3A_299 = arith.cmpi eq, %arg0, %eq3A_298 : i32
    %convert_element_type3A_300 = arith.extui %eq3A_299 : i1 to i32
    %cond3A_301 = arith.constant 0 : i32
    %cond3A_302 = arith.cmpi ne, %convert_element_type3A_300, %cond3A_301 : i32
    scf.if %cond3A_302 {
      %dma_start3A = arith.constant 0 : i32
      %dma_start3A_613 = tpu.memref_slice %arg7[%dma_start3A] : memref<38720xf32, #tpu.memory_space<vmem>> -> memref<38656xf32, #tpu.memory_space<vmem>>
      %dma_start3A_614 = arith.constant 269184 : i32
      %dma_start3A_615 = tpu.memref_slice %arg3[%arg1, %dma_start3A_614] : memref<16x999986xf32, #tpu.memory_space<hbm>> -> memref<1x38656xf32, #tpu.memory_space<hbm>>
      %dma_start3A_616 = tpu.memref_squeeze %dma_start3A_615 : memref<1x38656xf32, #tpu.memory_space<hbm>> -> memref<38656xf32, #tpu.memory_space<hbm>>
      %dma_start3A_617 = arith.constant 0 : i32
      %dma_start3A_618 = tpu.memref_slice %arg7[%dma_start3A_617] : memref<38720xf32, #tpu.memory_space<vmem>> -> memref<38656xf32, #tpu.memory_space<vmem>>
      %dma_start3A_619 = arith.constant 269184 : i32
      %dma_start3A_620 = tpu.memref_slice %arg3[%arg1, %dma_start3A_619] : memref<16x999986xf32, #tpu.memory_space<hbm>> -> memref<1x38656xf32, #tpu.memory_space<hbm>>
      %dma_start3A_621 = tpu.memref_squeeze %dma_start3A_620 : memref<1x38656xf32, #tpu.memory_space<hbm>> -> memref<38656xf32, #tpu.memory_space<hbm>>
      tpu.enqueue_dma source(%dma_start3A_621 : memref<38656xf32, #tpu.memory_space<hbm>>) target(%dma_start3A_618 : memref<38656xf32, #tpu.memory_space<vmem>>) target_semaphore(%arg13 : memref<!tpu.dma_semaphore, #tpu.memory_space<semaphore_mem>>)
      %dma_start3A_622 = arith.constant 7 : i32
      %dma_start3A_623 = arith.constant 0 : i32
      %dma_start3A_624 = tpu.memref_slice %arg2[%dma_start3A_622, %dma_start3A_623] : memref<26x16384xi32, #tpu.memory_space<hbm>> -> memref<1x16384xi32, #tpu.memory_space<hbm>>
      %dma_start3A_625 = tpu.memref_squeeze %dma_start3A_624 : memref<1x16384xi32, #tpu.memory_space<hbm>> -> memref<16384xi32, #tpu.memory_space<hbm>>
      %dma_start3A_626 = arith.constant 0 : i32
      %dma_start3A_627 = tpu.memref_slice %arg2[%dma_start3A_622, %dma_start3A_626] : memref<26x16384xi32, #tpu.memory_space<hbm>> -> memref<1x16384xi32, #tpu.memory_space<hbm>>
      %dma_start3A_628 = tpu.memref_squeeze %dma_start3A_627 : memref<1x16384xi32, #tpu.memory_space<hbm>> -> memref<16384xi32, #tpu.memory_space<hbm>>
      tpu.enqueue_dma source(%dma_start3A_628 : memref<16384xi32, #tpu.memory_space<hbm>>) target(%arg9 : memref<16384xi32, #tpu.memory_space<vmem>>) target_semaphore(%arg15 : memref<!tpu.dma_semaphore, #tpu.memory_space<semaphore_mem>>)
    } else {
    }
    %eq3A_303 = arith.constant 1 : i32
    %eq3A_304 = arith.cmpi eq, %arg0, %eq3A_303 : i32
    %convert_element_type3A_305 = arith.extui %eq3A_304 : i1 to i32
    %cond3A_306 = arith.constant 0 : i32
    %cond3A_307 = arith.cmpi ne, %convert_element_type3A_305, %cond3A_306 : i32
    scf.if %cond3A_307 {
      %dma_start3A = arith.constant 0 : i32
      %dma_start3A_613 = tpu.memref_slice %arg7[%dma_start3A] : memref<38720xf32, #tpu.memory_space<vmem>> -> memref<38656xf32, #tpu.memory_space<vmem>>
      %dma_start3A_614 = arith.constant 769152 : i32
      %dma_start3A_615 = tpu.memref_slice %arg3[%arg1, %dma_start3A_614] : memref<16x999986xf32, #tpu.memory_space<hbm>> -> memref<1x38656xf32, #tpu.memory_space<hbm>>
      %dma_start3A_616 = tpu.memref_squeeze %dma_start3A_615 : memref<1x38656xf32, #tpu.memory_space<hbm>> -> memref<38656xf32, #tpu.memory_space<hbm>>
      %dma_start3A_617 = arith.constant 0 : i32
      %dma_start3A_618 = tpu.memref_slice %arg7[%dma_start3A_617] : memref<38720xf32, #tpu.memory_space<vmem>> -> memref<38656xf32, #tpu.memory_space<vmem>>
      %dma_start3A_619 = arith.constant 769152 : i32
      %dma_start3A_620 = tpu.memref_slice %arg3[%arg1, %dma_start3A_619] : memref<16x999986xf32, #tpu.memory_space<hbm>> -> memref<1x38656xf32, #tpu.memory_space<hbm>>
      %dma_start3A_621 = tpu.memref_squeeze %dma_start3A_620 : memref<1x38656xf32, #tpu.memory_space<hbm>> -> memref<38656xf32, #tpu.memory_space<hbm>>
      tpu.enqueue_dma source(%dma_start3A_621 : memref<38656xf32, #tpu.memory_space<hbm>>) target(%dma_start3A_618 : memref<38656xf32, #tpu.memory_space<vmem>>) target_semaphore(%arg13 : memref<!tpu.dma_semaphore, #tpu.memory_space<semaphore_mem>>)
      %dma_start3A_622 = arith.constant 20 : i32
      %dma_start3A_623 = arith.constant 0 : i32
      %dma_start3A_624 = tpu.memref_slice %arg2[%dma_start3A_622, %dma_start3A_623] : memref<26x16384xi32, #tpu.memory_space<hbm>> -> memref<1x16384xi32, #tpu.memory_space<hbm>>
      %dma_start3A_625 = tpu.memref_squeeze %dma_start3A_624 : memref<1x16384xi32, #tpu.memory_space<hbm>> -> memref<16384xi32, #tpu.memory_space<hbm>>
      %dma_start3A_626 = arith.constant 0 : i32
      %dma_start3A_627 = tpu.memref_slice %arg2[%dma_start3A_622, %dma_start3A_626] : memref<26x16384xi32, #tpu.memory_space<hbm>> -> memref<1x16384xi32, #tpu.memory_space<hbm>>
      %dma_start3A_628 = tpu.memref_squeeze %dma_start3A_627 : memref<1x16384xi32, #tpu.memory_space<hbm>> -> memref<16384xi32, #tpu.memory_space<hbm>>
      tpu.enqueue_dma source(%dma_start3A_628 : memref<16384xi32, #tpu.memory_space<hbm>>) target(%arg9 : memref<16384xi32, #tpu.memory_space<vmem>>) target_semaphore(%arg15 : memref<!tpu.dma_semaphore, #tpu.memory_space<semaphore_mem>>)
    } else {
    }
    %dma_wait3A_308 = arith.constant 0 : i32
    %dma_wait3A_309 = arith.constant 0 : i32
    %dma_wait3A_310 = tpu.memref_slice %arg5[%dma_wait3A_308, %arg1, %dma_wait3A_309] : memref<26x16x16384xf32, #tpu.memory_space<hbm>> -> memref<1x1x16384xf32, #tpu.memory_space<hbm>>
    %dma_wait3A_311 = tpu.memref_squeeze %dma_wait3A_310 : memref<1x1x16384xf32, #tpu.memory_space<hbm>> -> memref<16384xf32, #tpu.memory_space<hbm>>
    %dma_wait3A_312 = arith.constant 0 : i32
    %dma_wait3A_313 = tpu.memref_slice %arg5[%dma_wait3A_308, %arg1, %dma_wait3A_312] : memref<26x16x16384xf32, #tpu.memory_space<hbm>> -> memref<1x1x16384xf32, #tpu.memory_space<hbm>>
    %dma_wait3A_314 = tpu.memref_squeeze %dma_wait3A_313 : memref<1x1x16384xf32, #tpu.memory_space<hbm>> -> memref<16384xf32, #tpu.memory_space<hbm>>
    tpu.wait_dma2 semaphore(%arg16 : memref<!tpu.dma_semaphore, #tpu.memory_space<semaphore_mem>>) src(%arg10 : memref<16384xf32, #tpu.memory_space<vmem>>) dst(%dma_wait3A_314 : memref<16384xf32, #tpu.memory_space<hbm>>)
    %parallel_loop3A_315 = arith.constant 0 : i32
    %parallel_loop3A_316 = arith.constant 1024 : i32
    %parallel_loop3A_317 = arith.constant 1 : i32
    scf.for %parallel_loop3A_613 = %parallel_loop3A_315 to %parallel_loop3A_316 step %parallel_loop3A_317  : i32 {
      %parallel_loop3A_614 = arith.constant 16 : i32
      %parallel_loop3A_615 = arith.muli %parallel_loop3A_613, %parallel_loop3A_614 : i32
      %parallel_loop3A_616 = arith.index_cast %parallel_loop3A_615 : i32 to index
      %parallel_loop3A_617 = tpu.vector_load %arg8[%parallel_loop3A_616] {strides = array<i32>} : memref<16384xi32, #tpu.memory_space<vmem>>, vector<16xi32>,
      %parallel_loop3A_618 = tpu.vector_load_idx %arg6[%parallel_loop3A_617] : memref<38720xf32, #tpu.memory_space<vmem>>[vector<16xi32>], vector<16xf32>,
      %parallel_loop3A_619 = arith.constant 16 : i32
      %parallel_loop3A_620 = arith.muli %parallel_loop3A_613, %parallel_loop3A_619 : i32
      %parallel_loop3A_621 = arith.index_cast %parallel_loop3A_620 : i32 to index
      %parallel_loop3A_622 = tpu.vector_load %arg10[%parallel_loop3A_621] {strides = array<i32>} : memref<16384xf32, #tpu.memory_space<vmem>>, vector<16xf32>,
      tpu.vector_store %arg10[%parallel_loop3A_621], %parallel_loop3A_618 {strides = array<i32>} : memref<16384xf32, #tpu.memory_space<vmem>>, vector<16xf32>,
    } {sc.loop_unroll_factor = 4 : i64, sc.parallel_access}
    %eq3A_318 = arith.constant 0 : i32
    %eq3A_319 = arith.cmpi eq, %arg0, %eq3A_318 : i32
    %convert_element_type3A_320 = arith.extui %eq3A_319 : i1 to i32
    %cond3A_321 = arith.constant 0 : i32
    %cond3A_322 = arith.cmpi ne, %convert_element_type3A_320, %cond3A_321 : i32
    scf.if %cond3A_322 {
      %dma_start3A = arith.constant 6 : i32
      %dma_start3A_613 = arith.constant 0 : i32
      %dma_start3A_614 = tpu.memref_slice %arg5[%dma_start3A, %arg1, %dma_start3A_613] : memref<26x16x16384xf32, #tpu.memory_space<hbm>> -> memref<1x1x16384xf32, #tpu.memory_space<hbm>>
      %dma_start3A_615 = tpu.memref_squeeze %dma_start3A_614 : memref<1x1x16384xf32, #tpu.memory_space<hbm>> -> memref<16384xf32, #tpu.memory_space<hbm>>
      %dma_start3A_616 = arith.constant 0 : i32
      %dma_start3A_617 = tpu.memref_slice %arg5[%dma_start3A, %arg1, %dma_start3A_616] : memref<26x16x16384xf32, #tpu.memory_space<hbm>> -> memref<1x1x16384xf32, #tpu.memory_space<hbm>>
      %dma_start3A_618 = tpu.memref_squeeze %dma_start3A_617 : memref<1x1x16384xf32, #tpu.memory_space<hbm>> -> memref<16384xf32, #tpu.memory_space<hbm>>
      tpu.enqueue_dma source(%arg10 : memref<16384xf32, #tpu.memory_space<vmem>>) target(%dma_start3A_618 : memref<16384xf32, #tpu.memory_space<hbm>>) target_semaphore(%arg16 : memref<!tpu.dma_semaphore, #tpu.memory_space<semaphore_mem>>)
    } else {
    }
    %eq3A_323 = arith.constant 1 : i32
    %eq3A_324 = arith.cmpi eq, %arg0, %eq3A_323 : i32
    %convert_element_type3A_325 = arith.extui %eq3A_324 : i1 to i32
    %cond3A_326 = arith.constant 0 : i32
    %cond3A_327 = arith.cmpi ne, %convert_element_type3A_325, %cond3A_326 : i32
    scf.if %cond3A_327 {
      %dma_start3A = arith.constant 19 : i32
      %dma_start3A_613 = arith.constant 0 : i32
      %dma_start3A_614 = tpu.memref_slice %arg5[%dma_start3A, %arg1, %dma_start3A_613] : memref<26x16x16384xf32, #tpu.memory_space<hbm>> -> memref<1x1x16384xf32, #tpu.memory_space<hbm>>
      %dma_start3A_615 = tpu.memref_squeeze %dma_start3A_614 : memref<1x1x16384xf32, #tpu.memory_space<hbm>> -> memref<16384xf32, #tpu.memory_space<hbm>>
      %dma_start3A_616 = arith.constant 0 : i32
      %dma_start3A_617 = tpu.memref_slice %arg5[%dma_start3A, %arg1, %dma_start3A_616] : memref<26x16x16384xf32, #tpu.memory_space<hbm>> -> memref<1x1x16384xf32, #tpu.memory_space<hbm>>
      %dma_start3A_618 = tpu.memref_squeeze %dma_start3A_617 : memref<1x1x16384xf32, #tpu.memory_space<hbm>> -> memref<16384xf32, #tpu.memory_space<hbm>>
      tpu.enqueue_dma source(%arg10 : memref<16384xf32, #tpu.memory_space<vmem>>) target(%dma_start3A_618 : memref<16384xf32, #tpu.memory_space<hbm>>) target_semaphore(%arg16 : memref<!tpu.dma_semaphore, #tpu.memory_space<semaphore_mem>>)
    } else {
    }
    %dma_wait3A_328 = arith.constant 0 : i32
    %dma_wait3A_329 = tpu.memref_slice %arg7[%dma_wait3A_328] : memref<38720xf32, #tpu.memory_space<vmem>> -> memref<38656xf32, #tpu.memory_space<vmem>>
    %dma_wait3A_330 = arith.constant 0 : i32
    %dma_wait3A_331 = tpu.memref_slice %arg3[%arg1, %dma_wait3A_330] : memref<16x999986xf32, #tpu.memory_space<hbm>> -> memref<1x38656xf32, #tpu.memory_space<hbm>>
    %dma_wait3A_332 = tpu.memref_squeeze %dma_wait3A_331 : memref<1x38656xf32, #tpu.memory_space<hbm>> -> memref<38656xf32, #tpu.memory_space<hbm>>
    %dma_wait3A_333 = arith.constant 0 : i32
    %dma_wait3A_334 = tpu.memref_slice %arg7[%dma_wait3A_333] : memref<38720xf32, #tpu.memory_space<vmem>> -> memref<38656xf32, #tpu.memory_space<vmem>>
    %dma_wait3A_335 = arith.constant 0 : i32
    %dma_wait3A_336 = tpu.memref_slice %arg3[%arg1, %dma_wait3A_335] : memref<16x999986xf32, #tpu.memory_space<hbm>> -> memref<1x38656xf32, #tpu.memory_space<hbm>>
    %dma_wait3A_337 = tpu.memref_squeeze %dma_wait3A_336 : memref<1x38656xf32, #tpu.memory_space<hbm>> -> memref<38656xf32, #tpu.memory_space<hbm>>
    tpu.wait_dma2 semaphore(%arg13 : memref<!tpu.dma_semaphore, #tpu.memory_space<semaphore_mem>>) src(%dma_wait3A_337 : memref<38656xf32, #tpu.memory_space<hbm>>) dst(%dma_wait3A_334 : memref<38656xf32, #tpu.memory_space<vmem>>)
    %dma_wait3A_338 = arith.constant 0 : i32
    %dma_wait3A_339 = arith.constant 0 : i32
    %dma_wait3A_340 = tpu.memref_slice %arg2[%dma_wait3A_338, %dma_wait3A_339] : memref<26x16384xi32, #tpu.memory_space<hbm>> -> memref<1x16384xi32, #tpu.memory_space<hbm>>
    %dma_wait3A_341 = tpu.memref_squeeze %dma_wait3A_340 : memref<1x16384xi32, #tpu.memory_space<hbm>> -> memref<16384xi32, #tpu.memory_space<hbm>>
    %dma_wait3A_342 = arith.constant 0 : i32
    %dma_wait3A_343 = tpu.memref_slice %arg2[%dma_wait3A_338, %dma_wait3A_342] : memref<26x16384xi32, #tpu.memory_space<hbm>> -> memref<1x16384xi32, #tpu.memory_space<hbm>>
    %dma_wait3A_344 = tpu.memref_squeeze %dma_wait3A_343 : memref<1x16384xi32, #tpu.memory_space<hbm>> -> memref<16384xi32, #tpu.memory_space<hbm>>
    tpu.wait_dma2 semaphore(%arg15 : memref<!tpu.dma_semaphore, #tpu.memory_space<semaphore_mem>>) src(%dma_wait3A_344 : memref<16384xi32, #tpu.memory_space<hbm>>) dst(%arg9 : memref<16384xi32, #tpu.memory_space<vmem>>)
    %eq3A_345 = arith.constant 0 : i32
    %eq3A_346 = arith.cmpi eq, %arg0, %eq3A_345 : i32
    %convert_element_type3A_347 = arith.extui %eq3A_346 : i1 to i32
    %cond3A_348 = arith.constant 0 : i32
    %cond3A_349 = arith.cmpi ne, %convert_element_type3A_347, %cond3A_348 : i32
    scf.if %cond3A_349 {
      %dma_start3A = arith.constant 0 : i32
      %dma_start3A_613 = tpu.memref_slice %arg6[%dma_start3A] : memref<38720xf32, #tpu.memory_space<vmem>> -> memref<38656xf32, #tpu.memory_space<vmem>>
      %dma_start3A_614 = arith.constant 307584 : i32
      %dma_start3A_615 = tpu.memref_slice %arg3[%arg1, %dma_start3A_614] : memref<16x999986xf32, #tpu.memory_space<hbm>> -> memref<1x38656xf32, #tpu.memory_space<hbm>>
      %dma_start3A_616 = tpu.memref_squeeze %dma_start3A_615 : memref<1x38656xf32, #tpu.memory_space<hbm>> -> memref<38656xf32, #tpu.memory_space<hbm>>
      %dma_start3A_617 = arith.constant 0 : i32
      %dma_start3A_618 = tpu.memref_slice %arg6[%dma_start3A_617] : memref<38720xf32, #tpu.memory_space<vmem>> -> memref<38656xf32, #tpu.memory_space<vmem>>
      %dma_start3A_619 = arith.constant 307584 : i32
      %dma_start3A_620 = tpu.memref_slice %arg3[%arg1, %dma_start3A_619] : memref<16x999986xf32, #tpu.memory_space<hbm>> -> memref<1x38656xf32, #tpu.memory_space<hbm>>
      %dma_start3A_621 = tpu.memref_squeeze %dma_start3A_620 : memref<1x38656xf32, #tpu.memory_space<hbm>> -> memref<38656xf32, #tpu.memory_space<hbm>>
      tpu.enqueue_dma source(%dma_start3A_621 : memref<38656xf32, #tpu.memory_space<hbm>>) target(%dma_start3A_618 : memref<38656xf32, #tpu.memory_space<vmem>>) target_semaphore(%arg12 : memref<!tpu.dma_semaphore, #tpu.memory_space<semaphore_mem>>)
      %dma_start3A_622 = arith.constant 8 : i32
      %dma_start3A_623 = arith.constant 0 : i32
      %dma_start3A_624 = tpu.memref_slice %arg2[%dma_start3A_622, %dma_start3A_623] : memref<26x16384xi32, #tpu.memory_space<hbm>> -> memref<1x16384xi32, #tpu.memory_space<hbm>>
      %dma_start3A_625 = tpu.memref_squeeze %dma_start3A_624 : memref<1x16384xi32, #tpu.memory_space<hbm>> -> memref<16384xi32, #tpu.memory_space<hbm>>
      %dma_start3A_626 = arith.constant 0 : i32
      %dma_start3A_627 = tpu.memref_slice %arg2[%dma_start3A_622, %dma_start3A_626] : memref<26x16384xi32, #tpu.memory_space<hbm>> -> memref<1x16384xi32, #tpu.memory_space<hbm>>
      %dma_start3A_628 = tpu.memref_squeeze %dma_start3A_627 : memref<1x16384xi32, #tpu.memory_space<hbm>> -> memref<16384xi32, #tpu.memory_space<hbm>>
      tpu.enqueue_dma source(%dma_start3A_628 : memref<16384xi32, #tpu.memory_space<hbm>>) target(%arg8 : memref<16384xi32, #tpu.memory_space<vmem>>) target_semaphore(%arg14 : memref<!tpu.dma_semaphore, #tpu.memory_space<semaphore_mem>>)
    } else {
    }
    %eq3A_350 = arith.constant 1 : i32
    %eq3A_351 = arith.cmpi eq, %arg0, %eq3A_350 : i32
    %convert_element_type3A_352 = arith.extui %eq3A_351 : i1 to i32
    %cond3A_353 = arith.constant 0 : i32
    %cond3A_354 = arith.cmpi ne, %convert_element_type3A_352, %cond3A_353 : i32
    scf.if %cond3A_354 {
      %dma_start3A = arith.constant 0 : i32
      %dma_start3A_613 = tpu.memref_slice %arg6[%dma_start3A] : memref<38720xf32, #tpu.memory_space<vmem>> -> memref<38656xf32, #tpu.memory_space<vmem>>
      %dma_start3A_614 = arith.constant 807680 : i32
      %dma_start3A_615 = tpu.memref_slice %arg3[%arg1, %dma_start3A_614] : memref<16x999986xf32, #tpu.memory_space<hbm>> -> memref<1x38656xf32, #tpu.memory_space<hbm>>
      %dma_start3A_616 = tpu.memref_squeeze %dma_start3A_615 : memref<1x38656xf32, #tpu.memory_space<hbm>> -> memref<38656xf32, #tpu.memory_space<hbm>>
      %dma_start3A_617 = arith.constant 0 : i32
      %dma_start3A_618 = tpu.memref_slice %arg6[%dma_start3A_617] : memref<38720xf32, #tpu.memory_space<vmem>> -> memref<38656xf32, #tpu.memory_space<vmem>>
      %dma_start3A_619 = arith.constant 807680 : i32
      %dma_start3A_620 = tpu.memref_slice %arg3[%arg1, %dma_start3A_619] : memref<16x999986xf32, #tpu.memory_space<hbm>> -> memref<1x38656xf32, #tpu.memory_space<hbm>>
      %dma_start3A_621 = tpu.memref_squeeze %dma_start3A_620 : memref<1x38656xf32, #tpu.memory_space<hbm>> -> memref<38656xf32, #tpu.memory_space<hbm>>
      tpu.enqueue_dma source(%dma_start3A_621 : memref<38656xf32, #tpu.memory_space<hbm>>) target(%dma_start3A_618 : memref<38656xf32, #tpu.memory_space<vmem>>) target_semaphore(%arg12 : memref<!tpu.dma_semaphore, #tpu.memory_space<semaphore_mem>>)
      %dma_start3A_622 = arith.constant 21 : i32
      %dma_start3A_623 = arith.constant 0 : i32
      %dma_start3A_624 = tpu.memref_slice %arg2[%dma_start3A_622, %dma_start3A_623] : memref<26x16384xi32, #tpu.memory_space<hbm>> -> memref<1x16384xi32, #tpu.memory_space<hbm>>
      %dma_start3A_625 = tpu.memref_squeeze %dma_start3A_624 : memref<1x16384xi32, #tpu.memory_space<hbm>> -> memref<16384xi32, #tpu.memory_space<hbm>>
      %dma_start3A_626 = arith.constant 0 : i32
      %dma_start3A_627 = tpu.memref_slice %arg2[%dma_start3A_622, %dma_start3A_626] : memref<26x16384xi32, #tpu.memory_space<hbm>> -> memref<1x16384xi32, #tpu.memory_space<hbm>>
      %dma_start3A_628 = tpu.memref_squeeze %dma_start3A_627 : memref<1x16384xi32, #tpu.memory_space<hbm>> -> memref<16384xi32, #tpu.memory_space<hbm>>
      tpu.enqueue_dma source(%dma_start3A_628 : memref<16384xi32, #tpu.memory_space<hbm>>) target(%arg8 : memref<16384xi32, #tpu.memory_space<vmem>>) target_semaphore(%arg14 : memref<!tpu.dma_semaphore, #tpu.memory_space<semaphore_mem>>)
    } else {
    }
    %dma_wait3A_355 = arith.constant 0 : i32
    %dma_wait3A_356 = arith.constant 0 : i32
    %dma_wait3A_357 = tpu.memref_slice %arg5[%dma_wait3A_355, %arg1, %dma_wait3A_356] : memref<26x16x16384xf32, #tpu.memory_space<hbm>> -> memref<1x1x16384xf32, #tpu.memory_space<hbm>>
    %dma_wait3A_358 = tpu.memref_squeeze %dma_wait3A_357 : memref<1x1x16384xf32, #tpu.memory_space<hbm>> -> memref<16384xf32, #tpu.memory_space<hbm>>
    %dma_wait3A_359 = arith.constant 0 : i32
    %dma_wait3A_360 = tpu.memref_slice %arg5[%dma_wait3A_355, %arg1, %dma_wait3A_359] : memref<26x16x16384xf32, #tpu.memory_space<hbm>> -> memref<1x1x16384xf32, #tpu.memory_space<hbm>>
    %dma_wait3A_361 = tpu.memref_squeeze %dma_wait3A_360 : memref<1x1x16384xf32, #tpu.memory_space<hbm>> -> memref<16384xf32, #tpu.memory_space<hbm>>
    tpu.wait_dma2 semaphore(%arg16 : memref<!tpu.dma_semaphore, #tpu.memory_space<semaphore_mem>>) src(%arg10 : memref<16384xf32, #tpu.memory_space<vmem>>) dst(%dma_wait3A_361 : memref<16384xf32, #tpu.memory_space<hbm>>)
    %parallel_loop3A_362 = arith.constant 0 : i32
    %parallel_loop3A_363 = arith.constant 1024 : i32
    %parallel_loop3A_364 = arith.constant 1 : i32
    scf.for %parallel_loop3A_613 = %parallel_loop3A_362 to %parallel_loop3A_363 step %parallel_loop3A_364  : i32 {
      %parallel_loop3A_614 = arith.constant 16 : i32
      %parallel_loop3A_615 = arith.muli %parallel_loop3A_613, %parallel_loop3A_614 : i32
      %parallel_loop3A_616 = arith.index_cast %parallel_loop3A_615 : i32 to index
      %parallel_loop3A_617 = tpu.vector_load %arg9[%parallel_loop3A_616] {strides = array<i32>} : memref<16384xi32, #tpu.memory_space<vmem>>, vector<16xi32>,
      %parallel_loop3A_618 = tpu.vector_load_idx %arg7[%parallel_loop3A_617] : memref<38720xf32, #tpu.memory_space<vmem>>[vector<16xi32>], vector<16xf32>,
      %parallel_loop3A_619 = arith.constant 16 : i32
      %parallel_loop3A_620 = arith.muli %parallel_loop3A_613, %parallel_loop3A_619 : i32
      %parallel_loop3A_621 = arith.index_cast %parallel_loop3A_620 : i32 to index
      %parallel_loop3A_622 = tpu.vector_load %arg10[%parallel_loop3A_621] {strides = array<i32>} : memref<16384xf32, #tpu.memory_space<vmem>>, vector<16xf32>,
      tpu.vector_store %arg10[%parallel_loop3A_621], %parallel_loop3A_618 {strides = array<i32>} : memref<16384xf32, #tpu.memory_space<vmem>>, vector<16xf32>,
    } {sc.loop_unroll_factor = 4 : i64, sc.parallel_access}
    %eq3A_365 = arith.constant 0 : i32
    %eq3A_366 = arith.cmpi eq, %arg0, %eq3A_365 : i32
    %convert_element_type3A_367 = arith.extui %eq3A_366 : i1 to i32
    %cond3A_368 = arith.constant 0 : i32
    %cond3A_369 = arith.cmpi ne, %convert_element_type3A_367, %cond3A_368 : i32
    scf.if %cond3A_369 {
      %dma_start3A = arith.constant 7 : i32
      %dma_start3A_613 = arith.constant 0 : i32
      %dma_start3A_614 = tpu.memref_slice %arg5[%dma_start3A, %arg1, %dma_start3A_613] : memref<26x16x16384xf32, #tpu.memory_space<hbm>> -> memref<1x1x16384xf32, #tpu.memory_space<hbm>>
      %dma_start3A_615 = tpu.memref_squeeze %dma_start3A_614 : memref<1x1x16384xf32, #tpu.memory_space<hbm>> -> memref<16384xf32, #tpu.memory_space<hbm>>
      %dma_start3A_616 = arith.constant 0 : i32
      %dma_start3A_617 = tpu.memref_slice %arg5[%dma_start3A, %arg1, %dma_start3A_616] : memref<26x16x16384xf32, #tpu.memory_space<hbm>> -> memref<1x1x16384xf32, #tpu.memory_space<hbm>>
      %dma_start3A_618 = tpu.memref_squeeze %dma_start3A_617 : memref<1x1x16384xf32, #tpu.memory_space<hbm>> -> memref<16384xf32, #tpu.memory_space<hbm>>
      tpu.enqueue_dma source(%arg10 : memref<16384xf32, #tpu.memory_space<vmem>>) target(%dma_start3A_618 : memref<16384xf32, #tpu.memory_space<hbm>>) target_semaphore(%arg16 : memref<!tpu.dma_semaphore, #tpu.memory_space<semaphore_mem>>)
    } else {
    }
    %eq3A_370 = arith.constant 1 : i32
    %eq3A_371 = arith.cmpi eq, %arg0, %eq3A_370 : i32
    %convert_element_type3A_372 = arith.extui %eq3A_371 : i1 to i32
    %cond3A_373 = arith.constant 0 : i32
    %cond3A_374 = arith.cmpi ne, %convert_element_type3A_372, %cond3A_373 : i32
    scf.if %cond3A_374 {
      %dma_start3A = arith.constant 20 : i32
      %dma_start3A_613 = arith.constant 0 : i32
      %dma_start3A_614 = tpu.memref_slice %arg5[%dma_start3A, %arg1, %dma_start3A_613] : memref<26x16x16384xf32, #tpu.memory_space<hbm>> -> memref<1x1x16384xf32, #tpu.memory_space<hbm>>
      %dma_start3A_615 = tpu.memref_squeeze %dma_start3A_614 : memref<1x1x16384xf32, #tpu.memory_space<hbm>> -> memref<16384xf32, #tpu.memory_space<hbm>>
      %dma_start3A_616 = arith.constant 0 : i32
      %dma_start3A_617 = tpu.memref_slice %arg5[%dma_start3A, %arg1, %dma_start3A_616] : memref<26x16x16384xf32, #tpu.memory_space<hbm>> -> memref<1x1x16384xf32, #tpu.memory_space<hbm>>
      %dma_start3A_618 = tpu.memref_squeeze %dma_start3A_617 : memref<1x1x16384xf32, #tpu.memory_space<hbm>> -> memref<16384xf32, #tpu.memory_space<hbm>>
      tpu.enqueue_dma source(%arg10 : memref<16384xf32, #tpu.memory_space<vmem>>) target(%dma_start3A_618 : memref<16384xf32, #tpu.memory_space<hbm>>) target_semaphore(%arg16 : memref<!tpu.dma_semaphore, #tpu.memory_space<semaphore_mem>>)
    } else {
    }
    %dma_wait3A_375 = arith.constant 0 : i32
    %dma_wait3A_376 = tpu.memref_slice %arg6[%dma_wait3A_375] : memref<38720xf32, #tpu.memory_space<vmem>> -> memref<38656xf32, #tpu.memory_space<vmem>>
    %dma_wait3A_377 = arith.constant 0 : i32
    %dma_wait3A_378 = tpu.memref_slice %arg3[%arg1, %dma_wait3A_377] : memref<16x999986xf32, #tpu.memory_space<hbm>> -> memref<1x38656xf32, #tpu.memory_space<hbm>>
    %dma_wait3A_379 = tpu.memref_squeeze %dma_wait3A_378 : memref<1x38656xf32, #tpu.memory_space<hbm>> -> memref<38656xf32, #tpu.memory_space<hbm>>
    %dma_wait3A_380 = arith.constant 0 : i32
    %dma_wait3A_381 = tpu.memref_slice %arg6[%dma_wait3A_380] : memref<38720xf32, #tpu.memory_space<vmem>> -> memref<38656xf32, #tpu.memory_space<vmem>>
    %dma_wait3A_382 = arith.constant 0 : i32
    %dma_wait3A_383 = tpu.memref_slice %arg3[%arg1, %dma_wait3A_382] : memref<16x999986xf32, #tpu.memory_space<hbm>> -> memref<1x38656xf32, #tpu.memory_space<hbm>>
    %dma_wait3A_384 = tpu.memref_squeeze %dma_wait3A_383 : memref<1x38656xf32, #tpu.memory_space<hbm>> -> memref<38656xf32, #tpu.memory_space<hbm>>
    tpu.wait_dma2 semaphore(%arg12 : memref<!tpu.dma_semaphore, #tpu.memory_space<semaphore_mem>>) src(%dma_wait3A_384 : memref<38656xf32, #tpu.memory_space<hbm>>) dst(%dma_wait3A_381 : memref<38656xf32, #tpu.memory_space<vmem>>)
    %dma_wait3A_385 = arith.constant 0 : i32
    %dma_wait3A_386 = arith.constant 0 : i32
    %dma_wait3A_387 = tpu.memref_slice %arg2[%dma_wait3A_385, %dma_wait3A_386] : memref<26x16384xi32, #tpu.memory_space<hbm>> -> memref<1x16384xi32, #tpu.memory_space<hbm>>
    %dma_wait3A_388 = tpu.memref_squeeze %dma_wait3A_387 : memref<1x16384xi32, #tpu.memory_space<hbm>> -> memref<16384xi32, #tpu.memory_space<hbm>>
    %dma_wait3A_389 = arith.constant 0 : i32
    %dma_wait3A_390 = tpu.memref_slice %arg2[%dma_wait3A_385, %dma_wait3A_389] : memref<26x16384xi32, #tpu.memory_space<hbm>> -> memref<1x16384xi32, #tpu.memory_space<hbm>>
    %dma_wait3A_391 = tpu.memref_squeeze %dma_wait3A_390 : memref<1x16384xi32, #tpu.memory_space<hbm>> -> memref<16384xi32, #tpu.memory_space<hbm>>
    tpu.wait_dma2 semaphore(%arg14 : memref<!tpu.dma_semaphore, #tpu.memory_space<semaphore_mem>>) src(%dma_wait3A_391 : memref<16384xi32, #tpu.memory_space<hbm>>) dst(%arg8 : memref<16384xi32, #tpu.memory_space<vmem>>)
    %eq3A_392 = arith.constant 0 : i32
    %eq3A_393 = arith.cmpi eq, %arg0, %eq3A_392 : i32
    %convert_element_type3A_394 = arith.extui %eq3A_393 : i1 to i32
    %cond3A_395 = arith.constant 0 : i32
    %cond3A_396 = arith.cmpi ne, %convert_element_type3A_394, %cond3A_395 : i32
    scf.if %cond3A_396 {
      %dma_start3A = arith.constant 0 : i32
      %dma_start3A_613 = tpu.memref_slice %arg7[%dma_start3A] : memref<38720xf32, #tpu.memory_space<vmem>> -> memref<38656xf32, #tpu.memory_space<vmem>>
      %dma_start3A_614 = arith.constant 346112 : i32
      %dma_start3A_615 = tpu.memref_slice %arg3[%arg1, %dma_start3A_614] : memref<16x999986xf32, #tpu.memory_space<hbm>> -> memref<1x38656xf32, #tpu.memory_space<hbm>>
      %dma_start3A_616 = tpu.memref_squeeze %dma_start3A_615 : memref<1x38656xf32, #tpu.memory_space<hbm>> -> memref<38656xf32, #tpu.memory_space<hbm>>
      %dma_start3A_617 = arith.constant 0 : i32
      %dma_start3A_618 = tpu.memref_slice %arg7[%dma_start3A_617] : memref<38720xf32, #tpu.memory_space<vmem>> -> memref<38656xf32, #tpu.memory_space<vmem>>
      %dma_start3A_619 = arith.constant 346112 : i32
      %dma_start3A_620 = tpu.memref_slice %arg3[%arg1, %dma_start3A_619] : memref<16x999986xf32, #tpu.memory_space<hbm>> -> memref<1x38656xf32, #tpu.memory_space<hbm>>
      %dma_start3A_621 = tpu.memref_squeeze %dma_start3A_620 : memref<1x38656xf32, #tpu.memory_space<hbm>> -> memref<38656xf32, #tpu.memory_space<hbm>>
      tpu.enqueue_dma source(%dma_start3A_621 : memref<38656xf32, #tpu.memory_space<hbm>>) target(%dma_start3A_618 : memref<38656xf32, #tpu.memory_space<vmem>>) target_semaphore(%arg13 : memref<!tpu.dma_semaphore, #tpu.memory_space<semaphore_mem>>)
      %dma_start3A_622 = arith.constant 9 : i32
      %dma_start3A_623 = arith.constant 0 : i32
      %dma_start3A_624 = tpu.memref_slice %arg2[%dma_start3A_622, %dma_start3A_623] : memref<26x16384xi32, #tpu.memory_space<hbm>> -> memref<1x16384xi32, #tpu.memory_space<hbm>>
      %dma_start3A_625 = tpu.memref_squeeze %dma_start3A_624 : memref<1x16384xi32, #tpu.memory_space<hbm>> -> memref<16384xi32, #tpu.memory_space<hbm>>
      %dma_start3A_626 = arith.constant 0 : i32
      %dma_start3A_627 = tpu.memref_slice %arg2[%dma_start3A_622, %dma_start3A_626] : memref<26x16384xi32, #tpu.memory_space<hbm>> -> memref<1x16384xi32, #tpu.memory_space<hbm>>
      %dma_start3A_628 = tpu.memref_squeeze %dma_start3A_627 : memref<1x16384xi32, #tpu.memory_space<hbm>> -> memref<16384xi32, #tpu.memory_space<hbm>>
      tpu.enqueue_dma source(%dma_start3A_628 : memref<16384xi32, #tpu.memory_space<hbm>>) target(%arg9 : memref<16384xi32, #tpu.memory_space<vmem>>) target_semaphore(%arg15 : memref<!tpu.dma_semaphore, #tpu.memory_space<semaphore_mem>>)
    } else {
    }
    %eq3A_397 = arith.constant 1 : i32
    %eq3A_398 = arith.cmpi eq, %arg0, %eq3A_397 : i32
    %convert_element_type3A_399 = arith.extui %eq3A_398 : i1 to i32
    %cond3A_400 = arith.constant 0 : i32
    %cond3A_401 = arith.cmpi ne, %convert_element_type3A_399, %cond3A_400 : i32
    scf.if %cond3A_401 {
      %dma_start3A = arith.constant 0 : i32
      %dma_start3A_613 = tpu.memref_slice %arg7[%dma_start3A] : memref<38720xf32, #tpu.memory_space<vmem>> -> memref<38656xf32, #tpu.memory_space<vmem>>
      %dma_start3A_614 = arith.constant 846080 : i32
      %dma_start3A_615 = tpu.memref_slice %arg3[%arg1, %dma_start3A_614] : memref<16x999986xf32, #tpu.memory_space<hbm>> -> memref<1x38656xf32, #tpu.memory_space<hbm>>
      %dma_start3A_616 = tpu.memref_squeeze %dma_start3A_615 : memref<1x38656xf32, #tpu.memory_space<hbm>> -> memref<38656xf32, #tpu.memory_space<hbm>>
      %dma_start3A_617 = arith.constant 0 : i32
      %dma_start3A_618 = tpu.memref_slice %arg7[%dma_start3A_617] : memref<38720xf32, #tpu.memory_space<vmem>> -> memref<38656xf32, #tpu.memory_space<vmem>>
      %dma_start3A_619 = arith.constant 846080 : i32
      %dma_start3A_620 = tpu.memref_slice %arg3[%arg1, %dma_start3A_619] : memref<16x999986xf32, #tpu.memory_space<hbm>> -> memref<1x38656xf32, #tpu.memory_space<hbm>>
      %dma_start3A_621 = tpu.memref_squeeze %dma_start3A_620 : memref<1x38656xf32, #tpu.memory_space<hbm>> -> memref<38656xf32, #tpu.memory_space<hbm>>
      tpu.enqueue_dma source(%dma_start3A_621 : memref<38656xf32, #tpu.memory_space<hbm>>) target(%dma_start3A_618 : memref<38656xf32, #tpu.memory_space<vmem>>) target_semaphore(%arg13 : memref<!tpu.dma_semaphore, #tpu.memory_space<semaphore_mem>>)
      %dma_start3A_622 = arith.constant 22 : i32
      %dma_start3A_623 = arith.constant 0 : i32
      %dma_start3A_624 = tpu.memref_slice %arg2[%dma_start3A_622, %dma_start3A_623] : memref<26x16384xi32, #tpu.memory_space<hbm>> -> memref<1x16384xi32, #tpu.memory_space<hbm>>
      %dma_start3A_625 = tpu.memref_squeeze %dma_start3A_624 : memref<1x16384xi32, #tpu.memory_space<hbm>> -> memref<16384xi32, #tpu.memory_space<hbm>>
      %dma_start3A_626 = arith.constant 0 : i32
      %dma_start3A_627 = tpu.memref_slice %arg2[%dma_start3A_622, %dma_start3A_626] : memref<26x16384xi32, #tpu.memory_space<hbm>> -> memref<1x16384xi32, #tpu.memory_space<hbm>>
      %dma_start3A_628 = tpu.memref_squeeze %dma_start3A_627 : memref<1x16384xi32, #tpu.memory_space<hbm>> -> memref<16384xi32, #tpu.memory_space<hbm>>
      tpu.enqueue_dma source(%dma_start3A_628 : memref<16384xi32, #tpu.memory_space<hbm>>) target(%arg9 : memref<16384xi32, #tpu.memory_space<vmem>>) target_semaphore(%arg15 : memref<!tpu.dma_semaphore, #tpu.memory_space<semaphore_mem>>)
    } else {
    }
    %dma_wait3A_402 = arith.constant 0 : i32
    %dma_wait3A_403 = arith.constant 0 : i32
    %dma_wait3A_404 = tpu.memref_slice %arg5[%dma_wait3A_402, %arg1, %dma_wait3A_403] : memref<26x16x16384xf32, #tpu.memory_space<hbm>> -> memref<1x1x16384xf32, #tpu.memory_space<hbm>>
    %dma_wait3A_405 = tpu.memref_squeeze %dma_wait3A_404 : memref<1x1x16384xf32, #tpu.memory_space<hbm>> -> memref<16384xf32, #tpu.memory_space<hbm>>
    %dma_wait3A_406 = arith.constant 0 : i32
    %dma_wait3A_407 = tpu.memref_slice %arg5[%dma_wait3A_402, %arg1, %dma_wait3A_406] : memref<26x16x16384xf32, #tpu.memory_space<hbm>> -> memref<1x1x16384xf32, #tpu.memory_space<hbm>>
    %dma_wait3A_408 = tpu.memref_squeeze %dma_wait3A_407 : memref<1x1x16384xf32, #tpu.memory_space<hbm>> -> memref<16384xf32, #tpu.memory_space<hbm>>
    tpu.wait_dma2 semaphore(%arg16 : memref<!tpu.dma_semaphore, #tpu.memory_space<semaphore_mem>>) src(%arg10 : memref<16384xf32, #tpu.memory_space<vmem>>) dst(%dma_wait3A_408 : memref<16384xf32, #tpu.memory_space<hbm>>)
    %parallel_loop3A_409 = arith.constant 0 : i32
    %parallel_loop3A_410 = arith.constant 1024 : i32
    %parallel_loop3A_411 = arith.constant 1 : i32
    scf.for %parallel_loop3A_613 = %parallel_loop3A_409 to %parallel_loop3A_410 step %parallel_loop3A_411  : i32 {
      %parallel_loop3A_614 = arith.constant 16 : i32
      %parallel_loop3A_615 = arith.muli %parallel_loop3A_613, %parallel_loop3A_614 : i32
      %parallel_loop3A_616 = arith.index_cast %parallel_loop3A_615 : i32 to index
      %parallel_loop3A_617 = tpu.vector_load %arg8[%parallel_loop3A_616] {strides = array<i32>} : memref<16384xi32, #tpu.memory_space<vmem>>, vector<16xi32>,
      %parallel_loop3A_618 = tpu.vector_load_idx %arg6[%parallel_loop3A_617] : memref<38720xf32, #tpu.memory_space<vmem>>[vector<16xi32>], vector<16xf32>,
      %parallel_loop3A_619 = arith.constant 16 : i32
      %parallel_loop3A_620 = arith.muli %parallel_loop3A_613, %parallel_loop3A_619 : i32
      %parallel_loop3A_621 = arith.index_cast %parallel_loop3A_620 : i32 to index
      %parallel_loop3A_622 = tpu.vector_load %arg10[%parallel_loop3A_621] {strides = array<i32>} : memref<16384xf32, #tpu.memory_space<vmem>>, vector<16xf32>,
      tpu.vector_store %arg10[%parallel_loop3A_621], %parallel_loop3A_618 {strides = array<i32>} : memref<16384xf32, #tpu.memory_space<vmem>>, vector<16xf32>,
    } {sc.loop_unroll_factor = 4 : i64, sc.parallel_access}
    %eq3A_412 = arith.constant 0 : i32
    %eq3A_413 = arith.cmpi eq, %arg0, %eq3A_412 : i32
    %convert_element_type3A_414 = arith.extui %eq3A_413 : i1 to i32
    %cond3A_415 = arith.constant 0 : i32
    %cond3A_416 = arith.cmpi ne, %convert_element_type3A_414, %cond3A_415 : i32
    scf.if %cond3A_416 {
      %dma_start3A = arith.constant 8 : i32
      %dma_start3A_613 = arith.constant 0 : i32
      %dma_start3A_614 = tpu.memref_slice %arg5[%dma_start3A, %arg1, %dma_start3A_613] : memref<26x16x16384xf32, #tpu.memory_space<hbm>> -> memref<1x1x16384xf32, #tpu.memory_space<hbm>>
      %dma_start3A_615 = tpu.memref_squeeze %dma_start3A_614 : memref<1x1x16384xf32, #tpu.memory_space<hbm>> -> memref<16384xf32, #tpu.memory_space<hbm>>
      %dma_start3A_616 = arith.constant 0 : i32
      %dma_start3A_617 = tpu.memref_slice %arg5[%dma_start3A, %arg1, %dma_start3A_616] : memref<26x16x16384xf32, #tpu.memory_space<hbm>> -> memref<1x1x16384xf32, #tpu.memory_space<hbm>>
      %dma_start3A_618 = tpu.memref_squeeze %dma_start3A_617 : memref<1x1x16384xf32, #tpu.memory_space<hbm>> -> memref<16384xf32, #tpu.memory_space<hbm>>
      tpu.enqueue_dma source(%arg10 : memref<16384xf32, #tpu.memory_space<vmem>>) target(%dma_start3A_618 : memref<16384xf32, #tpu.memory_space<hbm>>) target_semaphore(%arg16 : memref<!tpu.dma_semaphore, #tpu.memory_space<semaphore_mem>>)
    } else {
    }
    %eq3A_417 = arith.constant 1 : i32
    %eq3A_418 = arith.cmpi eq, %arg0, %eq3A_417 : i32
    %convert_element_type3A_419 = arith.extui %eq3A_418 : i1 to i32
    %cond3A_420 = arith.constant 0 : i32
    %cond3A_421 = arith.cmpi ne, %convert_element_type3A_419, %cond3A_420 : i32
    scf.if %cond3A_421 {
      %dma_start3A = arith.constant 21 : i32
      %dma_start3A_613 = arith.constant 0 : i32
      %dma_start3A_614 = tpu.memref_slice %arg5[%dma_start3A, %arg1, %dma_start3A_613] : memref<26x16x16384xf32, #tpu.memory_space<hbm>> -> memref<1x1x16384xf32, #tpu.memory_space<hbm>>
      %dma_start3A_615 = tpu.memref_squeeze %dma_start3A_614 : memref<1x1x16384xf32, #tpu.memory_space<hbm>> -> memref<16384xf32, #tpu.memory_space<hbm>>
      %dma_start3A_616 = arith.constant 0 : i32
      %dma_start3A_617 = tpu.memref_slice %arg5[%dma_start3A, %arg1, %dma_start3A_616] : memref<26x16x16384xf32, #tpu.memory_space<hbm>> -> memref<1x1x16384xf32, #tpu.memory_space<hbm>>
      %dma_start3A_618 = tpu.memref_squeeze %dma_start3A_617 : memref<1x1x16384xf32, #tpu.memory_space<hbm>> -> memref<16384xf32, #tpu.memory_space<hbm>>
      tpu.enqueue_dma source(%arg10 : memref<16384xf32, #tpu.memory_space<vmem>>) target(%dma_start3A_618 : memref<16384xf32, #tpu.memory_space<hbm>>) target_semaphore(%arg16 : memref<!tpu.dma_semaphore, #tpu.memory_space<semaphore_mem>>)
    } else {
    }
    %dma_wait3A_422 = arith.constant 0 : i32
    %dma_wait3A_423 = tpu.memref_slice %arg7[%dma_wait3A_422] : memref<38720xf32, #tpu.memory_space<vmem>> -> memref<38656xf32, #tpu.memory_space<vmem>>
    %dma_wait3A_424 = arith.constant 0 : i32
    %dma_wait3A_425 = tpu.memref_slice %arg3[%arg1, %dma_wait3A_424] : memref<16x999986xf32, #tpu.memory_space<hbm>> -> memref<1x38656xf32, #tpu.memory_space<hbm>>
    %dma_wait3A_426 = tpu.memref_squeeze %dma_wait3A_425 : memref<1x38656xf32, #tpu.memory_space<hbm>> -> memref<38656xf32, #tpu.memory_space<hbm>>
    %dma_wait3A_427 = arith.constant 0 : i32
    %dma_wait3A_428 = tpu.memref_slice %arg7[%dma_wait3A_427] : memref<38720xf32, #tpu.memory_space<vmem>> -> memref<38656xf32, #tpu.memory_space<vmem>>
    %dma_wait3A_429 = arith.constant 0 : i32
    %dma_wait3A_430 = tpu.memref_slice %arg3[%arg1, %dma_wait3A_429] : memref<16x999986xf32, #tpu.memory_space<hbm>> -> memref<1x38656xf32, #tpu.memory_space<hbm>>
    %dma_wait3A_431 = tpu.memref_squeeze %dma_wait3A_430 : memref<1x38656xf32, #tpu.memory_space<hbm>> -> memref<38656xf32, #tpu.memory_space<hbm>>
    tpu.wait_dma2 semaphore(%arg13 : memref<!tpu.dma_semaphore, #tpu.memory_space<semaphore_mem>>) src(%dma_wait3A_431 : memref<38656xf32, #tpu.memory_space<hbm>>) dst(%dma_wait3A_428 : memref<38656xf32, #tpu.memory_space<vmem>>)
    %dma_wait3A_432 = arith.constant 0 : i32
    %dma_wait3A_433 = arith.constant 0 : i32
    %dma_wait3A_434 = tpu.memref_slice %arg2[%dma_wait3A_432, %dma_wait3A_433] : memref<26x16384xi32, #tpu.memory_space<hbm>> -> memref<1x16384xi32, #tpu.memory_space<hbm>>
    %dma_wait3A_435 = tpu.memref_squeeze %dma_wait3A_434 : memref<1x16384xi32, #tpu.memory_space<hbm>> -> memref<16384xi32, #tpu.memory_space<hbm>>
    %dma_wait3A_436 = arith.constant 0 : i32
    %dma_wait3A_437 = tpu.memref_slice %arg2[%dma_wait3A_432, %dma_wait3A_436] : memref<26x16384xi32, #tpu.memory_space<hbm>> -> memref<1x16384xi32, #tpu.memory_space<hbm>>
    %dma_wait3A_438 = tpu.memref_squeeze %dma_wait3A_437 : memref<1x16384xi32, #tpu.memory_space<hbm>> -> memref<16384xi32, #tpu.memory_space<hbm>>
    tpu.wait_dma2 semaphore(%arg15 : memref<!tpu.dma_semaphore, #tpu.memory_space<semaphore_mem>>) src(%dma_wait3A_438 : memref<16384xi32, #tpu.memory_space<hbm>>) dst(%arg9 : memref<16384xi32, #tpu.memory_space<vmem>>)
    %eq3A_439 = arith.constant 0 : i32
    %eq3A_440 = arith.cmpi eq, %arg0, %eq3A_439 : i32
    %convert_element_type3A_441 = arith.extui %eq3A_440 : i1 to i32
    %cond3A_442 = arith.constant 0 : i32
    %cond3A_443 = arith.cmpi ne, %convert_element_type3A_441, %cond3A_442 : i32
    scf.if %cond3A_443 {
      %dma_start3A = arith.constant 0 : i32
      %dma_start3A_613 = tpu.memref_slice %arg6[%dma_start3A] : memref<38720xf32, #tpu.memory_space<vmem>> -> memref<38656xf32, #tpu.memory_space<vmem>>
      %dma_start3A_614 = arith.constant 384512 : i32
      %dma_start3A_615 = tpu.memref_slice %arg3[%arg1, %dma_start3A_614] : memref<16x999986xf32, #tpu.memory_space<hbm>> -> memref<1x38656xf32, #tpu.memory_space<hbm>>
      %dma_start3A_616 = tpu.memref_squeeze %dma_start3A_615 : memref<1x38656xf32, #tpu.memory_space<hbm>> -> memref<38656xf32, #tpu.memory_space<hbm>>
      %dma_start3A_617 = arith.constant 0 : i32
      %dma_start3A_618 = tpu.memref_slice %arg6[%dma_start3A_617] : memref<38720xf32, #tpu.memory_space<vmem>> -> memref<38656xf32, #tpu.memory_space<vmem>>
      %dma_start3A_619 = arith.constant 384512 : i32
      %dma_start3A_620 = tpu.memref_slice %arg3[%arg1, %dma_start3A_619] : memref<16x999986xf32, #tpu.memory_space<hbm>> -> memref<1x38656xf32, #tpu.memory_space<hbm>>
      %dma_start3A_621 = tpu.memref_squeeze %dma_start3A_620 : memref<1x38656xf32, #tpu.memory_space<hbm>> -> memref<38656xf32, #tpu.memory_space<hbm>>
      tpu.enqueue_dma source(%dma_start3A_621 : memref<38656xf32, #tpu.memory_space<hbm>>) target(%dma_start3A_618 : memref<38656xf32, #tpu.memory_space<vmem>>) target_semaphore(%arg12 : memref<!tpu.dma_semaphore, #tpu.memory_space<semaphore_mem>>)
      %dma_start3A_622 = arith.constant 10 : i32
      %dma_start3A_623 = arith.constant 0 : i32
      %dma_start3A_624 = tpu.memref_slice %arg2[%dma_start3A_622, %dma_start3A_623] : memref<26x16384xi32, #tpu.memory_space<hbm>> -> memref<1x16384xi32, #tpu.memory_space<hbm>>
      %dma_start3A_625 = tpu.memref_squeeze %dma_start3A_624 : memref<1x16384xi32, #tpu.memory_space<hbm>> -> memref<16384xi32, #tpu.memory_space<hbm>>
      %dma_start3A_626 = arith.constant 0 : i32
      %dma_start3A_627 = tpu.memref_slice %arg2[%dma_start3A_622, %dma_start3A_626] : memref<26x16384xi32, #tpu.memory_space<hbm>> -> memref<1x16384xi32, #tpu.memory_space<hbm>>
      %dma_start3A_628 = tpu.memref_squeeze %dma_start3A_627 : memref<1x16384xi32, #tpu.memory_space<hbm>> -> memref<16384xi32, #tpu.memory_space<hbm>>
      tpu.enqueue_dma source(%dma_start3A_628 : memref<16384xi32, #tpu.memory_space<hbm>>) target(%arg8 : memref<16384xi32, #tpu.memory_space<vmem>>) target_semaphore(%arg14 : memref<!tpu.dma_semaphore, #tpu.memory_space<semaphore_mem>>)
    } else {
    }
    %eq3A_444 = arith.constant 1 : i32
    %eq3A_445 = arith.cmpi eq, %arg0, %eq3A_444 : i32
    %convert_element_type3A_446 = arith.extui %eq3A_445 : i1 to i32
    %cond3A_447 = arith.constant 0 : i32
    %cond3A_448 = arith.cmpi ne, %convert_element_type3A_446, %cond3A_447 : i32
    scf.if %cond3A_448 {
      %dma_start3A = arith.constant 0 : i32
      %dma_start3A_613 = tpu.memref_slice %arg6[%dma_start3A] : memref<38720xf32, #tpu.memory_space<vmem>> -> memref<38656xf32, #tpu.memory_space<vmem>>
      %dma_start3A_614 = arith.constant 884480 : i32
      %dma_start3A_615 = tpu.memref_slice %arg3[%arg1, %dma_start3A_614] : memref<16x999986xf32, #tpu.memory_space<hbm>> -> memref<1x38656xf32, #tpu.memory_space<hbm>>
      %dma_start3A_616 = tpu.memref_squeeze %dma_start3A_615 : memref<1x38656xf32, #tpu.memory_space<hbm>> -> memref<38656xf32, #tpu.memory_space<hbm>>
      %dma_start3A_617 = arith.constant 0 : i32
      %dma_start3A_618 = tpu.memref_slice %arg6[%dma_start3A_617] : memref<38720xf32, #tpu.memory_space<vmem>> -> memref<38656xf32, #tpu.memory_space<vmem>>
      %dma_start3A_619 = arith.constant 884480 : i32
      %dma_start3A_620 = tpu.memref_slice %arg3[%arg1, %dma_start3A_619] : memref<16x999986xf32, #tpu.memory_space<hbm>> -> memref<1x38656xf32, #tpu.memory_space<hbm>>
      %dma_start3A_621 = tpu.memref_squeeze %dma_start3A_620 : memref<1x38656xf32, #tpu.memory_space<hbm>> -> memref<38656xf32, #tpu.memory_space<hbm>>
      tpu.enqueue_dma source(%dma_start3A_621 : memref<38656xf32, #tpu.memory_space<hbm>>) target(%dma_start3A_618 : memref<38656xf32, #tpu.memory_space<vmem>>) target_semaphore(%arg12 : memref<!tpu.dma_semaphore, #tpu.memory_space<semaphore_mem>>)
      %dma_start3A_622 = arith.constant 23 : i32
      %dma_start3A_623 = arith.constant 0 : i32
      %dma_start3A_624 = tpu.memref_slice %arg2[%dma_start3A_622, %dma_start3A_623] : memref<26x16384xi32, #tpu.memory_space<hbm>> -> memref<1x16384xi32, #tpu.memory_space<hbm>>
      %dma_start3A_625 = tpu.memref_squeeze %dma_start3A_624 : memref<1x16384xi32, #tpu.memory_space<hbm>> -> memref<16384xi32, #tpu.memory_space<hbm>>
      %dma_start3A_626 = arith.constant 0 : i32
      %dma_start3A_627 = tpu.memref_slice %arg2[%dma_start3A_622, %dma_start3A_626] : memref<26x16384xi32, #tpu.memory_space<hbm>> -> memref<1x16384xi32, #tpu.memory_space<hbm>>
      %dma_start3A_628 = tpu.memref_squeeze %dma_start3A_627 : memref<1x16384xi32, #tpu.memory_space<hbm>> -> memref<16384xi32, #tpu.memory_space<hbm>>
      tpu.enqueue_dma source(%dma_start3A_628 : memref<16384xi32, #tpu.memory_space<hbm>>) target(%arg8 : memref<16384xi32, #tpu.memory_space<vmem>>) target_semaphore(%arg14 : memref<!tpu.dma_semaphore, #tpu.memory_space<semaphore_mem>>)
    } else {
    }
    %dma_wait3A_449 = arith.constant 0 : i32
    %dma_wait3A_450 = arith.constant 0 : i32
    %dma_wait3A_451 = tpu.memref_slice %arg5[%dma_wait3A_449, %arg1, %dma_wait3A_450] : memref<26x16x16384xf32, #tpu.memory_space<hbm>> -> memref<1x1x16384xf32, #tpu.memory_space<hbm>>
    %dma_wait3A_452 = tpu.memref_squeeze %dma_wait3A_451 : memref<1x1x16384xf32, #tpu.memory_space<hbm>> -> memref<16384xf32, #tpu.memory_space<hbm>>
    %dma_wait3A_453 = arith.constant 0 : i32
    %dma_wait3A_454 = tpu.memref_slice %arg5[%dma_wait3A_449, %arg1, %dma_wait3A_453] : memref<26x16x16384xf32, #tpu.memory_space<hbm>> -> memref<1x1x16384xf32, #tpu.memory_space<hbm>>
    %dma_wait3A_455 = tpu.memref_squeeze %dma_wait3A_454 : memref<1x1x16384xf32, #tpu.memory_space<hbm>> -> memref<16384xf32, #tpu.memory_space<hbm>>
    tpu.wait_dma2 semaphore(%arg16 : memref<!tpu.dma_semaphore, #tpu.memory_space<semaphore_mem>>) src(%arg10 : memref<16384xf32, #tpu.memory_space<vmem>>) dst(%dma_wait3A_455 : memref<16384xf32, #tpu.memory_space<hbm>>)
    %parallel_loop3A_456 = arith.constant 0 : i32
    %parallel_loop3A_457 = arith.constant 1024 : i32
    %parallel_loop3A_458 = arith.constant 1 : i32
    scf.for %parallel_loop3A_613 = %parallel_loop3A_456 to %parallel_loop3A_457 step %parallel_loop3A_458  : i32 {
      %parallel_loop3A_614 = arith.constant 16 : i32
      %parallel_loop3A_615 = arith.muli %parallel_loop3A_613, %parallel_loop3A_614 : i32
      %parallel_loop3A_616 = arith.index_cast %parallel_loop3A_615 : i32 to index
      %parallel_loop3A_617 = tpu.vector_load %arg9[%parallel_loop3A_616] {strides = array<i32>} : memref<16384xi32, #tpu.memory_space<vmem>>, vector<16xi32>,
      %parallel_loop3A_618 = tpu.vector_load_idx %arg7[%parallel_loop3A_617] : memref<38720xf32, #tpu.memory_space<vmem>>[vector<16xi32>], vector<16xf32>,
      %parallel_loop3A_619 = arith.constant 16 : i32
      %parallel_loop3A_620 = arith.muli %parallel_loop3A_613, %parallel_loop3A_619 : i32
      %parallel_loop3A_621 = arith.index_cast %parallel_loop3A_620 : i32 to index
      %parallel_loop3A_622 = tpu.vector_load %arg10[%parallel_loop3A_621] {strides = array<i32>} : memref<16384xf32, #tpu.memory_space<vmem>>, vector<16xf32>,
      tpu.vector_store %arg10[%parallel_loop3A_621], %parallel_loop3A_618 {strides = array<i32>} : memref<16384xf32, #tpu.memory_space<vmem>>, vector<16xf32>,
    } {sc.loop_unroll_factor = 4 : i64, sc.parallel_access}
    %eq3A_459 = arith.constant 0 : i32
    %eq3A_460 = arith.cmpi eq, %arg0, %eq3A_459 : i32
    %convert_element_type3A_461 = arith.extui %eq3A_460 : i1 to i32
    %cond3A_462 = arith.constant 0 : i32
    %cond3A_463 = arith.cmpi ne, %convert_element_type3A_461, %cond3A_462 : i32
    scf.if %cond3A_463 {
      %dma_start3A = arith.constant 9 : i32
      %dma_start3A_613 = arith.constant 0 : i32
      %dma_start3A_614 = tpu.memref_slice %arg5[%dma_start3A, %arg1, %dma_start3A_613] : memref<26x16x16384xf32, #tpu.memory_space<hbm>> -> memref<1x1x16384xf32, #tpu.memory_space<hbm>>
      %dma_start3A_615 = tpu.memref_squeeze %dma_start3A_614 : memref<1x1x16384xf32, #tpu.memory_space<hbm>> -> memref<16384xf32, #tpu.memory_space<hbm>>
      %dma_start3A_616 = arith.constant 0 : i32
      %dma_start3A_617 = tpu.memref_slice %arg5[%dma_start3A, %arg1, %dma_start3A_616] : memref<26x16x16384xf32, #tpu.memory_space<hbm>> -> memref<1x1x16384xf32, #tpu.memory_space<hbm>>
      %dma_start3A_618 = tpu.memref_squeeze %dma_start3A_617 : memref<1x1x16384xf32, #tpu.memory_space<hbm>> -> memref<16384xf32, #tpu.memory_space<hbm>>
      tpu.enqueue_dma source(%arg10 : memref<16384xf32, #tpu.memory_space<vmem>>) target(%dma_start3A_618 : memref<16384xf32, #tpu.memory_space<hbm>>) target_semaphore(%arg16 : memref<!tpu.dma_semaphore, #tpu.memory_space<semaphore_mem>>)
    } else {
    }
    %eq3A_464 = arith.constant 1 : i32
    %eq3A_465 = arith.cmpi eq, %arg0, %eq3A_464 : i32
    %convert_element_type3A_466 = arith.extui %eq3A_465 : i1 to i32
    %cond3A_467 = arith.constant 0 : i32
    %cond3A_468 = arith.cmpi ne, %convert_element_type3A_466, %cond3A_467 : i32
    scf.if %cond3A_468 {
      %dma_start3A = arith.constant 22 : i32
      %dma_start3A_613 = arith.constant 0 : i32
      %dma_start3A_614 = tpu.memref_slice %arg5[%dma_start3A, %arg1, %dma_start3A_613] : memref<26x16x16384xf32, #tpu.memory_space<hbm>> -> memref<1x1x16384xf32, #tpu.memory_space<hbm>>
      %dma_start3A_615 = tpu.memref_squeeze %dma_start3A_614 : memref<1x1x16384xf32, #tpu.memory_space<hbm>> -> memref<16384xf32, #tpu.memory_space<hbm>>
      %dma_start3A_616 = arith.constant 0 : i32
      %dma_start3A_617 = tpu.memref_slice %arg5[%dma_start3A, %arg1, %dma_start3A_616] : memref<26x16x16384xf32, #tpu.memory_space<hbm>> -> memref<1x1x16384xf32, #tpu.memory_space<hbm>>
      %dma_start3A_618 = tpu.memref_squeeze %dma_start3A_617 : memref<1x1x16384xf32, #tpu.memory_space<hbm>> -> memref<16384xf32, #tpu.memory_space<hbm>>
      tpu.enqueue_dma source(%arg10 : memref<16384xf32, #tpu.memory_space<vmem>>) target(%dma_start3A_618 : memref<16384xf32, #tpu.memory_space<hbm>>) target_semaphore(%arg16 : memref<!tpu.dma_semaphore, #tpu.memory_space<semaphore_mem>>)
    } else {
    }
    %dma_wait3A_469 = arith.constant 0 : i32
    %dma_wait3A_470 = tpu.memref_slice %arg6[%dma_wait3A_469] : memref<38720xf32, #tpu.memory_space<vmem>> -> memref<38656xf32, #tpu.memory_space<vmem>>
    %dma_wait3A_471 = arith.constant 0 : i32
    %dma_wait3A_472 = tpu.memref_slice %arg3[%arg1, %dma_wait3A_471] : memref<16x999986xf32, #tpu.memory_space<hbm>> -> memref<1x38656xf32, #tpu.memory_space<hbm>>
    %dma_wait3A_473 = tpu.memref_squeeze %dma_wait3A_472 : memref<1x38656xf32, #tpu.memory_space<hbm>> -> memref<38656xf32, #tpu.memory_space<hbm>>
    %dma_wait3A_474 = arith.constant 0 : i32
    %dma_wait3A_475 = tpu.memref_slice %arg6[%dma_wait3A_474] : memref<38720xf32, #tpu.memory_space<vmem>> -> memref<38656xf32, #tpu.memory_space<vmem>>
    %dma_wait3A_476 = arith.constant 0 : i32
    %dma_wait3A_477 = tpu.memref_slice %arg3[%arg1, %dma_wait3A_476] : memref<16x999986xf32, #tpu.memory_space<hbm>> -> memref<1x38656xf32, #tpu.memory_space<hbm>>
    %dma_wait3A_478 = tpu.memref_squeeze %dma_wait3A_477 : memref<1x38656xf32, #tpu.memory_space<hbm>> -> memref<38656xf32, #tpu.memory_space<hbm>>
    tpu.wait_dma2 semaphore(%arg12 : memref<!tpu.dma_semaphore, #tpu.memory_space<semaphore_mem>>) src(%dma_wait3A_478 : memref<38656xf32, #tpu.memory_space<hbm>>) dst(%dma_wait3A_475 : memref<38656xf32, #tpu.memory_space<vmem>>)
    %dma_wait3A_479 = arith.constant 0 : i32
    %dma_wait3A_480 = arith.constant 0 : i32
    %dma_wait3A_481 = tpu.memref_slice %arg2[%dma_wait3A_479, %dma_wait3A_480] : memref<26x16384xi32, #tpu.memory_space<hbm>> -> memref<1x16384xi32, #tpu.memory_space<hbm>>
    %dma_wait3A_482 = tpu.memref_squeeze %dma_wait3A_481 : memref<1x16384xi32, #tpu.memory_space<hbm>> -> memref<16384xi32, #tpu.memory_space<hbm>>
    %dma_wait3A_483 = arith.constant 0 : i32
    %dma_wait3A_484 = tpu.memref_slice %arg2[%dma_wait3A_479, %dma_wait3A_483] : memref<26x16384xi32, #tpu.memory_space<hbm>> -> memref<1x16384xi32, #tpu.memory_space<hbm>>
    %dma_wait3A_485 = tpu.memref_squeeze %dma_wait3A_484 : memref<1x16384xi32, #tpu.memory_space<hbm>> -> memref<16384xi32, #tpu.memory_space<hbm>>
    tpu.wait_dma2 semaphore(%arg14 : memref<!tpu.dma_semaphore, #tpu.memory_space<semaphore_mem>>) src(%dma_wait3A_485 : memref<16384xi32, #tpu.memory_space<hbm>>) dst(%arg8 : memref<16384xi32, #tpu.memory_space<vmem>>)
    %eq3A_486 = arith.constant 0 : i32
    %eq3A_487 = arith.cmpi eq, %arg0, %eq3A_486 : i32
    %convert_element_type3A_488 = arith.extui %eq3A_487 : i1 to i32
    %cond3A_489 = arith.constant 0 : i32
    %cond3A_490 = arith.cmpi ne, %convert_element_type3A_488, %cond3A_489 : i32
    scf.if %cond3A_490 {
      %dma_start3A = arith.constant 0 : i32
      %dma_start3A_613 = tpu.memref_slice %arg7[%dma_start3A] : memref<38720xf32, #tpu.memory_space<vmem>> -> memref<38656xf32, #tpu.memory_space<vmem>>
      %dma_start3A_614 = arith.constant 423040 : i32
      %dma_start3A_615 = tpu.memref_slice %arg3[%arg1, %dma_start3A_614] : memref<16x999986xf32, #tpu.memory_space<hbm>> -> memref<1x38656xf32, #tpu.memory_space<hbm>>
      %dma_start3A_616 = tpu.memref_squeeze %dma_start3A_615 : memref<1x38656xf32, #tpu.memory_space<hbm>> -> memref<38656xf32, #tpu.memory_space<hbm>>
      %dma_start3A_617 = arith.constant 0 : i32
      %dma_start3A_618 = tpu.memref_slice %arg7[%dma_start3A_617] : memref<38720xf32, #tpu.memory_space<vmem>> -> memref<38656xf32, #tpu.memory_space<vmem>>
      %dma_start3A_619 = arith.constant 423040 : i32
      %dma_start3A_620 = tpu.memref_slice %arg3[%arg1, %dma_start3A_619] : memref<16x999986xf32, #tpu.memory_space<hbm>> -> memref<1x38656xf32, #tpu.memory_space<hbm>>
      %dma_start3A_621 = tpu.memref_squeeze %dma_start3A_620 : memref<1x38656xf32, #tpu.memory_space<hbm>> -> memref<38656xf32, #tpu.memory_space<hbm>>
      tpu.enqueue_dma source(%dma_start3A_621 : memref<38656xf32, #tpu.memory_space<hbm>>) target(%dma_start3A_618 : memref<38656xf32, #tpu.memory_space<vmem>>) target_semaphore(%arg13 : memref<!tpu.dma_semaphore, #tpu.memory_space<semaphore_mem>>)
      %dma_start3A_622 = arith.constant 11 : i32
      %dma_start3A_623 = arith.constant 0 : i32
      %dma_start3A_624 = tpu.memref_slice %arg2[%dma_start3A_622, %dma_start3A_623] : memref<26x16384xi32, #tpu.memory_space<hbm>> -> memref<1x16384xi32, #tpu.memory_space<hbm>>
      %dma_start3A_625 = tpu.memref_squeeze %dma_start3A_624 : memref<1x16384xi32, #tpu.memory_space<hbm>> -> memref<16384xi32, #tpu.memory_space<hbm>>
      %dma_start3A_626 = arith.constant 0 : i32
      %dma_start3A_627 = tpu.memref_slice %arg2[%dma_start3A_622, %dma_start3A_626] : memref<26x16384xi32, #tpu.memory_space<hbm>> -> memref<1x16384xi32, #tpu.memory_space<hbm>>
      %dma_start3A_628 = tpu.memref_squeeze %dma_start3A_627 : memref<1x16384xi32, #tpu.memory_space<hbm>> -> memref<16384xi32, #tpu.memory_space<hbm>>
      tpu.enqueue_dma source(%dma_start3A_628 : memref<16384xi32, #tpu.memory_space<hbm>>) target(%arg9 : memref<16384xi32, #tpu.memory_space<vmem>>) target_semaphore(%arg15 : memref<!tpu.dma_semaphore, #tpu.memory_space<semaphore_mem>>)
    } else {
    }
    %eq3A_491 = arith.constant 1 : i32
    %eq3A_492 = arith.cmpi eq, %arg0, %eq3A_491 : i32
    %convert_element_type3A_493 = arith.extui %eq3A_492 : i1 to i32
    %cond3A_494 = arith.constant 0 : i32
    %cond3A_495 = arith.cmpi ne, %convert_element_type3A_493, %cond3A_494 : i32
    scf.if %cond3A_495 {
      %dma_start3A = arith.constant 0 : i32
      %dma_start3A_613 = tpu.memref_slice %arg7[%dma_start3A] : memref<38720xf32, #tpu.memory_space<vmem>> -> memref<38656xf32, #tpu.memory_space<vmem>>
      %dma_start3A_614 = arith.constant 923008 : i32
      %dma_start3A_615 = tpu.memref_slice %arg3[%arg1, %dma_start3A_614] : memref<16x999986xf32, #tpu.memory_space<hbm>> -> memref<1x38656xf32, #tpu.memory_space<hbm>>
      %dma_start3A_616 = tpu.memref_squeeze %dma_start3A_615 : memref<1x38656xf32, #tpu.memory_space<hbm>> -> memref<38656xf32, #tpu.memory_space<hbm>>
      %dma_start3A_617 = arith.constant 0 : i32
      %dma_start3A_618 = tpu.memref_slice %arg7[%dma_start3A_617] : memref<38720xf32, #tpu.memory_space<vmem>> -> memref<38656xf32, #tpu.memory_space<vmem>>
      %dma_start3A_619 = arith.constant 923008 : i32
      %dma_start3A_620 = tpu.memref_slice %arg3[%arg1, %dma_start3A_619] : memref<16x999986xf32, #tpu.memory_space<hbm>> -> memref<1x38656xf32, #tpu.memory_space<hbm>>
      %dma_start3A_621 = tpu.memref_squeeze %dma_start3A_620 : memref<1x38656xf32, #tpu.memory_space<hbm>> -> memref<38656xf32, #tpu.memory_space<hbm>>
      tpu.enqueue_dma source(%dma_start3A_621 : memref<38656xf32, #tpu.memory_space<hbm>>) target(%dma_start3A_618 : memref<38656xf32, #tpu.memory_space<vmem>>) target_semaphore(%arg13 : memref<!tpu.dma_semaphore, #tpu.memory_space<semaphore_mem>>)
      %dma_start3A_622 = arith.constant 24 : i32
      %dma_start3A_623 = arith.constant 0 : i32
      %dma_start3A_624 = tpu.memref_slice %arg2[%dma_start3A_622, %dma_start3A_623] : memref<26x16384xi32, #tpu.memory_space<hbm>> -> memref<1x16384xi32, #tpu.memory_space<hbm>>
      %dma_start3A_625 = tpu.memref_squeeze %dma_start3A_624 : memref<1x16384xi32, #tpu.memory_space<hbm>> -> memref<16384xi32, #tpu.memory_space<hbm>>
      %dma_start3A_626 = arith.constant 0 : i32
      %dma_start3A_627 = tpu.memref_slice %arg2[%dma_start3A_622, %dma_start3A_626] : memref<26x16384xi32, #tpu.memory_space<hbm>> -> memref<1x16384xi32, #tpu.memory_space<hbm>>
      %dma_start3A_628 = tpu.memref_squeeze %dma_start3A_627 : memref<1x16384xi32, #tpu.memory_space<hbm>> -> memref<16384xi32, #tpu.memory_space<hbm>>
      tpu.enqueue_dma source(%dma_start3A_628 : memref<16384xi32, #tpu.memory_space<hbm>>) target(%arg9 : memref<16384xi32, #tpu.memory_space<vmem>>) target_semaphore(%arg15 : memref<!tpu.dma_semaphore, #tpu.memory_space<semaphore_mem>>)
    } else {
    }
    %dma_wait3A_496 = arith.constant 0 : i32
    %dma_wait3A_497 = arith.constant 0 : i32
    %dma_wait3A_498 = tpu.memref_slice %arg5[%dma_wait3A_496, %arg1, %dma_wait3A_497] : memref<26x16x16384xf32, #tpu.memory_space<hbm>> -> memref<1x1x16384xf32, #tpu.memory_space<hbm>>
    %dma_wait3A_499 = tpu.memref_squeeze %dma_wait3A_498 : memref<1x1x16384xf32, #tpu.memory_space<hbm>> -> memref<16384xf32, #tpu.memory_space<hbm>>
    %dma_wait3A_500 = arith.constant 0 : i32
    %dma_wait3A_501 = tpu.memref_slice %arg5[%dma_wait3A_496, %arg1, %dma_wait3A_500] : memref<26x16x16384xf32, #tpu.memory_space<hbm>> -> memref<1x1x16384xf32, #tpu.memory_space<hbm>>
    %dma_wait3A_502 = tpu.memref_squeeze %dma_wait3A_501 : memref<1x1x16384xf32, #tpu.memory_space<hbm>> -> memref<16384xf32, #tpu.memory_space<hbm>>
    tpu.wait_dma2 semaphore(%arg16 : memref<!tpu.dma_semaphore, #tpu.memory_space<semaphore_mem>>) src(%arg10 : memref<16384xf32, #tpu.memory_space<vmem>>) dst(%dma_wait3A_502 : memref<16384xf32, #tpu.memory_space<hbm>>)
    %parallel_loop3A_503 = arith.constant 0 : i32
    %parallel_loop3A_504 = arith.constant 1024 : i32
    %parallel_loop3A_505 = arith.constant 1 : i32
    scf.for %parallel_loop3A_613 = %parallel_loop3A_503 to %parallel_loop3A_504 step %parallel_loop3A_505  : i32 {
      %parallel_loop3A_614 = arith.constant 16 : i32
      %parallel_loop3A_615 = arith.muli %parallel_loop3A_613, %parallel_loop3A_614 : i32
      %parallel_loop3A_616 = arith.index_cast %parallel_loop3A_615 : i32 to index
      %parallel_loop3A_617 = tpu.vector_load %arg8[%parallel_loop3A_616] {strides = array<i32>} : memref<16384xi32, #tpu.memory_space<vmem>>, vector<16xi32>,
      %parallel_loop3A_618 = tpu.vector_load_idx %arg6[%parallel_loop3A_617] : memref<38720xf32, #tpu.memory_space<vmem>>[vector<16xi32>], vector<16xf32>,
      %parallel_loop3A_619 = arith.constant 16 : i32
      %parallel_loop3A_620 = arith.muli %parallel_loop3A_613, %parallel_loop3A_619 : i32
      %parallel_loop3A_621 = arith.index_cast %parallel_loop3A_620 : i32 to index
      %parallel_loop3A_622 = tpu.vector_load %arg10[%parallel_loop3A_621] {strides = array<i32>} : memref<16384xf32, #tpu.memory_space<vmem>>, vector<16xf32>,
      tpu.vector_store %arg10[%parallel_loop3A_621], %parallel_loop3A_618 {strides = array<i32>} : memref<16384xf32, #tpu.memory_space<vmem>>, vector<16xf32>,
    } {sc.loop_unroll_factor = 4 : i64, sc.parallel_access}
    %eq3A_506 = arith.constant 0 : i32
    %eq3A_507 = arith.cmpi eq, %arg0, %eq3A_506 : i32
    %convert_element_type3A_508 = arith.extui %eq3A_507 : i1 to i32
    %cond3A_509 = arith.constant 0 : i32
    %cond3A_510 = arith.cmpi ne, %convert_element_type3A_508, %cond3A_509 : i32
    scf.if %cond3A_510 {
      %dma_start3A = arith.constant 10 : i32
      %dma_start3A_613 = arith.constant 0 : i32
      %dma_start3A_614 = tpu.memref_slice %arg5[%dma_start3A, %arg1, %dma_start3A_613] : memref<26x16x16384xf32, #tpu.memory_space<hbm>> -> memref<1x1x16384xf32, #tpu.memory_space<hbm>>
      %dma_start3A_615 = tpu.memref_squeeze %dma_start3A_614 : memref<1x1x16384xf32, #tpu.memory_space<hbm>> -> memref<16384xf32, #tpu.memory_space<hbm>>
      %dma_start3A_616 = arith.constant 0 : i32
      %dma_start3A_617 = tpu.memref_slice %arg5[%dma_start3A, %arg1, %dma_start3A_616] : memref<26x16x16384xf32, #tpu.memory_space<hbm>> -> memref<1x1x16384xf32, #tpu.memory_space<hbm>>
      %dma_start3A_618 = tpu.memref_squeeze %dma_start3A_617 : memref<1x1x16384xf32, #tpu.memory_space<hbm>> -> memref<16384xf32, #tpu.memory_space<hbm>>
      tpu.enqueue_dma source(%arg10 : memref<16384xf32, #tpu.memory_space<vmem>>) target(%dma_start3A_618 : memref<16384xf32, #tpu.memory_space<hbm>>) target_semaphore(%arg16 : memref<!tpu.dma_semaphore, #tpu.memory_space<semaphore_mem>>)
    } else {
    }
    %eq3A_511 = arith.constant 1 : i32
    %eq3A_512 = arith.cmpi eq, %arg0, %eq3A_511 : i32
    %convert_element_type3A_513 = arith.extui %eq3A_512 : i1 to i32
    %cond3A_514 = arith.constant 0 : i32
    %cond3A_515 = arith.cmpi ne, %convert_element_type3A_513, %cond3A_514 : i32
    scf.if %cond3A_515 {
      %dma_start3A = arith.constant 23 : i32
      %dma_start3A_613 = arith.constant 0 : i32
      %dma_start3A_614 = tpu.memref_slice %arg5[%dma_start3A, %arg1, %dma_start3A_613] : memref<26x16x16384xf32, #tpu.memory_space<hbm>> -> memref<1x1x16384xf32, #tpu.memory_space<hbm>>
      %dma_start3A_615 = tpu.memref_squeeze %dma_start3A_614 : memref<1x1x16384xf32, #tpu.memory_space<hbm>> -> memref<16384xf32, #tpu.memory_space<hbm>>
      %dma_start3A_616 = arith.constant 0 : i32
      %dma_start3A_617 = tpu.memref_slice %arg5[%dma_start3A, %arg1, %dma_start3A_616] : memref<26x16x16384xf32, #tpu.memory_space<hbm>> -> memref<1x1x16384xf32, #tpu.memory_space<hbm>>
      %dma_start3A_618 = tpu.memref_squeeze %dma_start3A_617 : memref<1x1x16384xf32, #tpu.memory_space<hbm>> -> memref<16384xf32, #tpu.memory_space<hbm>>
      tpu.enqueue_dma source(%arg10 : memref<16384xf32, #tpu.memory_space<vmem>>) target(%dma_start3A_618 : memref<16384xf32, #tpu.memory_space<hbm>>) target_semaphore(%arg16 : memref<!tpu.dma_semaphore, #tpu.memory_space<semaphore_mem>>)
    } else {
    }
    %dma_wait3A_516 = arith.constant 0 : i32
    %dma_wait3A_517 = tpu.memref_slice %arg7[%dma_wait3A_516] : memref<38720xf32, #tpu.memory_space<vmem>> -> memref<38656xf32, #tpu.memory_space<vmem>>
    %dma_wait3A_518 = arith.constant 0 : i32
    %dma_wait3A_519 = tpu.memref_slice %arg3[%arg1, %dma_wait3A_518] : memref<16x999986xf32, #tpu.memory_space<hbm>> -> memref<1x38656xf32, #tpu.memory_space<hbm>>
    %dma_wait3A_520 = tpu.memref_squeeze %dma_wait3A_519 : memref<1x38656xf32, #tpu.memory_space<hbm>> -> memref<38656xf32, #tpu.memory_space<hbm>>
    %dma_wait3A_521 = arith.constant 0 : i32
    %dma_wait3A_522 = tpu.memref_slice %arg7[%dma_wait3A_521] : memref<38720xf32, #tpu.memory_space<vmem>> -> memref<38656xf32, #tpu.memory_space<vmem>>
    %dma_wait3A_523 = arith.constant 0 : i32
    %dma_wait3A_524 = tpu.memref_slice %arg3[%arg1, %dma_wait3A_523] : memref<16x999986xf32, #tpu.memory_space<hbm>> -> memref<1x38656xf32, #tpu.memory_space<hbm>>
    %dma_wait3A_525 = tpu.memref_squeeze %dma_wait3A_524 : memref<1x38656xf32, #tpu.memory_space<hbm>> -> memref<38656xf32, #tpu.memory_space<hbm>>
    tpu.wait_dma2 semaphore(%arg13 : memref<!tpu.dma_semaphore, #tpu.memory_space<semaphore_mem>>) src(%dma_wait3A_525 : memref<38656xf32, #tpu.memory_space<hbm>>) dst(%dma_wait3A_522 : memref<38656xf32, #tpu.memory_space<vmem>>)
    %dma_wait3A_526 = arith.constant 0 : i32
    %dma_wait3A_527 = arith.constant 0 : i32
    %dma_wait3A_528 = tpu.memref_slice %arg2[%dma_wait3A_526, %dma_wait3A_527] : memref<26x16384xi32, #tpu.memory_space<hbm>> -> memref<1x16384xi32, #tpu.memory_space<hbm>>
    %dma_wait3A_529 = tpu.memref_squeeze %dma_wait3A_528 : memref<1x16384xi32, #tpu.memory_space<hbm>> -> memref<16384xi32, #tpu.memory_space<hbm>>
    %dma_wait3A_530 = arith.constant 0 : i32
    %dma_wait3A_531 = tpu.memref_slice %arg2[%dma_wait3A_526, %dma_wait3A_530] : memref<26x16384xi32, #tpu.memory_space<hbm>> -> memref<1x16384xi32, #tpu.memory_space<hbm>>
    %dma_wait3A_532 = tpu.memref_squeeze %dma_wait3A_531 : memref<1x16384xi32, #tpu.memory_space<hbm>> -> memref<16384xi32, #tpu.memory_space<hbm>>
    tpu.wait_dma2 semaphore(%arg15 : memref<!tpu.dma_semaphore, #tpu.memory_space<semaphore_mem>>) src(%dma_wait3A_532 : memref<16384xi32, #tpu.memory_space<hbm>>) dst(%arg9 : memref<16384xi32, #tpu.memory_space<vmem>>)
    %eq3A_533 = arith.constant 0 : i32
    %eq3A_534 = arith.cmpi eq, %arg0, %eq3A_533 : i32
    %convert_element_type3A_535 = arith.extui %eq3A_534 : i1 to i32
    %cond3A_536 = arith.constant 0 : i32
    %cond3A_537 = arith.cmpi ne, %convert_element_type3A_535, %cond3A_536 : i32
    scf.if %cond3A_537 {
      %dma_start3A = arith.constant 0 : i32
      %dma_start3A_613 = tpu.memref_slice %arg6[%dma_start3A] : memref<38720xf32, #tpu.memory_space<vmem>> -> memref<38656xf32, #tpu.memory_space<vmem>>
      %dma_start3A_614 = arith.constant 461440 : i32
      %dma_start3A_615 = tpu.memref_slice %arg3[%arg1, %dma_start3A_614] : memref<16x999986xf32, #tpu.memory_space<hbm>> -> memref<1x38656xf32, #tpu.memory_space<hbm>>
      %dma_start3A_616 = tpu.memref_squeeze %dma_start3A_615 : memref<1x38656xf32, #tpu.memory_space<hbm>> -> memref<38656xf32, #tpu.memory_space<hbm>>
      %dma_start3A_617 = arith.constant 0 : i32
      %dma_start3A_618 = tpu.memref_slice %arg6[%dma_start3A_617] : memref<38720xf32, #tpu.memory_space<vmem>> -> memref<38656xf32, #tpu.memory_space<vmem>>
      %dma_start3A_619 = arith.constant 461440 : i32
      %dma_start3A_620 = tpu.memref_slice %arg3[%arg1, %dma_start3A_619] : memref<16x999986xf32, #tpu.memory_space<hbm>> -> memref<1x38656xf32, #tpu.memory_space<hbm>>
      %dma_start3A_621 = tpu.memref_squeeze %dma_start3A_620 : memref<1x38656xf32, #tpu.memory_space<hbm>> -> memref<38656xf32, #tpu.memory_space<hbm>>
      tpu.enqueue_dma source(%dma_start3A_621 : memref<38656xf32, #tpu.memory_space<hbm>>) target(%dma_start3A_618 : memref<38656xf32, #tpu.memory_space<vmem>>) target_semaphore(%arg12 : memref<!tpu.dma_semaphore, #tpu.memory_space<semaphore_mem>>)
      %dma_start3A_622 = arith.constant 12 : i32
      %dma_start3A_623 = arith.constant 0 : i32
      %dma_start3A_624 = tpu.memref_slice %arg2[%dma_start3A_622, %dma_start3A_623] : memref<26x16384xi32, #tpu.memory_space<hbm>> -> memref<1x16384xi32, #tpu.memory_space<hbm>>
      %dma_start3A_625 = tpu.memref_squeeze %dma_start3A_624 : memref<1x16384xi32, #tpu.memory_space<hbm>> -> memref<16384xi32, #tpu.memory_space<hbm>>
      %dma_start3A_626 = arith.constant 0 : i32
      %dma_start3A_627 = tpu.memref_slice %arg2[%dma_start3A_622, %dma_start3A_626] : memref<26x16384xi32, #tpu.memory_space<hbm>> -> memref<1x16384xi32, #tpu.memory_space<hbm>>
      %dma_start3A_628 = tpu.memref_squeeze %dma_start3A_627 : memref<1x16384xi32, #tpu.memory_space<hbm>> -> memref<16384xi32, #tpu.memory_space<hbm>>
      tpu.enqueue_dma source(%dma_start3A_628 : memref<16384xi32, #tpu.memory_space<hbm>>) target(%arg8 : memref<16384xi32, #tpu.memory_space<vmem>>) target_semaphore(%arg14 : memref<!tpu.dma_semaphore, #tpu.memory_space<semaphore_mem>>)
    } else {
    }
    %eq3A_538 = arith.constant 1 : i32
    %eq3A_539 = arith.cmpi eq, %arg0, %eq3A_538 : i32
    %convert_element_type3A_540 = arith.extui %eq3A_539 : i1 to i32
    %cond3A_541 = arith.constant 0 : i32
    %cond3A_542 = arith.cmpi ne, %convert_element_type3A_540, %cond3A_541 : i32
    scf.if %cond3A_542 {
      %dma_start3A = arith.constant 0 : i32
      %dma_start3A_613 = tpu.memref_slice %arg6[%dma_start3A] : memref<38720xf32, #tpu.memory_space<vmem>> -> memref<38656xf32, #tpu.memory_space<vmem>>
      %dma_start3A_614 = arith.constant 961280 : i32
      %dma_start3A_615 = tpu.memref_slice %arg3[%arg1, %dma_start3A_614] : memref<16x999986xf32, #tpu.memory_space<hbm>> -> memref<1x38656xf32, #tpu.memory_space<hbm>>
      %dma_start3A_616 = tpu.memref_squeeze %dma_start3A_615 : memref<1x38656xf32, #tpu.memory_space<hbm>> -> memref<38656xf32, #tpu.memory_space<hbm>>
      %dma_start3A_617 = arith.constant 0 : i32
      %dma_start3A_618 = tpu.memref_slice %arg6[%dma_start3A_617] : memref<38720xf32, #tpu.memory_space<vmem>> -> memref<38656xf32, #tpu.memory_space<vmem>>
      %dma_start3A_619 = arith.constant 961280 : i32
      %dma_start3A_620 = tpu.memref_slice %arg3[%arg1, %dma_start3A_619] : memref<16x999986xf32, #tpu.memory_space<hbm>> -> memref<1x38656xf32, #tpu.memory_space<hbm>>
      %dma_start3A_621 = tpu.memref_squeeze %dma_start3A_620 : memref<1x38656xf32, #tpu.memory_space<hbm>> -> memref<38656xf32, #tpu.memory_space<hbm>>
      tpu.enqueue_dma source(%dma_start3A_621 : memref<38656xf32, #tpu.memory_space<hbm>>) target(%dma_start3A_618 : memref<38656xf32, #tpu.memory_space<vmem>>) target_semaphore(%arg12 : memref<!tpu.dma_semaphore, #tpu.memory_space<semaphore_mem>>)
      %dma_start3A_622 = arith.constant 25 : i32
      %dma_start3A_623 = arith.constant 0 : i32
      %dma_start3A_624 = tpu.memref_slice %arg2[%dma_start3A_622, %dma_start3A_623] : memref<26x16384xi32, #tpu.memory_space<hbm>> -> memref<1x16384xi32, #tpu.memory_space<hbm>>
      %dma_start3A_625 = tpu.memref_squeeze %dma_start3A_624 : memref<1x16384xi32, #tpu.memory_space<hbm>> -> memref<16384xi32, #tpu.memory_space<hbm>>
      %dma_start3A_626 = arith.constant 0 : i32
      %dma_start3A_627 = tpu.memref_slice %arg2[%dma_start3A_622, %dma_start3A_626] : memref<26x16384xi32, #tpu.memory_space<hbm>> -> memref<1x16384xi32, #tpu.memory_space<hbm>>
      %dma_start3A_628 = tpu.memref_squeeze %dma_start3A_627 : memref<1x16384xi32, #tpu.memory_space<hbm>> -> memref<16384xi32, #tpu.memory_space<hbm>>
      tpu.enqueue_dma source(%dma_start3A_628 : memref<16384xi32, #tpu.memory_space<hbm>>) target(%arg8 : memref<16384xi32, #tpu.memory_space<vmem>>) target_semaphore(%arg14 : memref<!tpu.dma_semaphore, #tpu.memory_space<semaphore_mem>>)
    } else {
    }
    %dma_wait3A_543 = arith.constant 0 : i32
    %dma_wait3A_544 = arith.constant 0 : i32
    %dma_wait3A_545 = tpu.memref_slice %arg5[%dma_wait3A_543, %arg1, %dma_wait3A_544] : memref<26x16x16384xf32, #tpu.memory_space<hbm>> -> memref<1x1x16384xf32, #tpu.memory_space<hbm>>
    %dma_wait3A_546 = tpu.memref_squeeze %dma_wait3A_545 : memref<1x1x16384xf32, #tpu.memory_space<hbm>> -> memref<16384xf32, #tpu.memory_space<hbm>>
    %dma_wait3A_547 = arith.constant 0 : i32
    %dma_wait3A_548 = tpu.memref_slice %arg5[%dma_wait3A_543, %arg1, %dma_wait3A_547] : memref<26x16x16384xf32, #tpu.memory_space<hbm>> -> memref<1x1x16384xf32, #tpu.memory_space<hbm>>
    %dma_wait3A_549 = tpu.memref_squeeze %dma_wait3A_548 : memref<1x1x16384xf32, #tpu.memory_space<hbm>> -> memref<16384xf32, #tpu.memory_space<hbm>>
    tpu.wait_dma2 semaphore(%arg16 : memref<!tpu.dma_semaphore, #tpu.memory_space<semaphore_mem>>) src(%arg10 : memref<16384xf32, #tpu.memory_space<vmem>>) dst(%dma_wait3A_549 : memref<16384xf32, #tpu.memory_space<hbm>>)
    %parallel_loop3A_550 = arith.constant 0 : i32
    %parallel_loop3A_551 = arith.constant 1024 : i32
    %parallel_loop3A_552 = arith.constant 1 : i32
    scf.for %parallel_loop3A_613 = %parallel_loop3A_550 to %parallel_loop3A_551 step %parallel_loop3A_552  : i32 {
      %parallel_loop3A_614 = arith.constant 16 : i32
      %parallel_loop3A_615 = arith.muli %parallel_loop3A_613, %parallel_loop3A_614 : i32
      %parallel_loop3A_616 = arith.index_cast %parallel_loop3A_615 : i32 to index
      %parallel_loop3A_617 = tpu.vector_load %arg9[%parallel_loop3A_616] {strides = array<i32>} : memref<16384xi32, #tpu.memory_space<vmem>>, vector<16xi32>,
      %parallel_loop3A_618 = tpu.vector_load_idx %arg7[%parallel_loop3A_617] : memref<38720xf32, #tpu.memory_space<vmem>>[vector<16xi32>], vector<16xf32>,
      %parallel_loop3A_619 = arith.constant 16 : i32
      %parallel_loop3A_620 = arith.muli %parallel_loop3A_613, %parallel_loop3A_619 : i32
      %parallel_loop3A_621 = arith.index_cast %parallel_loop3A_620 : i32 to index
      %parallel_loop3A_622 = tpu.vector_load %arg10[%parallel_loop3A_621] {strides = array<i32>} : memref<16384xf32, #tpu.memory_space<vmem>>, vector<16xf32>,
      tpu.vector_store %arg10[%parallel_loop3A_621], %parallel_loop3A_618 {strides = array<i32>} : memref<16384xf32, #tpu.memory_space<vmem>>, vector<16xf32>,
    } {sc.loop_unroll_factor = 4 : i64, sc.parallel_access}
    %eq3A_553 = arith.constant 0 : i32
    %eq3A_554 = arith.cmpi eq, %arg0, %eq3A_553 : i32
    %convert_element_type3A_555 = arith.extui %eq3A_554 : i1 to i32
    %cond3A_556 = arith.constant 0 : i32
    %cond3A_557 = arith.cmpi ne, %convert_element_type3A_555, %cond3A_556 : i32
    scf.if %cond3A_557 {
      %dma_start3A = arith.constant 11 : i32
      %dma_start3A_613 = arith.constant 0 : i32
      %dma_start3A_614 = tpu.memref_slice %arg5[%dma_start3A, %arg1, %dma_start3A_613] : memref<26x16x16384xf32, #tpu.memory_space<hbm>> -> memref<1x1x16384xf32, #tpu.memory_space<hbm>>
      %dma_start3A_615 = tpu.memref_squeeze %dma_start3A_614 : memref<1x1x16384xf32, #tpu.memory_space<hbm>> -> memref<16384xf32, #tpu.memory_space<hbm>>
      %dma_start3A_616 = arith.constant 0 : i32
      %dma_start3A_617 = tpu.memref_slice %arg5[%dma_start3A, %arg1, %dma_start3A_616] : memref<26x16x16384xf32, #tpu.memory_space<hbm>> -> memref<1x1x16384xf32, #tpu.memory_space<hbm>>
      %dma_start3A_618 = tpu.memref_squeeze %dma_start3A_617 : memref<1x1x16384xf32, #tpu.memory_space<hbm>> -> memref<16384xf32, #tpu.memory_space<hbm>>
      tpu.enqueue_dma source(%arg10 : memref<16384xf32, #tpu.memory_space<vmem>>) target(%dma_start3A_618 : memref<16384xf32, #tpu.memory_space<hbm>>) target_semaphore(%arg16 : memref<!tpu.dma_semaphore, #tpu.memory_space<semaphore_mem>>)
    } else {
    }
    %eq3A_558 = arith.constant 1 : i32
    %eq3A_559 = arith.cmpi eq, %arg0, %eq3A_558 : i32
    %convert_element_type3A_560 = arith.extui %eq3A_559 : i1 to i32
    %cond3A_561 = arith.constant 0 : i32
    %cond3A_562 = arith.cmpi ne, %convert_element_type3A_560, %cond3A_561 : i32
    scf.if %cond3A_562 {
      %dma_start3A = arith.constant 24 : i32
      %dma_start3A_613 = arith.constant 0 : i32
      %dma_start3A_614 = tpu.memref_slice %arg5[%dma_start3A, %arg1, %dma_start3A_613] : memref<26x16x16384xf32, #tpu.memory_space<hbm>> -> memref<1x1x16384xf32, #tpu.memory_space<hbm>>
      %dma_start3A_615 = tpu.memref_squeeze %dma_start3A_614 : memref<1x1x16384xf32, #tpu.memory_space<hbm>> -> memref<16384xf32, #tpu.memory_space<hbm>>
      %dma_start3A_616 = arith.constant 0 : i32
      %dma_start3A_617 = tpu.memref_slice %arg5[%dma_start3A, %arg1, %dma_start3A_616] : memref<26x16x16384xf32, #tpu.memory_space<hbm>> -> memref<1x1x16384xf32, #tpu.memory_space<hbm>>
      %dma_start3A_618 = tpu.memref_squeeze %dma_start3A_617 : memref<1x1x16384xf32, #tpu.memory_space<hbm>> -> memref<16384xf32, #tpu.memory_space<hbm>>
      tpu.enqueue_dma source(%arg10 : memref<16384xf32, #tpu.memory_space<vmem>>) target(%dma_start3A_618 : memref<16384xf32, #tpu.memory_space<hbm>>) target_semaphore(%arg16 : memref<!tpu.dma_semaphore, #tpu.memory_space<semaphore_mem>>)
    } else {
    }
    %dma_wait3A_563 = arith.constant 0 : i32
    %dma_wait3A_564 = tpu.memref_slice %arg6[%dma_wait3A_563] : memref<38720xf32, #tpu.memory_space<vmem>> -> memref<38656xf32, #tpu.memory_space<vmem>>
    %dma_wait3A_565 = arith.constant 0 : i32
    %dma_wait3A_566 = tpu.memref_slice %arg3[%arg1, %dma_wait3A_565] : memref<16x999986xf32, #tpu.memory_space<hbm>> -> memref<1x38656xf32, #tpu.memory_space<hbm>>
    %dma_wait3A_567 = tpu.memref_squeeze %dma_wait3A_566 : memref<1x38656xf32, #tpu.memory_space<hbm>> -> memref<38656xf32, #tpu.memory_space<hbm>>
    %dma_wait3A_568 = arith.constant 0 : i32
    %dma_wait3A_569 = tpu.memref_slice %arg6[%dma_wait3A_568] : memref<38720xf32, #tpu.memory_space<vmem>> -> memref<38656xf32, #tpu.memory_space<vmem>>
    %dma_wait3A_570 = arith.constant 0 : i32
    %dma_wait3A_571 = tpu.memref_slice %arg3[%arg1, %dma_wait3A_570] : memref<16x999986xf32, #tpu.memory_space<hbm>> -> memref<1x38656xf32, #tpu.memory_space<hbm>>
    %dma_wait3A_572 = tpu.memref_squeeze %dma_wait3A_571 : memref<1x38656xf32, #tpu.memory_space<hbm>> -> memref<38656xf32, #tpu.memory_space<hbm>>
    tpu.wait_dma2 semaphore(%arg12 : memref<!tpu.dma_semaphore, #tpu.memory_space<semaphore_mem>>) src(%dma_wait3A_572 : memref<38656xf32, #tpu.memory_space<hbm>>) dst(%dma_wait3A_569 : memref<38656xf32, #tpu.memory_space<vmem>>)
    %dma_wait3A_573 = arith.constant 0 : i32
    %dma_wait3A_574 = arith.constant 0 : i32
    %dma_wait3A_575 = tpu.memref_slice %arg2[%dma_wait3A_573, %dma_wait3A_574] : memref<26x16384xi32, #tpu.memory_space<hbm>> -> memref<1x16384xi32, #tpu.memory_space<hbm>>
    %dma_wait3A_576 = tpu.memref_squeeze %dma_wait3A_575 : memref<1x16384xi32, #tpu.memory_space<hbm>> -> memref<16384xi32, #tpu.memory_space<hbm>>
    %dma_wait3A_577 = arith.constant 0 : i32
    %dma_wait3A_578 = tpu.memref_slice %arg2[%dma_wait3A_573, %dma_wait3A_577] : memref<26x16384xi32, #tpu.memory_space<hbm>> -> memref<1x16384xi32, #tpu.memory_space<hbm>>
    %dma_wait3A_579 = tpu.memref_squeeze %dma_wait3A_578 : memref<1x16384xi32, #tpu.memory_space<hbm>> -> memref<16384xi32, #tpu.memory_space<hbm>>
    tpu.wait_dma2 semaphore(%arg14 : memref<!tpu.dma_semaphore, #tpu.memory_space<semaphore_mem>>) src(%dma_wait3A_579 : memref<16384xi32, #tpu.memory_space<hbm>>) dst(%arg8 : memref<16384xi32, #tpu.memory_space<vmem>>)
    %dma_wait3A_580 = arith.constant 0 : i32
    %dma_wait3A_581 = arith.constant 0 : i32
    %dma_wait3A_582 = tpu.memref_slice %arg5[%dma_wait3A_580, %arg1, %dma_wait3A_581] : memref<26x16x16384xf32, #tpu.memory_space<hbm>> -> memref<1x1x16384xf32, #tpu.memory_space<hbm>>
    %dma_wait3A_583 = tpu.memref_squeeze %dma_wait3A_582 : memref<1x1x16384xf32, #tpu.memory_space<hbm>> -> memref<16384xf32, #tpu.memory_space<hbm>>
    %dma_wait3A_584 = arith.constant 0 : i32
    %dma_wait3A_585 = tpu.memref_slice %arg5[%dma_wait3A_580, %arg1, %dma_wait3A_584] : memref<26x16x16384xf32, #tpu.memory_space<hbm>> -> memref<1x1x16384xf32, #tpu.memory_space<hbm>>
    %dma_wait3A_586 = tpu.memref_squeeze %dma_wait3A_585 : memref<1x1x16384xf32, #tpu.memory_space<hbm>> -> memref<16384xf32, #tpu.memory_space<hbm>>
    tpu.wait_dma2 semaphore(%arg16 : memref<!tpu.dma_semaphore, #tpu.memory_space<semaphore_mem>>) src(%arg10 : memref<16384xf32, #tpu.memory_space<vmem>>) dst(%dma_wait3A_586 : memref<16384xf32, #tpu.memory_space<hbm>>)
    %lt3A = arith.constant 1 : i32
    %lt3A_587 = arith.cmpi slt, %arg0, %lt3A : i32
    %convert_element_type3A_588 = arith.extui %lt3A_587 : i1 to i32
    %cond3A_589 = arith.constant 0 : i32
    %cond3A_590 = arith.cmpi ne, %convert_element_type3A_588, %cond3A_589 : i32
    scf.if %cond3A_590 {
      %parallel_loop3A_613 = arith.constant 0 : i32
      %parallel_loop3A_614 = arith.constant 1024 : i32
      %parallel_loop3A_615 = arith.constant 1 : i32
      scf.for %parallel_loop3A_616 = %parallel_loop3A_613 to %parallel_loop3A_614 step %parallel_loop3A_615  : i32 {
        %parallel_loop3A_617 = arith.constant 16 : i32
        %parallel_loop3A_618 = arith.muli %parallel_loop3A_616, %parallel_loop3A_617 : i32
        %parallel_loop3A_619 = arith.index_cast %parallel_loop3A_618 : i32 to index
        %parallel_loop3A_620 = tpu.vector_load %arg8[%parallel_loop3A_619] {strides = array<i32>} : memref<16384xi32, #tpu.memory_space<vmem>>, vector<16xi32>,
        %parallel_loop3A_621 = tpu.vector_load_idx %arg6[%parallel_loop3A_620] : memref<38720xf32, #tpu.memory_space<vmem>>[vector<16xi32>], vector<16xf32>,
        %parallel_loop3A_622 = arith.constant 16 : i32
        %parallel_loop3A_623 = arith.muli %parallel_loop3A_616, %parallel_loop3A_622 : i32
        %parallel_loop3A_624 = arith.index_cast %parallel_loop3A_623 : i32 to index
        %parallel_loop3A_625 = tpu.vector_load %arg10[%parallel_loop3A_624] {strides = array<i32>} : memref<16384xf32, #tpu.memory_space<vmem>>, vector<16xf32>,
        tpu.vector_store %arg10[%parallel_loop3A_624], %parallel_loop3A_621 {strides = array<i32>} : memref<16384xf32, #tpu.memory_space<vmem>>, vector<16xf32>,
      } {sc.loop_unroll_factor = 4 : i64, sc.parallel_access}
    } else {
    }
    %eq3A_591 = arith.constant 1 : i32
    %eq3A_592 = arith.cmpi eq, %arg0, %eq3A_591 : i32
    %convert_element_type3A_593 = arith.extui %eq3A_592 : i1 to i32
    %cond3A_594 = arith.constant 0 : i32
    %cond3A_595 = arith.cmpi ne, %convert_element_type3A_593, %cond3A_594 : i32
    scf.if %cond3A_595 {
      %parallel_loop3A_613 = arith.constant 0 : i32
      %parallel_loop3A_614 = arith.constant 1024 : i32
      %parallel_loop3A_615 = arith.constant 1 : i32
      scf.for %parallel_loop3A_616 = %parallel_loop3A_613 to %parallel_loop3A_614 step %parallel_loop3A_615  : i32 {
        %parallel_loop3A_617 = arith.constant 16 : i32
        %parallel_loop3A_618 = arith.muli %parallel_loop3A_616, %parallel_loop3A_617 : i32
        %parallel_loop3A_619 = arith.index_cast %parallel_loop3A_618 : i32 to index
        %parallel_loop3A_620 = tpu.vector_load %arg8[%parallel_loop3A_619] {strides = array<i32>} : memref<16384xi32, #tpu.memory_space<vmem>>, vector<16xi32>,
        %parallel_loop3A_621 = tpu.vector_load_idx %arg6[%parallel_loop3A_620] : memref<38720xf32, #tpu.memory_space<vmem>>[vector<16xi32>], vector<16xf32>,
        %parallel_loop3A_622 = arith.constant 38656 : i32
        %parallel_loop3A_623 = vector.broadcast %parallel_loop3A_622 : i32 to vector<16xi32>
        %parallel_loop3A_624 = arith.subi %parallel_loop3A_620, %parallel_loop3A_623 : vector<16xi32>
        %parallel_loop3A_625 = arith.constant 0 : i32
        %parallel_loop3A_626 = vector.broadcast %parallel_loop3A_625 : i32 to vector<16xi32>
        %parallel_loop3A_627 = arith.maxsi %parallel_loop3A_624, %parallel_loop3A_626 : vector<16xi32>
        %parallel_loop3A_628 = tpu.vector_load_idx %arg11[%parallel_loop3A_627] : memref<64xf32, #tpu.memory_space<vmem>>[vector<16xi32>], vector<16xf32>,
        %parallel_loop3A_629 = arith.constant 38656 : i32
        %parallel_loop3A_630 = vector.broadcast %parallel_loop3A_629 : i32 to vector<16xi32>
        %parallel_loop3A_631 = arith.cmpi sge, %parallel_loop3A_620, %parallel_loop3A_630 : vector<16xi32>
        %parallel_loop3A_632 = arith.select %parallel_loop3A_631, %parallel_loop3A_628, %parallel_loop3A_621 : vector<16xi1>, vector<16xf32>
        %parallel_loop3A_633 = arith.constant 16 : i32
        %parallel_loop3A_634 = arith.muli %parallel_loop3A_616, %parallel_loop3A_633 : i32
        %parallel_loop3A_635 = arith.index_cast %parallel_loop3A_634 : i32 to index
        %parallel_loop3A_636 = tpu.vector_load %arg10[%parallel_loop3A_635] {strides = array<i32>} : memref<16384xf32, #tpu.memory_space<vmem>>, vector<16xf32>,
        tpu.vector_store %arg10[%parallel_loop3A_635], %parallel_loop3A_632 {strides = array<i32>} : memref<16384xf32, #tpu.memory_space<vmem>>, vector<16xf32>,
      } {sc.loop_unroll_factor = 4 : i64, sc.parallel_access}
    } else {
    }
    %eq3A_596 = arith.constant 0 : i32
    %eq3A_597 = arith.cmpi eq, %arg0, %eq3A_596 : i32
    %convert_element_type3A_598 = arith.extui %eq3A_597 : i1 to i32
    %cond3A_599 = arith.constant 0 : i32
    %cond3A_600 = arith.cmpi ne, %convert_element_type3A_598, %cond3A_599 : i32
    scf.if %cond3A_600 {
      %dma_start3A = arith.constant 12 : i32
      %dma_start3A_613 = arith.constant 0 : i32
      %dma_start3A_614 = tpu.memref_slice %arg5[%dma_start3A, %arg1, %dma_start3A_613] : memref<26x16x16384xf32, #tpu.memory_space<hbm>> -> memref<1x1x16384xf32, #tpu.memory_space<hbm>>
      %dma_start3A_615 = tpu.memref_squeeze %dma_start3A_614 : memref<1x1x16384xf32, #tpu.memory_space<hbm>> -> memref<16384xf32, #tpu.memory_space<hbm>>
      %dma_start3A_616 = arith.constant 0 : i32
      %dma_start3A_617 = tpu.memref_slice %arg5[%dma_start3A, %arg1, %dma_start3A_616] : memref<26x16x16384xf32, #tpu.memory_space<hbm>> -> memref<1x1x16384xf32, #tpu.memory_space<hbm>>
      %dma_start3A_618 = tpu.memref_squeeze %dma_start3A_617 : memref<1x1x16384xf32, #tpu.memory_space<hbm>> -> memref<16384xf32, #tpu.memory_space<hbm>>
      tpu.enqueue_dma source(%arg10 : memref<16384xf32, #tpu.memory_space<vmem>>) target(%dma_start3A_618 : memref<16384xf32, #tpu.memory_space<hbm>>) target_semaphore(%arg16 : memref<!tpu.dma_semaphore, #tpu.memory_space<semaphore_mem>>)
    } else {
    }
    %eq3A_601 = arith.constant 1 : i32
    %eq3A_602 = arith.cmpi eq, %arg0, %eq3A_601 : i32
    %convert_element_type3A_603 = arith.extui %eq3A_602 : i1 to i32
    %cond3A_604 = arith.constant 0 : i32
    %cond3A_605 = arith.cmpi ne, %convert_element_type3A_603, %cond3A_604 : i32
    scf.if %cond3A_605 {
      %dma_start3A = arith.constant 25 : i32
      %dma_start3A_613 = arith.constant 0 : i32
      %dma_start3A_614 = tpu.memref_slice %arg5[%dma_start3A, %arg1, %dma_start3A_613] : memref<26x16x16384xf32, #tpu.memory_space<hbm>> -> memref<1x1x16384xf32, #tpu.memory_space<hbm>>
      %dma_start3A_615 = tpu.memref_squeeze %dma_start3A_614 : memref<1x1x16384xf32, #tpu.memory_space<hbm>> -> memref<16384xf32, #tpu.memory_space<hbm>>
      %dma_start3A_616 = arith.constant 0 : i32
      %dma_start3A_617 = tpu.memref_slice %arg5[%dma_start3A, %arg1, %dma_start3A_616] : memref<26x16x16384xf32, #tpu.memory_space<hbm>> -> memref<1x1x16384xf32, #tpu.memory_space<hbm>>
      %dma_start3A_618 = tpu.memref_squeeze %dma_start3A_617 : memref<1x1x16384xf32, #tpu.memory_space<hbm>> -> memref<16384xf32, #tpu.memory_space<hbm>>
      tpu.enqueue_dma source(%arg10 : memref<16384xf32, #tpu.memory_space<vmem>>) target(%dma_start3A_618 : memref<16384xf32, #tpu.memory_space<hbm>>) target_semaphore(%arg16 : memref<!tpu.dma_semaphore, #tpu.memory_space<semaphore_mem>>)
    } else {
    }
    %dma_wait3A_606 = arith.constant 0 : i32
    %dma_wait3A_607 = arith.constant 0 : i32
    %dma_wait3A_608 = tpu.memref_slice %arg5[%dma_wait3A_606, %arg1, %dma_wait3A_607] : memref<26x16x16384xf32, #tpu.memory_space<hbm>> -> memref<1x1x16384xf32, #tpu.memory_space<hbm>>
    %dma_wait3A_609 = tpu.memref_squeeze %dma_wait3A_608 : memref<1x1x16384xf32, #tpu.memory_space<hbm>> -> memref<16384xf32, #tpu.memory_space<hbm>>
    %dma_wait3A_610 = arith.constant 0 : i32
    %dma_wait3A_611 = tpu.memref_slice %arg5[%dma_wait3A_606, %arg1, %dma_wait3A_610] : memref<26x16x16384xf32, #tpu.memory_space<hbm>> -> memref<1x1x16384xf32, #tpu.memory_space<hbm>>
    %dma_wait3A_612 = tpu.memref_squeeze %dma_wait3A_611 : memref<1x1x16384xf32, #tpu.memory_space<hbm>> -> memref<16384xf32, #tpu.memory_space<hbm>>
    tpu.wait_dma2 semaphore(%arg16 : memref<!tpu.dma_semaphore, #tpu.memory_space<semaphore_mem>>) src(%arg10 : memref<16384xf32, #tpu.memory_space<vmem>>) dst(%dma_wait3A_612 : memref<16384xf32, #tpu.memory_space<hbm>>)
    return
  }
}

</mosaic_0001>

<sc_bundles>
// kernel: kernel.3.cloned.1.call-start
scs
__scs_entry_jumppad:
0x0: {  	(pc) =	sbr.rel $0x88, $3  }
0x1: {  	(tag) =	ssettag $0x0;
	lr =	simm.s32 $0x1  }
0x2: {  	[smem:$0x3F9F] =	sst lr;
	_ =	strace $0xD0000000  }
0x3: {  	_ = 	snop  }
0x4: {  	_ = 	snop  }
0x5: {  	_ = 	snop  }
0x6: {  	_ = 	snop  }
0x7: {  	_ = 	snop  }
__scs_overlays_trampoline_lowered:
0x8: {  	[smem:$0x3FAE] =	sst s0  }
0x9: {  	[smem:$0x3FAF] =	sst s1  }
0xa: {  	[smem:$0x3FB0] =	sst s2  }
0xb: {  	[smem:$0x3FB1] =	sst s3  }
0xc: {  	[smem:$0x3FB2] =	sst s4  }
0xd: {  	[smem:$0x3FB3] =	sst s5  }
0xe: {  	[smem:$0x3FB4] =	sst s6  }
0xf: {  	[smem:$0x3FB5] =	sst s7  }
0x10: {  	[smem:$0x3FB6] =	sst s8  }
0x11: {  	[smem:$0x3FB7] =	sst s9;
	s0 =	simm.s32 @!p0 $0x0  }
0x12: {  	s1 =	sld [smem:$0x3F9D];
	s0 =	simm.s32 @p0 $0x1  }
0x13: {  	[smem:$0x3FB8] =	sst s0;
	s0 =	simm.s32 @!p1 $0x0  }
0x14: {  	s2 =	sld [smem:$0x3F9C];
	s0 =	simm.s32 @p1 $0x1  }
0x15: {  	[smem:$0x3FB9] =	sst s0;
	s0 =	simm.s32 @!p2 $0x0  }
0x16: {  	s3 =	sld [smem:$0x3FDB];
	s0 =	simm.s32 @p2 $0x1  }
0x17: {  	s4 =	simm.s32 $0x1BF5;
	[smem:$0x3FBB] =	sst s0  }
0x18: {  	s0 =	sld [smem:$0x3F9E];
	_ =	swait.ge [sflag:s4], $0x0  }
0x19: {  	s7 =	sld [smem:$0x3F9F]  }
0x1a: {  	s8 =	sadd.s32 $0xFFFFE003, lr  }
0x1b: {  	s9 =	sadd.s32 $0xFFFFFEF7, lr;
	s5 =	simm.s32 $0xFFFFFFFF;
	p2 =	slt.u32 s8, $0xFFFFF086  }
0x1c: {  	p1 =	slt.u32 s9, $0xF7A;
	s5 =	simm.s32 @!p2 $0x0  }
0x1d: {  	s5 =	simm.s32 @p1 $0x1;
	p0 =	seq.s32 s7, s2  }
0x1e: {  	s7 =	smul.u32 @!p0 $0xF7A, s2;
	p2 =	seq.s32 @!p0 s5, $0x0  }
0x1f: {  	s9 =	smul.u32 $0xF7A, s1;
	s8 =	simm.s32 @!p0 $0x1BF5;
	p2 =	por !p2, p0  }
0x20: {  	[sflag:s8] =	ssyncset.s32 @!p0 $0xFFFFF086;
	s6 =	sadd.s32 @!p0 s3, s7;
	s7 =	simm.s32 @!p0 $0x108  }
0x21: {  	s3 =	sadd.s32 s3, s9;
	s6 =	sadd.s32 @!p0 $0x88, s6;
	s7 =	simm.s32 @p2 $0x1082  }
0x22: {  	[simem:s7], [sflag:s8] =	dma.local @!p0 [hbm:s6], $0xF7A  }
0x23: {  	s9 =	sor.u32 $0xD0000000, s2;
	s6 =	simm.s32 $0x108;
	_ =	swait.ge @!p0 [sflag:s8], $0x0  }
0x24: {  	s3 =	sadd.s32 $0x88, s3;
	s6 =	simm.s32 @!p1 $0x1082;
	[sflag:s4] =	ssyncset.s32 $0xFFFFF086  }
0x25: {  	[simem:s6], [sflag:s4] =	dma.local [hbm:s3], $0xF7A  }
0x26: {  	[smem:$0x3F9F] =	sst s1;
	(tag) =	ssettag s2;
	_ =	strace s9  }
0x27: {  	s1 =	sld [smem:$0x3FAF]  }
0x28: {  	s2 =	sld [smem:$0x3FB0]  }
0x29: {  	s4 =	sld [smem:$0x3FB2]  }
0x2a: {  	p0 =	seq.s32 s5, $0x0;
	s5 =	sld [smem:$0x3FB3]  }
0x2b: {  	s6 =	sld [smem:$0x3FB4]  }
0x2c: {  	s7 =	sld [smem:$0x3FB5]  }
0x2d: {  	s3 =	simm.s32 $0x108;
	s8 =	sld [smem:$0x3FB6]  }
0x2e: {  	s3 =	simm.s32 @!p0 $0x1082;
	s9 =	sld [smem:$0x3FB7]  }
0x2f: {  	lr =	sadd.s32 s0, s3;
	s0 =	sld [smem:$0x3FAE]  }
0x30: {  	s3 =	sld [smem:$0x3FB1]  }
0x31: {  	[smem:$0x3FBA] =	sst s10  }
0x32: {  	s10 =	sld [smem:$0x3FB8];
	_ =	sdelay $0x3  }
0x33: {  	p0 =	seq.s32 s10, $0x1;
	s10 =	sld [smem:$0x3FBA];
	_ =	sdelay $0x3  }
0x34: {  	[smem:$0x3FBA] =	sst s10  }
0x35: {  	s10 =	sld [smem:$0x3FB9];
	_ =	sdelay $0x3  }
0x36: {  	p1 =	seq.s32 s10, $0x1;
	s10 =	sld [smem:$0x3FBA];
	_ =	sdelay $0x3  }
0x37: {  	[smem:$0x3FBA] =	sst s10  }
0x38: {  	s10 =	sld [smem:$0x3FBB]  }
0x39: {  	_ = 	snop;
	(pc) =	sbr.ind lr, $3  }
0x3a: {  	_ = 	snop  }
0x3b: {  	_ = 	snop  }
0x3c: {  	p2 =	seq.s32 s10, $0x1;
	s10 =	sld [smem:$0x3FBA]  }
0x3d: {  	_ =	shalt  }
0x3e: {  	_ =	shalt  }
0x3f: {  	_ =	shalt  }
0x40: {  	_ =	shalt  }
0x41: {  	_ =	shalt  }
0x42: {  	_ =	shalt  }
0x43: {  	_ =	shalt  }
0x44: {  	_ =	shalt  }
0x45: {  	_ =	shalt  }
0x46: {  	_ =	shalt  }
0x47: {  	_ =	shalt  }
0x48: {  	_ =	shalt  }
0x49: {  	_ =	shalt  }
0x4a: {  	_ =	shalt  }
0x4b: {  	_ =	shalt  }
0x4c: {  	_ =	shalt  }
0x4d: {  	_ =	shalt  }
0x4e: {  	_ =	shalt  }
0x4f: {  	_ =	shalt  }
0x50: {  	_ =	shalt  }
0x51: {  	_ =	shalt  }
0x52: {  	_ =	shalt  }
0x53: {  	_ =	shalt  }
0x54: {  	_ =	shalt  }
0x55: {  	_ =	shalt  }
0x56: {  	_ =	shalt  }
0x57: {  	_ =	shalt  }
0x58: {  	_ =	shalt  }
0x59: {  	_ =	shalt  }
0x5a: {  	_ =	shalt  }
0x5b: {  	_ =	shalt  }
0x5c: {  	_ =	shalt  }
0x5d: {  	_ =	shalt  }
0x5e: {  	_ =	shalt  }
0x5f: {  	_ =	shalt  }
0x60: {  	_ =	shalt  }
0x61: {  	_ =	shalt  }
0x62: {  	_ =	shalt  }
0x63: {  	_ =	shalt  }
0x64: {  	_ =	shalt  }
0x65: {  	_ =	shalt  }
0x66: {  	_ =	shalt  }
0x67: {  	_ =	shalt  }
0x68: {  	_ =	shalt  }
0x69: {  	_ =	shalt  }
0x6a: {  	_ =	shalt  }
0x6b: {  	_ =	shalt  }
0x6c: {  	_ =	shalt  }
0x6d: {  	_ =	shalt  }
0x6e: {  	_ =	shalt  }
0x6f: {  	_ =	shalt  }
0x70: {  	_ =	shalt  }
0x71: {  	_ =	shalt  }
0x72: {  	_ =	shalt  }
0x73: {  	_ =	shalt  }
0x74: {  	_ =	shalt  }
0x75: {  	_ =	shalt  }
0x76: {  	_ =	shalt  }
0x77: {  	_ =	shalt  }
0x78: {  	_ =	shalt  }
0x79: {  	_ =	shalt  }
0x7a: {  	_ =	shalt  }
0x7b: {  	_ =	shalt  }
0x7c: {  	_ =	shalt  }
0x7d: {  	_ =	shalt  }
0x7e: {  	_ =	shalt  }
0x7f: {  	_ =	shalt  }
0x80: {  	_ =	shalt  }
0x81: {  	_ =	shalt  }
0x82: {  	_ =	shalt  }
0x83: {  	_ =	shalt  }
0x84: {  	_ =	shalt  }
0x85: {  	_ =	shalt  }
0x86: {  	_ =	shalt  }
0x87: {  	_ =	shalt  }
.Lfunc_end0:
.L_simem_size_0:
called_computation_lowered:
.L_overlay_start_0:
0x88: {  	s2 =	sld [smem:$0x3FD9]  }
0x89: {  	s3 =	sld [smem:$0x3FFE];
	_ =	sdelay $0x1  }
0x8a: {  	s1 =	srdreg.scid  }
0x8b: {  	s0 =	sand.u32 $0x1, s1  }
0x8c: {  	s17 =	sshll.u32 s0, $0xA;
	s2 =	sadd.s32 s3, s2  }
0x8d: {  	s2 =	sadd.s32 s2, s17  }
0x8e: {  	[smem:$0x3FC6] =	sst s2  }
0x8f: {  	_ = 	snop  }
0x90: {  	s2 =	sld [smem:$0x3FC8]  }
0x91: {  	s18 =	sld [smem:$0x3FD0];
	(tm) =	ssettm $0x1  }
0x92: {  	s4 =	sld [smem:$0x3FFB];
	_ =	sdelay $0x3  }
0x93: {  	_ =	strace s4  }
0x94: {  	s4 =	sld [smem:$0x3FFC];
	_ =	sdelay $0x3  }
0x95: {  	_ =	strace s4  }
0x96: {  	s4 =	sld [smem:$0x3FFD];
	_ =	sdelay $0x3  }
0x97: {  	_ =	strace s4  }
0x98: {  	_ =	strace $0x8FFFFFFF  }
0x99: {  	s19 =	sld [smem:$0x3FDB];
	_ =	sdelay $0x1  }
0x9a: {  	s5 =	simm.s32 $_scs_section_size  }
0x9b: {  	s6 =	simm.s32 $_size__tile_overlayer_lowered;
	s7 =	simm.s32 $_tile_overlayer_lowered  }
0x9c: {  	s22 =	simm.s32 $0x1BFF;
	s21 =	sshll.u32 s7, $0x1;
	s4 =	sadd.s32 s5, s19  }
0x9d: {  	s8 =	simm.s32 $0x0;
	s20 =	sshll.u32 s6, $0x1;
	s6 =	sadd.s32 s21, s4  }
0x9e: {  	[timem:s8], [sflag:s22] =	dma.local [hbm:s6], s20  }
0x9f: {  	_ =	swait.ge [sflag:s22], s20  }
0xa0: {  	s5 =	ssub.s32 $0x0, s20;
	[sflag:s22] =	ssyncset.done $0x0  }
0xa1: {  	[sflag:s22] =	ssyncadd.s32 s5;
	_ =	sdelay $0x1  }
0xa2: {  	s23 =	simm.s32 $0x1B8B  }
0xa3: {  	_ =	swait.ge [sflag:s23], $0x1  }
0xa4: {  	[sflag:s23] =	ssyncset.done $0x0  }
0xa5: {  	s25 =	simm.s32 $0x1B8E;
	s24 =	sld [smem:$0x3FFE];
	[sflag:s23] =	ssyncadd.s32 $0xFFFFFFFF  }
0xa6: {  	s26 =	simm.s32 $execute0_lowered;
	[smem:$0x3FD2] =	sst s25  }
0xa7: {  	s6 =	sshll.u32 s26, $0x1;
	_ =	strace $0x80000046;
	[dreg:$0x1] =	wrdreg $0xFFFFFFFF  }
0xa8: {  	s28 =	simm.s32 $_size_execute0_lowered;
	s4 =	sadd.s32 s4, s6;
	[dreg:$0x0] =	wrdreg $0x0  }
0xa9: {  	s6 =	sshll.u32 s28, $0x1;
	[dreg:$0x2] =	wrdreg s4  }
0xaa: {  	[dreg:$0x3] =	wrdreg s6  }
0xab: {  	[dreg:$0x4] =	wrdreg $0xC0  }
0xac: {  	_ =	task [dreg:s8], $0x5FFFF  }
0xad: {  	[dreg:$0x1] =	wrdreg $0xFFFFFFFF  }
0xae: {  	[dreg:$0x0] =	wrdreg $0x60  }
0xaf: {  	[dreg:$0x2] =	wrdreg s24  }
0xb0: {  	[dreg:$0x3] =	wrdreg s2  }
0xb1: {  	[dreg:$0x4] =	wrdreg s18  }
0xb2: {  	[dreg:$0x5] =	wrdreg $0x9  }
0xb3: {  	_ =	task.clear_ibuf [dreg:s8], $0x6FFFF;
	_ =	strace $0x90000046  }
0xb4: {  	s29 =	simm.s32 $0x9;
	_ =	strace $0x80000048  }
0xb5: {  	_ =	swait.ge [sflag:s29], $0x1  }
0xb6: {  	[sflag:s29] =	ssyncadd.s32 $0xFFFFFFFF  }
0xb7: {  	_ =	strace $0x90000048  }
0xb8: {  	_ =	sfence  }
0xb9: {  	s30 =	sld [smem:$0x0];
	_ =	sdelay $0x2  }
0xba: {  	s31 =	sshll.u32 s1, $0xD;
	s1 =	sshrl.u32 s1, $0x2  }
0xbb: {  	s3 =	sand.u32 $0x4000, s31;
	s1 =	sadd.s32 s1, s30  }
0xbc: {  	s0 =	sor.u32 s3, s0;
	s1 =	sshll.u32 s1, $0x11  }
0xbd: {  	s0 =	sor.u32 s1, s0  }
0xbe: {  	s0 =	sadd.s32 $0x8F2B, s0  }
0xbf: {  	[sflag:s0] =	ssyncadd.remote.s32 $0x1  }
0xc0: {  	_ =	sfence.sel $0xFFFF  }
0xc1: {  	[dreg:$0x0] =	wrdreg $0xFFFFFFFF;
	(pc) =	sbr.abs _section_cstart, $3  }
0xc2: {  	[dreg:$0x1] =	wrdreg $0xFFFFFFFF  }
0xc3: {  	_ =	task.clear_ibuf [dreg:s8], $0x2FFFF;
	_ =	strace $0x9FFFFFFF  }
0xc4: {  	(tm) =	ssettm $0x7FFFFFFF  }
0xc5: {  	_ =	shalt  }
tec
execute0_lowered:
.L_overlay_start_1:
0x0: {  	(tag) =	ssettag $0x1  }
0x1: {  	s2 =	rddreg [dreg:$0x0]  }
0x2: {  	s3 =	srdreg.scid;
	s0 =	rddreg [dreg:$0x2]  }
0x3: {  	s1 =	simm.s32 $0x0;
	s12 =	stileid.u32;
	s31 =	simm.s32 $0x96000  }
0x4: {  	s30 =	simm.s32 $0x8000;
	s7 =	simm.s32 $0x10000;
	s10 =	simm.s32 $0x18000  }
0x5: {  	s15 =	simm.s32 $0x28000;
	s16 =	simm.s32 $0x30000;
	s19 =	simm.s32 $0x38000  }
0x6: {  	s17 =	simm.s32 $0x40000;
	s18 =	simm.s32 $0x48000;
	s4 =	sand.u32 $0x1, s3  }
0x7: {  	s23 =	simm.s32 $0x58000;
	[smem:$0x7FF] =	sst s1;
	s3 =	ssub.s32 $0x2, s4  }
0x8: {  	s14 =	sadd.s32 $0x600, s2;
	s5 =	sshll.u32 s12, $0x3;
	s6 =	sshrl.u32 s3, $0x1  }
0x9: {  	s11 =	sadd.s32 s5, s2;
	p1 =	seq.s32 s4, $0x0;
	s3 =	ssub.s32 s3, s6  }
0xa: {  	[smem:$0x7EB] =	sst s3;
	s3 =	sadd.s32 $0x4650, s2;
	s2 =	simm.s32 $0x20  }
0xb: {  	s20 =	sshll.u32 s12, $0x7;
	[smem:$0x7EE] =	sst s14;
	s2 =	simm.s32 @!p1 $0x4070  }
0xc: {  	s22 =	sshrl.u32 s12, $0x3;
	[smem:$0x7EF] =	sst s2;
	s2 =	simm.s32 $0xE1400  }
0xd: {  	s5 =	sadd.s32 $0x68000, s0;
	p0 =	sne.s32 s4, $0x0;
	s2 =	simm.s32 @!p1 $0x4B1C00  }
0xe: {  	s5 =	smov.u32 @p1 s0;
	[smem:$0x7ED] =	sst s2;
	s2 =	simm.s32 $0x30  }
0xf: {  	s31 =	simm.s32 @!p1 $0x466C00;
	s30 =	simm.s32 @!p1 $0x70000;
	s2 =	simm.s32 @!p1 $0x8000  }
0x10: {  	s7 =	simm.s32 @!p1 $0x78000;
	[smem:$0x7F0] =	sst s2;
	s2 =	simm.s32 $0x40  }
0x11: {  	s10 =	simm.s32 @!p1 $0x80000;
	s15 =	simm.s32 @!p1 $0x90000;
	s2 =	simm.s32 @!p1 $0x8010  }
0x12: {  	s16 =	simm.s32 @!p1 $0x98000;
	[smem:$0x7F1] =	sst s2;
	s2 =	simm.s32 $0x50  }
0x13: {  	s19 =	simm.s32 @!p1 $0xA0000;
	s17 =	simm.s32 @!p1 $0xA8000;
	s2 =	simm.s32 @!p1 $0x8020  }
0x14: {  	s18 =	simm.s32 @!p1 $0xB0000;
	[smem:$0x7F2] =	sst s2;
	s2 =	simm.s32 $0x60  }
0x15: {  	s23 =	simm.s32 @!p1 $0xC0000;
	s11 =	sadd.s32 $0x400, s11;
	s2 =	simm.s32 @!p1 $0x8030  }
0x16: {  	s6 =	sand.u32 $0x380, s20;
	[smem:$0x7F3] =	sst s2;
	s2 =	simm.s32 $0x70  }
0x17: {  	[smem:$0x7EC] =	sst s5;
	s5 =	simm.s32 $0x20000;
	s2 =	simm.s32 @!p1 $0x8040  }
0x18: {  	s20 =	simm.s32 $0x50000;
	[smem:$0x7F4] =	sst s2;
	s2 =	simm.s32 $0x4000  }
0x19: {  	s10 =	sadd.s32 s10, s0;
	s15 =	sadd.s32 s15, s0;
	s2 =	simm.s32 @!p1 $0x8050  }
0x1a: {  	s16 =	sadd.s32 s16, s0;
	[smem:$0x7F5] =	sst s2;
	s2 =	simm.s32 $0x4010  }
0x1b: {  	s19 =	sadd.s32 s19, s0;
	s17 =	sadd.s32 s17, s0;
	s2 =	simm.s32 @!p1 $0x8060  }
0x1c: {  	s14 =	smov.u32 @p0 s3;
	[smem:$0x7F8] =	sst s2;
	s2 =	simm.s32 $0x4020  }
0x1d: {  	[dreg:$0x4] =	wrdreg s14;
	s14 =	smul.u32 $0x7A1400, s22;
	s2 =	simm.s32 @!p1 $0x8070  }
0x1e: {  	s18 =	sadd.s32 s18, s0;
	[smem:$0x7FC] =	sst s2;
	s2 =	simm.s32 $0x4030  }
0x1f: {  	s5 =	simm.s32 @!p1 $0x88000;
	s3 =	sor.u32 s6, s14;
	s2 =	simm.s32 @!p1 $0xC000  }
0x20: {  	s20 =	simm.s32 @!p1 $0xB8000;
	s21 =	sadd.s32 $0x3D0800, s3;
	[smem:$0x7FD] =	sst s2  }
0x21: {  	s3 =	sshrl.u32 s3, $0x3;
	s21 =	sshrl.u32 s21, $0x3;
	s2 =	rddreg [dreg:$0x1]  }
0x22: {  	_ =	strace $0x80000047;
	[dreg:$0x5] =	wrdreg s11;
	s21 =	sadd.s32 s2, s21  }
0x23: {  	s5 =	sadd.s32 s5, s0;
	s3 =	sadd.s32 s2, s3;
	[dreg:$0x6] =	wrdreg s21  }
0x24: {  	s21 =	sshll.u32 s22, $0x11;
	s22 =	sadd.s32 s31, s14;
	[dreg:$0x7] =	wrdreg s3  }
0x25: {  	s11 =	sor.u32 s6, s21;
	s3 =	sor.u32 s6, s22;
	s21 =	sadd.s32 s30, s0  }
0x26: {  	s22 =	sadd.s32 s7, s0;
	s30 =	sadd.s32 s20, s0;
	s20 =	sadd.s32 $0xC8000, s0  }
0x27: {  	s7 =	sadd.s32 s23, s0;
	s0 =	sadd.s32 $0x60000, s0;
	[dreg:$0x8] =	wrdreg s20  }
0x28: {  	s11 =	sshrl.u32 s11, $0x3;
	[dreg:$0x9] =	wrdreg s0  }
0x29: {  	s20 =	sld [smem:$0x7EB];
	s21 =	sadd.s32 s11, s21  }
0x2a: {  	s4 =	simm.s32 $0x20DC00;
	s22 =	sadd.s32 s11, s22;
	[dreg:$0xe] =	wrdreg s21  }
0x2b: {  	s4 =	simm.s32 @!p1 $0x5DE400;
	s17 =	sadd.s32 s11, s17;
	[dreg:$0x11] =	wrdreg s22  }
0x2c: {  	s22 =	sadd.s32 s11, s10;
	s10 =	sadd.s32 s4, s14;
	s4 =	sld [smem:$0x7F4]  }
0x2d: {  	s8 =	simm.s32 $0x12C400;
	[smem:$0x7FA] =	sst s17  }
0x2e: {  	s13 =	simm.s32 $0x177800;
	s0 =	smax.u32 s20, $0x1;
	s20 =	sld [smem:$0x7EC]  }
0x2f: {  	s9 =	simm.s32 $0x1C2800;
	s26 =	simm.s32 $0x258C00;
	[dreg:$0x14] =	wrdreg s22  }
0x30: {  	s23 =	smov.u32 s6;
	s6 =	sshrl.u32 s3, $0x3;
	[dreg:$0xa] =	wrdreg s0  }
0x31: {  	s0 =	sadd.s32 s2, s6;
	s6 =	sld [smem:$0x7EF];
	s3 =	sadd.s32 s20, s11  }
0x32: {  	s24 =	simm.s32 $0x2A4000;
	s28 =	simm.s32 $0x2EF000;
	[dreg:$0xb] =	wrdreg s3  }
0x33: {  	s25 =	simm.s32 $0x33A400;
	s8 =	simm.s32 @!p1 $0x4FD000;
	s3 =	sld [smem:$0x7ED]  }
0x34: {  	s13 =	simm.s32 @!p1 $0x548000;
	s26 =	simm.s32 @!p1 $0x629800;
	s20 =	sld [smem:$0x7EE]  }
0x35: {  	s22 =	sadd.s32 s26, s14;
	s26 =	sadd.s32 s11, s15;
	s15 =	sld [smem:$0x7F8]  }
0x36: {  	s9 =	simm.s32 @!p1 $0x593400;
	[dreg:$0xc] =	wrdreg s0;
	s0 =	sadd.s32 s3, s14  }
0x37: {  	s3 =	sadd.s32 s6, s20;
	s6 =	sld [smem:$0x7F0];
	s0 =	sor.u32 s23, s0  }
0x38: {  	s8 =	sadd.s32 s8, s14;
	[dreg:$0x1a] =	wrdreg s26;
	s0 =	sshrl.u32 s0, $0x3  }
0x39: {  	[dreg:$0xd] =	wrdreg s3;
	s3 =	sor.u32 s23, s8;
	s0 =	sadd.s32 s2, s0  }
0x3a: {  	s8 =	sshrl.u32 s3, $0x3;
	[dreg:$0xf] =	wrdreg s0;
	s0 =	sadd.s32 s6, s20  }
0x3b: {  	s6 =	sadd.s32 s13, s14;
	s13 =	sadd.s32 s9, s14;
	[dreg:$0x10] =	wrdreg s0  }
0x3c: {  	s9 =	sadd.s32 s11, s5;
	s0 =	sadd.s32 s2, s8;
	s8 =	sld [smem:$0x7F1]  }
0x3d: {  	s29 =	simm.s32 $0x385400;
	s24 =	simm.s32 @!p1 $0x674800;
	[dreg:$0x17] =	wrdreg s9  }
0x3e: {  	s12 =	simm.s32 $0x4040;
	s28 =	simm.s32 @!p1 $0x6BF800;
	s9 =	sld [smem:$0x7F5]  }
0x3f: {  	s25 =	simm.s32 @!p1 $0x70AC00;
	[dreg:$0x12] =	wrdreg s0;
	s0 =	sor.u32 s23, s6  }
0x40: {  	s6 =	sld [smem:$0x7F2];
	s0 =	sshrl.u32 s0, $0x3;
	s3 =	sadd.s32 s8, s20  }
0x41: {  	s29 =	simm.s32 @!p1 $0x755800;
	s0 =	sadd.s32 s2, s0;
	[dreg:$0x13] =	wrdreg s3  }
0x42: {  	s12 =	simm.s32 @!p1 $0xC010;
	s31 =	simm.s32 $0x9780;
	[dreg:$0x15] =	wrdreg s0  }
0x43: {  	s3 =	sor.u32 s23, s13;
	s0 =	sadd.s32 s6, s20;
	s13 =	sld [smem:$0x7F3]  }
0x44: {  	s21 =	smov.u32 s20;
	s6 =	sadd.s32 s11, s16;
	[dreg:$0x16] =	wrdreg s0  }
0x45: {  	s8 =	sshrl.u32 s3, $0x3;
	[dreg:$0x1d] =	wrdreg s6;
	s6 =	simm.s32 $0x16F00  }
0x46: {  	s0 =	sadd.s32 s2, s8;
	s8 =	sadd.s32 s24, s14;
	s24 =	sadd.s32 s29, s14  }
0x47: {  	s29 =	simm.s32 $0x1;
	[dreg:$0x18] =	wrdreg s0;
	s3 =	sadd.s32 s13, s20  }
0x48: {  	s13 =	sadd.s32 s11, s19;
	s19 =	sadd.s32 s25, s14;
	s25 =	sld [smem:$0x7FD]  }
0x49: {  	s0 =	sor.u32 s23, s10;
	s10 =	sadd.s32 s28, s14;
	[dreg:$0x19] =	wrdreg s3  }
0x4a: {  	s28 =	simm.s32 $0x12F00;
	s0 =	sshrl.u32 s0, $0x3;
	[smem:$0x7F6] =	sst s13  }
0x4b: {  	s3 =	sor.u32 s23, s22;
	s22 =	sld [smem:$0x7FC];
	s0 =	sadd.s32 s2, s0  }
0x4c: {  	s5 =	sshrl.u32 s3, $0x3;
	s3 =	sadd.s32 s9, s20;
	[dreg:$0x1b] =	wrdreg s0  }
0x4d: {  	s13 =	simm.s32 $0x4;
	s0 =	sadd.s32 s4, s20;
	[dreg:$0x1f] =	wrdreg s3  }
0x4e: {  	s3 =	sor.u32 s23, s10;
	s4 =	simm.s32 $0x1EF00;
	[dreg:$0x1c] =	wrdreg s0  }
0x4f: {  	s0 =	sadd.s32 s2, s5;
	s16 =	sshrl.u32 s3, $0x3;
	s5 =	smov.u32 s14  }
0x50: {  	s3 =	sor.u32 s23, s24;
	[dreg:$0x1e] =	wrdreg s0;
	s0 =	sor.u32 s23, s8  }
0x51: {  	s24 =	simm.s32 $0x6;
	s26 =	sshrl.u32 s3, $0x3;
	s0 =	sshrl.u32 s0, $0x3  }
0x52: {  	s8 =	simm.s32 $0x0;
	s3 =	sadd.s32 s2, s26;
	s0 =	sadd.s32 s2, s0  }
0x53: {  	s26 =	simm.s32 $0x400;
	[smem:$0x7F7] =	sst s0;
	s0 =	sadd.s32 s15, s20  }
0x54: {  	s15 =	sadd.s32 s22, s20;
	s22 =	sadd.s32 s11, s30;
	s30 =	simm.s32 $0x3  }
.Ltmp0:
0x55: {  	[smem:$0x7F9] =	sst s0;
	s0 =	sadd.s32 s2, s16;
	(pc) =	sbr.rel .LBB2_1-.Ltmp0, $4  }
0x56: {  	s16 =	sadd.s32 s25, s20;
	s25 =	simm.s32 $0x80;
	[smem:$0x7FB] =	sst s0  }
0x57: {  	s0 =	sor.u32 s23, s19;
	s19 =	sadd.s32 s11, s18;
	s18 =	sadd.s32 s12, s20  }
0x58: {  	s20 =	sadd.s32 s11, s7;
	s12 =	simm.s32 $0x2;
	s0 =	sshrl.u32 s0, $0x3  }
0x59: {  	s7 =	simm.s32 $0x5;
	s17 =	sadd.s32 s2, s0;
	s0 =	simm.s32 $0x1AF00  }
.LBB2_31:
0x5a: {  	_ =	sdelay $0x3  }
0x5b: {  	v15 =	vld.idx.msk [tilespmem:v0+s1+$0x0], $0xffff  }
0x5c: {  	v14 =	vnsel vm4, $0x0, v14;
	v13 =	vld.idx.msk [tilespmem:v13+s4+$0x0], $0xffff  }
0x5d: {  	v8 =	vld.idx.msk [tilespmem:v8+s4+$0x0], $0xffff  }
0x5e: {  	v12 =	vld.idx.msk [tilespmem:v12+s4+$0x0], $0xffff  }
0x5f: {  	v4 =	vld.idx.msk [tilespmem:v4+s1+$0x0], $0xffff  }
0x60: {  	v2 =	vsel vm2, v7, v2;
	v59 =	vld.idx.msk [tilespmem:v1+s1+$0x0], $0xffff  }
0x61: {  	v58 =	vsel vm1, v5, v10;
	[tilespmem:s9+$0xFFFFFFF0] =	vst v2;
	v14 =	vld.idx.msk [tilespmem:v14+s4+$0x0], $0xffff  }
0x62: {  	vm12 =	vgt.s32 v3, $0x96FF;
	v60 =	vsel vm0, v6, v11;
	vm13 =	vgt.s32 v0, $0x96FF;
	[tilespmem:s9+$0xFFFFFFE0] =	vst v58  }
0x63: {  	s2 =	sadd.s32 $0x40, s9;
	vm14 =	vgt.s32 v1, $0x96FF;
	vm1 =	vmmov vm12;
	[tilespmem:s9+$0x0] =	vst v60;
	v0 =	vsel vm13, v13, v15  }
0x64: {  	vm0 =	vmmov vm14;
	v61 =	vsel vm1, v8, v9;
	[tilespmem:s2+$0x10] =	vst v0  }
0x65: {  	vm15 =	vmmov vm3;
	v63 =	vsel vm0, v12, v59;
	[tilespmem:s2+$0xFFFFFFF0] =	vst v61  }
0x66: {  	[tilespmem:s2+$0x0] =	vst v63;
	v62 =	vsel vm15, v14, v4  }
0x67: {  	[tilespmem:s2+$0xFFFFFFE0] =	vst v62  }
0x68: {  	s2 =	rddreg [dreg:$0x8]  }
.LBB2_32:
0x69: {  	s2 =	sadd.s32 s11, s2  }
0x6a: {  	[hbm4b:s2+s25] =	stream.strided.scatter [tilespmem:s0], [sflag:$0x5], $0x4000, s26, s25, $0x38;
	[tilespmem:$0x1EF80] =	vst v63  }
0x6b: {  	_ =	swait.ge [sflag:s7], $0x4000  }
0x6c: {  	s8 =	sadd.s32 $0x1, s8;
	s14 =	rddreg [dreg:$0xa]  }
0x6d: {  	p1 =	sne.s32 s8, s14  }
.Ltmp1:
0x6e: {  	_ = 	snop;
	(pc) =	sbr.rel @!p1 .LBB2_33-.Ltmp1, $3  }
0x6f: {  	_ =	sdelay $0x1  }
0x70: {  	[sflag:s7] =	ssyncset.done $0x0  }
0x71: {  	[sflag:s7] =	ssyncadd.s32 $0xFFFFC000  }
.LBB2_1:
0x72: {  	s2 =	rddreg [dreg:$0x5]  }
0x73: {  	[tilespmem:s4], [sflag:$0x6] =	stream.linear.gather [hbm4b:s2+s1], $0x40, $0x38;
	[tilespmem:$0x1EF80] =	vst v63  }
0x74: {  	_ =	swait.ge [sflag:s24], $0x40  }
0x75: {  	s9 =	simm.s32 @p0 $0x400;
	s10 =	simm.s32 @p0 $0x0;
	[sflag:s24] =	ssyncset.done $0x0  }
0x76: {  	s2 =	simm.s32 @p0 $0x80;
	s14 =	rddreg [dreg:$0x6];
	[sflag:s24] =	ssyncadd.s32 $0xFFFFFFC0  }
0x77: {  	[tilespmem:s10], [sflag:$0x1] =	stream.strided.gather @p0 [hbm4b:s14+s2], $0x9700, s9, s2, $0x38;
	[tilespmem:$0x1EF80] =	vst v63  }
0x78: {  	s2 =	simm.s32 @!p0 $0x80  }
0x79: {  	s9 =	simm.s32 @!p0 $0x400;
	s10 =	simm.s32 @!p0 $0x0;
	s14 =	rddreg [dreg:$0x7]  }
0x7a: {  	[tilespmem:s10], [sflag:$0x1] =	stream.strided.gather @!p0 [hbm4b:s14+s2], $0x9700, s9, s2, $0x38;
	[tilespmem:$0x1EF80] =	vst v63  }
0x7b: {  	s10 =	rddreg [dreg:$0x4]  }
0x7c: {  	[tilespmem:s28], [sflag:$0x3] =	stream.strided.gather [hbm4b:s10+s25], $0x4000, s26, s25, $0x38;
	[tilespmem:$0x1EF80] =	vst v63  }
0x7d: {  	_ =	swait.ge [sflag:s29], $0x9700  }
0x7e: {  	[sflag:s29] =	ssyncset.done $0x0  }
0x7f: {  	s2 =	simm.s32 @!p0 $0x4B000;
	[sflag:s29] =	ssyncadd.s32 $0xFFFF6900  }
0x80: {  	s2 =	simm.s32 @p0 $0x41B800;
	_ =	swait.ge [sflag:s30], $0x4000  }
0x81: {  	s2 =	sadd.s32 s2, s5;
	[sflag:s30] =	ssyncset.done $0x0  }
0x82: {  	s2 =	sor.u32 s23, s2;
	[sflag:s30] =	ssyncadd.s32 $0xFFFFC000  }
0x83: {  	s9 =	simm.s32 @!p0 $0x10;
	s2 =	sshrl.u32 s2, $0x3;
	s14 =	rddreg [dreg:$0x1]  }
0x84: {  	s9 =	simm.s32 @p0 $0x4060;
	s2 =	sadd.s32 s14, s2  }
0x85: {  	[tilespmem:s31], [sflag:$0x2] =	stream.strided.gather [hbm4b:s2+s25], $0x9700, s26, s25, $0x38;
	[tilespmem:$0x1EF80] =	vst v63  }
0x86: {  	s9 =	sadd.s32 s9, s21;
	s10 =	simm.s32 $0x12F20  }
0x87: {  	[tilespmem:s6], [sflag:$0x4] =	stream.strided.gather [hbm4b:s9+s25], $0x4000, s26, s25, $0x38;
	[tilespmem:$0x1EF80] =	vst v63  }
0x88: {  	v0 =	vld [tilespmem:s10+$0x10];
	_ =	sdelay $0x1  }
0x89: {  	v2 =	vld [tilespmem:s10+$0xFFFFFFE0]  }
0x8a: {  	v3 =	vld [tilespmem:s10+$0xFFFFFFF0]  }
0x8b: {  	s14 =	simm.s32 $0x12F60;
	v4 =	vld [tilespmem:s10+$0x0]  }
0x8c: {  	v7 =	vld [tilespmem:s14+$0x10]  }
0x8d: {  	v1 =	vld [tilespmem:s14+$0xFFFFFFF0]  }
0x8e: {  	v6 =	vld [tilespmem:s14+$0xFFFFFFE0]  }
0x8f: {  	v8 =	vld.idx.msk [tilespmem:v0+s1+$0x0], $0xffff  }
0x90: {  	v0 =	vld [tilespmem:s14+$0x0]  }
0x91: {  	v5 =	vld.idx.msk [tilespmem:v2+s1+$0x0], $0xffff  }
0x92: {  	v2 =	vld.idx.msk [tilespmem:v3+s1+$0x0], $0xffff  }
0x93: {  	s2 =	simm.s32 $0x1AF20;
	v3 =	vld.idx.msk [tilespmem:v4+s1+$0x0], $0xffff  }
0x94: {  	s9 =	simm.s32 $0x4;
	s10 =	simm.s32 $0x12FA0;
	v4 =	vld.idx.msk [tilespmem:v7+s1+$0x0], $0xffff;
	[tilespmem:s2+$0x10] =	vst v8  }
.LBB2_2:
0x95: {  	v7 =	vld [tilespmem:s10+$0x10];
	s9 =	sadd.s32 $0x4, s9  }
0x96: {  	v8 =	vld [tilespmem:s10+$0xFFFFFFF0];
	p1 =	slt.u32 s9, $0x3FC;
	[tilespmem:s2+$0xFFFFFFE0] =	vst v5  }
0x97: {  	v9 =	vld [tilespmem:s10+$0x0];
	[tilespmem:s2+$0xFFFFFFF0] =	vst v2  }
0x98: {  	v10 =	vld [tilespmem:s10+$0xFFFFFFE0];
	[tilespmem:s2+$0x0] =	vst v3  }
.Ltmp2:
0x99: {  	s2 =	sadd.s32 $0x40, s2;
	v5 =	vld.idx.msk [tilespmem:v6+s1+$0x0], $0xffff;
	(pc) =	sbr.rel @p1 .LBB2_2-.Ltmp2, $4  }
0x9a: {  	v2 =	vld.idx.msk [tilespmem:v1+s1+$0x0], $0xffff;
	[tilespmem:s2+$0x10] =	vst v4  }
0x9b: {  	v3 =	vld.idx.msk [tilespmem:v0+s1+$0x0], $0xffff;
	v1 =	vmov v8  }
0x9c: {  	v0 =	vmov v9  }
0x9d: {  	s10 =	sadd.s32 $0x40, s10;
	v4 =	vld.idx.msk [tilespmem:v7+s1+$0x0], $0xffff;
	v6 =	vmov v10  }
0x9e: {  	_ =	sdelay $0x3  }
0x9f: {  	v6 =	vld.idx.msk [tilespmem:v6+s1+$0x0], $0xffff  }
0xa0: {  	[tilespmem:s2+$0xFFFFFFE0] =	vst v5;
	v1 =	vld.idx.msk [tilespmem:v1+s1+$0x0], $0xffff  }
0xa1: {  	v0 =	vld.idx.msk [tilespmem:v0+s1+$0x0], $0xffff;
	[tilespmem:s2+$0xFFFFFFF0] =	vst v2  }
0xa2: {  	s10 =	sadd.s32 $0x40, s2;
	[tilespmem:s2+$0x0] =	vst v3  }
0xa3: {  	[tilespmem:s10+$0x10] =	vst v4  }
0xa4: {  	[tilespmem:s10+$0xFFFFFFE0] =	vst v6  }
0xa5: {  	[tilespmem:s10+$0xFFFFFFF0] =	vst v1  }
0xa6: {  	[tilespmem:s10+$0x0] =	vst v0  }
0xa7: {  	s2 =	rddreg [dreg:$0xb]  }
0xa8: {  	[hbm4b:s2+s25] =	stream.strided.scatter [tilespmem:s0], [sflag:$0x5], $0x4000, s26, s25, $0x38;
	[tilespmem:$0x1EF80] =	vst v63  }
0xa9: {  	_ =	swait.ge [sflag:s12], $0x9700  }
0xaa: {  	[sflag:s12] =	ssyncset.done $0x0  }
0xab: {  	[sflag:s12] =	ssyncadd.s32 $0xFFFF6900  }
0xac: {  	_ =	swait.ge [sflag:s13], $0x4000  }
0xad: {  	[sflag:s13] =	ssyncset.done $0x0  }
0xae: {  	s14 =	rddreg [dreg:$0xc];
	[sflag:s13] =	ssyncadd.s32 $0xFFFFC000  }
0xaf: {  	[tilespmem:s1], [sflag:$0x1] =	stream.strided.gather [hbm4b:s14+s25], $0x9700, s26, s25, $0x38;
	[tilespmem:$0x1EF80] =	vst v63  }
0xb0: {  	s9 =	rddreg [dreg:$0xd]  }
0xb1: {  	[tilespmem:s28], [sflag:$0x3] =	stream.strided.gather [hbm4b:s9+s25], $0x4000, s26, s25, $0x38;
	[tilespmem:$0x1EF80] =	vst v63  }
0xb2: {  	_ =	swait.ge [sflag:s7], $0x4000  }
0xb3: {  	[sflag:s7] =	ssyncset.done $0x0  }
0xb4: {  	s10 =	simm.s32 $0x16F20;
	[sflag:s7] =	ssyncadd.s32 $0xFFFFC000  }
0xb5: {  	v0 =	vld [tilespmem:s10+$0x10];
	_ =	sdelay $0x1  }
0xb6: {  	v2 =	vld [tilespmem:s10+$0xFFFFFFE0]  }
0xb7: {  	v3 =	vld [tilespmem:s10+$0xFFFFFFF0]  }
0xb8: {  	s14 =	simm.s32 $0x16F60;
	v4 =	vld [tilespmem:s10+$0x0]  }
0xb9: {  	v7 =	vld [tilespmem:s14+$0x10]  }
0xba: {  	v1 =	vld [tilespmem:s14+$0xFFFFFFF0]  }
0xbb: {  	v6 =	vld [tilespmem:s14+$0xFFFFFFE0]  }
0xbc: {  	v8 =	vld.idx.msk [tilespmem:v0+s31+$0x0], $0xffff  }
0xbd: {  	v0 =	vld [tilespmem:s14+$0x0]  }
0xbe: {  	v5 =	vld.idx.msk [tilespmem:v2+s31+$0x0], $0xffff  }
0xbf: {  	v2 =	vld.idx.msk [tilespmem:v3+s31+$0x0], $0xffff  }
0xc0: {  	s2 =	simm.s32 $0x1AF20;
	v3 =	vld.idx.msk [tilespmem:v4+s31+$0x0], $0xffff  }
0xc1: {  	s9 =	simm.s32 $0x4;
	s10 =	simm.s32 $0x16FA0;
	v4 =	vld.idx.msk [tilespmem:v7+s31+$0x0], $0xffff;
	[tilespmem:s2+$0x10] =	vst v8  }
.LBB2_4:
0xc2: {  	v7 =	vld [tilespmem:s10+$0x10];
	s9 =	sadd.s32 $0x4, s9  }
0xc3: {  	v8 =	vld [tilespmem:s10+$0xFFFFFFF0];
	p1 =	slt.u32 s9, $0x3FC;
	[tilespmem:s2+$0xFFFFFFE0] =	vst v5  }
0xc4: {  	v9 =	vld [tilespmem:s10+$0x0];
	[tilespmem:s2+$0xFFFFFFF0] =	vst v2  }
0xc5: {  	v10 =	vld [tilespmem:s10+$0xFFFFFFE0];
	[tilespmem:s2+$0x0] =	vst v3  }
.Ltmp3:
0xc6: {  	s2 =	sadd.s32 $0x40, s2;
	v5 =	vld.idx.msk [tilespmem:v6+s31+$0x0], $0xffff;
	(pc) =	sbr.rel @p1 .LBB2_4-.Ltmp3, $4  }
0xc7: {  	v2 =	vld.idx.msk [tilespmem:v1+s31+$0x0], $0xffff;
	[tilespmem:s2+$0x10] =	vst v4  }
0xc8: {  	v3 =	vld.idx.msk [tilespmem:v0+s31+$0x0], $0xffff;
	v1 =	vmov v8  }
0xc9: {  	v0 =	vmov v9  }
0xca: {  	s10 =	sadd.s32 $0x40, s10;
	v4 =	vld.idx.msk [tilespmem:v7+s31+$0x0], $0xffff;
	v6 =	vmov v10  }
0xcb: {  	_ =	sdelay $0x3  }
0xcc: {  	v6 =	vld.idx.msk [tilespmem:v6+s31+$0x0], $0xffff  }
0xcd: {  	[tilespmem:s2+$0xFFFFFFE0] =	vst v5;
	v1 =	vld.idx.msk [tilespmem:v1+s31+$0x0], $0xffff  }
0xce: {  	v0 =	vld.idx.msk [tilespmem:v0+s31+$0x0], $0xffff;
	[tilespmem:s2+$0xFFFFFFF0] =	vst v2  }
0xcf: {  	s10 =	sadd.s32 $0x40, s2;
	[tilespmem:s2+$0x0] =	vst v3  }
0xd0: {  	[tilespmem:s10+$0x10] =	vst v4  }
0xd1: {  	[tilespmem:s10+$0xFFFFFFE0] =	vst v6  }
0xd2: {  	[tilespmem:s10+$0xFFFFFFF0] =	vst v1  }
0xd3: {  	[tilespmem:s10+$0x0] =	vst v0  }
0xd4: {  	s2 =	rddreg [dreg:$0xe]  }
0xd5: {  	[hbm4b:s2+s25] =	stream.strided.scatter [tilespmem:s0], [sflag:$0x5], $0x4000, s26, s25, $0x38;
	[tilespmem:$0x1EF80] =	vst v63  }
0xd6: {  	_ =	swait.ge [sflag:s29], $0x9700  }
0xd7: {  	[sflag:s29] =	ssyncset.done $0x0  }
0xd8: {  	[sflag:s29] =	ssyncadd.s32 $0xFFFF6900  }
0xd9: {  	_ =	swait.ge [sflag:s30], $0x4000  }
0xda: {  	[sflag:s30] =	ssyncset.done $0x0  }
0xdb: {  	s14 =	rddreg [dreg:$0xf];
	[sflag:s30] =	ssyncadd.s32 $0xFFFFC000  }
0xdc: {  	[tilespmem:s31], [sflag:$0x2] =	stream.strided.gather [hbm4b:s14+s25], $0x9700, s26, s25, $0x38;
	[tilespmem:$0x1EF80] =	vst v63  }
0xdd: {  	s9 =	rddreg [dreg:$0x10]  }
0xde: {  	[tilespmem:s6], [sflag:$0x4] =	stream.strided.gather [hbm4b:s9+s25], $0x4000, s26, s25, $0x38;
	[tilespmem:$0x1EF80] =	vst v63  }
0xdf: {  	_ =	swait.ge [sflag:s7], $0x4000  }
0xe0: {  	[sflag:s7] =	ssyncset.done $0x0  }
0xe1: {  	s10 =	simm.s32 $0x12F20;
	[sflag:s7] =	ssyncadd.s32 $0xFFFFC000  }
0xe2: {  	v0 =	vld [tilespmem:s10+$0x10];
	_ =	sdelay $0x1  }
0xe3: {  	v2 =	vld [tilespmem:s10+$0xFFFFFFE0]  }
0xe4: {  	v3 =	vld [tilespmem:s10+$0xFFFFFFF0]  }
0xe5: {  	s14 =	simm.s32 $0x12F60;
	v4 =	vld [tilespmem:s10+$0x0]  }
0xe6: {  	v7 =	vld [tilespmem:s14+$0x10]  }
0xe7: {  	v1 =	vld [tilespmem:s14+$0xFFFFFFF0]  }
0xe8: {  	v6 =	vld [tilespmem:s14+$0xFFFFFFE0]  }
0xe9: {  	v8 =	vld.idx.msk [tilespmem:v0+s1+$0x0], $0xffff  }
0xea: {  	v0 =	vld [tilespmem:s14+$0x0]  }
0xeb: {  	v5 =	vld.idx.msk [tilespmem:v2+s1+$0x0], $0xffff  }
0xec: {  	v2 =	vld.idx.msk [tilespmem:v3+s1+$0x0], $0xffff  }
0xed: {  	s2 =	simm.s32 $0x1AF20;
	v3 =	vld.idx.msk [tilespmem:v4+s1+$0x0], $0xffff  }
0xee: {  	s9 =	simm.s32 $0x4;
	s10 =	simm.s32 $0x12FA0;
	v4 =	vld.idx.msk [tilespmem:v7+s1+$0x0], $0xffff;
	[tilespmem:s2+$0x10] =	vst v8  }
.LBB2_6:
0xef: {  	v7 =	vld [tilespmem:s10+$0x10];
	s9 =	sadd.s32 $0x4, s9  }
0xf0: {  	v8 =	vld [tilespmem:s10+$0xFFFFFFF0];
	p1 =	slt.u32 s9, $0x3FC;
	[tilespmem:s2+$0xFFFFFFE0] =	vst v5  }
0xf1: {  	v9 =	vld [tilespmem:s10+$0x0];
	[tilespmem:s2+$0xFFFFFFF0] =	vst v2  }
0xf2: {  	v10 =	vld [tilespmem:s10+$0xFFFFFFE0];
	[tilespmem:s2+$0x0] =	vst v3  }
.Ltmp4:
0xf3: {  	s2 =	sadd.s32 $0x40, s2;
	v5 =	vld.idx.msk [tilespmem:v6+s1+$0x0], $0xffff;
	(pc) =	sbr.rel @p1 .LBB2_6-.Ltmp4, $4  }
0xf4: {  	v2 =	vld.idx.msk [tilespmem:v1+s1+$0x0], $0xffff;
	[tilespmem:s2+$0x10] =	vst v4  }
0xf5: {  	v3 =	vld.idx.msk [tilespmem:v0+s1+$0x0], $0xffff;
	v1 =	vmov v8  }
0xf6: {  	v0 =	vmov v9  }
0xf7: {  	s10 =	sadd.s32 $0x40, s10;
	v4 =	vld.idx.msk [tilespmem:v7+s1+$0x0], $0xffff;
	v6 =	vmov v10  }
0xf8: {  	_ =	sdelay $0x3  }
0xf9: {  	v6 =	vld.idx.msk [tilespmem:v6+s1+$0x0], $0xffff  }
0xfa: {  	[tilespmem:s2+$0xFFFFFFE0] =	vst v5;
	v1 =	vld.idx.msk [tilespmem:v1+s1+$0x0], $0xffff  }
0xfb: {  	v0 =	vld.idx.msk [tilespmem:v0+s1+$0x0], $0xffff;
	[tilespmem:s2+$0xFFFFFFF0] =	vst v2  }
0xfc: {  	s10 =	sadd.s32 $0x40, s2;
	[tilespmem:s2+$0x0] =	vst v3  }
0xfd: {  	[tilespmem:s10+$0x10] =	vst v4  }
0xfe: {  	[tilespmem:s10+$0xFFFFFFE0] =	vst v6  }
0xff: {  	[tilespmem:s10+$0xFFFFFFF0] =	vst v1  }
0x100: {  	[tilespmem:s10+$0x0] =	vst v0  }
0x101: {  	s2 =	rddreg [dreg:$0x11]  }
0x102: {  	[hbm4b:s2+s25] =	stream.strided.scatter [tilespmem:s0], [sflag:$0x5], $0x4000, s26, s25, $0x38;
	[tilespmem:$0x1EF80] =	vst v63  }
0x103: {  	_ =	swait.ge [sflag:s12], $0x9700  }
0x104: {  	[sflag:s12] =	ssyncset.done $0x0  }
0x105: {  	[sflag:s12] =	ssyncadd.s32 $0xFFFF6900  }
0x106: {  	_ =	swait.ge [sflag:s13], $0x4000  }
0x107: {  	[sflag:s13] =	ssyncset.done $0x0  }
0x108: {  	s14 =	rddreg [dreg:$0x12];
	[sflag:s13] =	ssyncadd.s32 $0xFFFFC000  }
0x109: {  	[tilespmem:s1], [sflag:$0x1] =	stream.strided.gather [hbm4b:s14+s25], $0x9700, s26, s25, $0x38;
	[tilespmem:$0x1EF80] =	vst v63  }
0x10a: {  	s9 =	rddreg [dreg:$0x13]  }
0x10b: {  	[tilespmem:s28], [sflag:$0x3] =	stream.strided.gather [hbm4b:s9+s25], $0x4000, s26, s25, $0x38;
	[tilespmem:$0x1EF80] =	vst v63  }
0x10c: {  	_ =	swait.ge [sflag:s7], $0x4000  }
0x10d: {  	[sflag:s7] =	ssyncset.done $0x0  }
0x10e: {  	s10 =	simm.s32 $0x16F20;
	[sflag:s7] =	ssyncadd.s32 $0xFFFFC000  }
0x10f: {  	v0 =	vld [tilespmem:s10+$0x10];
	_ =	sdelay $0x1  }
0x110: {  	v2 =	vld [tilespmem:s10+$0xFFFFFFE0]  }
0x111: {  	v3 =	vld [tilespmem:s10+$0xFFFFFFF0]  }
0x112: {  	s14 =	simm.s32 $0x16F60;
	v4 =	vld [tilespmem:s10+$0x0]  }
0x113: {  	v7 =	vld [tilespmem:s14+$0x10]  }
0x114: {  	v1 =	vld [tilespmem:s14+$0xFFFFFFF0]  }
0x115: {  	v6 =	vld [tilespmem:s14+$0xFFFFFFE0]  }
0x116: {  	v8 =	vld.idx.msk [tilespmem:v0+s31+$0x0], $0xffff  }
0x117: {  	v0 =	vld [tilespmem:s14+$0x0]  }
0x118: {  	v5 =	vld.idx.msk [tilespmem:v2+s31+$0x0], $0xffff  }
0x119: {  	v2 =	vld.idx.msk [tilespmem:v3+s31+$0x0], $0xffff  }
0x11a: {  	s2 =	simm.s32 $0x1AF20;
	v3 =	vld.idx.msk [tilespmem:v4+s31+$0x0], $0xffff  }
0x11b: {  	s9 =	simm.s32 $0x4;
	s10 =	simm.s32 $0x16FA0;
	v4 =	vld.idx.msk [tilespmem:v7+s31+$0x0], $0xffff;
	[tilespmem:s2+$0x10] =	vst v8  }
.LBB2_8:
0x11c: {  	v7 =	vld [tilespmem:s10+$0x10];
	s9 =	sadd.s32 $0x4, s9  }
0x11d: {  	v8 =	vld [tilespmem:s10+$0xFFFFFFF0];
	p1 =	slt.u32 s9, $0x3FC;
	[tilespmem:s2+$0xFFFFFFE0] =	vst v5  }
0x11e: {  	v9 =	vld [tilespmem:s10+$0x0];
	[tilespmem:s2+$0xFFFFFFF0] =	vst v2  }
0x11f: {  	v10 =	vld [tilespmem:s10+$0xFFFFFFE0];
	[tilespmem:s2+$0x0] =	vst v3  }
.Ltmp5:
0x120: {  	s2 =	sadd.s32 $0x40, s2;
	v5 =	vld.idx.msk [tilespmem:v6+s31+$0x0], $0xffff;
	(pc) =	sbr.rel @p1 .LBB2_8-.Ltmp5, $4  }
0x121: {  	v2 =	vld.idx.msk [tilespmem:v1+s31+$0x0], $0xffff;
	[tilespmem:s2+$0x10] =	vst v4  }
0x122: {  	v3 =	vld.idx.msk [tilespmem:v0+s31+$0x0], $0xffff;
	v1 =	vmov v8  }
0x123: {  	v0 =	vmov v9  }
0x124: {  	s10 =	sadd.s32 $0x40, s10;
	v4 =	vld.idx.msk [tilespmem:v7+s31+$0x0], $0xffff;
	v6 =	vmov v10  }
0x125: {  	_ =	sdelay $0x3  }
0x126: {  	v6 =	vld.idx.msk [tilespmem:v6+s31+$0x0], $0xffff  }
0x127: {  	[tilespmem:s2+$0xFFFFFFE0] =	vst v5;
	v1 =	vld.idx.msk [tilespmem:v1+s31+$0x0], $0xffff  }
0x128: {  	v0 =	vld.idx.msk [tilespmem:v0+s31+$0x0], $0xffff;
	[tilespmem:s2+$0xFFFFFFF0] =	vst v2  }
0x129: {  	s10 =	sadd.s32 $0x40, s2;
	[tilespmem:s2+$0x0] =	vst v3  }
0x12a: {  	[tilespmem:s10+$0x10] =	vst v4  }
0x12b: {  	[tilespmem:s10+$0xFFFFFFE0] =	vst v6  }
0x12c: {  	[tilespmem:s10+$0xFFFFFFF0] =	vst v1  }
0x12d: {  	[tilespmem:s10+$0x0] =	vst v0  }
0x12e: {  	s2 =	rddreg [dreg:$0x14]  }
0x12f: {  	[hbm4b:s2+s25] =	stream.strided.scatter [tilespmem:s0], [sflag:$0x5], $0x4000, s26, s25, $0x38;
	[tilespmem:$0x1EF80] =	vst v63  }
0x130: {  	_ =	swait.ge [sflag:s29], $0x9700  }
0x131: {  	[sflag:s29] =	ssyncset.done $0x0  }
0x132: {  	[sflag:s29] =	ssyncadd.s32 $0xFFFF6900  }
0x133: {  	_ =	swait.ge [sflag:s30], $0x4000  }
0x134: {  	[sflag:s30] =	ssyncset.done $0x0  }
0x135: {  	s14 =	rddreg [dreg:$0x15];
	[sflag:s30] =	ssyncadd.s32 $0xFFFFC000  }
0x136: {  	[tilespmem:s31], [sflag:$0x2] =	stream.strided.gather [hbm4b:s14+s25], $0x9700, s26, s25, $0x38;
	[tilespmem:$0x1EF80] =	vst v63  }
0x137: {  	s9 =	rddreg [dreg:$0x16]  }
0x138: {  	[tilespmem:s6], [sflag:$0x4] =	stream.strided.gather [hbm4b:s9+s25], $0x4000, s26, s25, $0x38;
	[tilespmem:$0x1EF80] =	vst v63  }
0x139: {  	_ =	swait.ge [sflag:s7], $0x4000  }
0x13a: {  	[sflag:s7] =	ssyncset.done $0x0  }
0x13b: {  	s10 =	simm.s32 $0x12F20;
	[sflag:s7] =	ssyncadd.s32 $0xFFFFC000  }
0x13c: {  	v0 =	vld [tilespmem:s10+$0x10];
	_ =	sdelay $0x1  }
0x13d: {  	v2 =	vld [tilespmem:s10+$0xFFFFFFE0]  }
0x13e: {  	v3 =	vld [tilespmem:s10+$0xFFFFFFF0]  }
0x13f: {  	s14 =	simm.s32 $0x12F60;
	v4 =	vld [tilespmem:s10+$0x0]  }
0x140: {  	v7 =	vld [tilespmem:s14+$0x10]  }
0x141: {  	v1 =	vld [tilespmem:s14+$0xFFFFFFF0]  }
0x142: {  	v6 =	vld [tilespmem:s14+$0xFFFFFFE0]  }
0x143: {  	v8 =	vld.idx.msk [tilespmem:v0+s1+$0x0], $0xffff  }
0x144: {  	v0 =	vld [tilespmem:s14+$0x0]  }
0x145: {  	v5 =	vld.idx.msk [tilespmem:v2+s1+$0x0], $0xffff  }
0x146: {  	v2 =	vld.idx.msk [tilespmem:v3+s1+$0x0], $0xffff  }
0x147: {  	s2 =	simm.s32 $0x1AF20;
	v3 =	vld.idx.msk [tilespmem:v4+s1+$0x0], $0xffff  }
0x148: {  	s9 =	simm.s32 $0x4;
	s10 =	simm.s32 $0x12FA0;
	v4 =	vld.idx.msk [tilespmem:v7+s1+$0x0], $0xffff;
	[tilespmem:s2+$0x10] =	vst v8  }
.LBB2_10:
0x149: {  	v7 =	vld [tilespmem:s10+$0x10];
	s9 =	sadd.s32 $0x4, s9  }
0x14a: {  	v8 =	vld [tilespmem:s10+$0xFFFFFFF0];
	p1 =	slt.u32 s9, $0x3FC;
	[tilespmem:s2+$0xFFFFFFE0] =	vst v5  }
0x14b: {  	v9 =	vld [tilespmem:s10+$0x0];
	[tilespmem:s2+$0xFFFFFFF0] =	vst v2  }
0x14c: {  	v10 =	vld [tilespmem:s10+$0xFFFFFFE0];
	[tilespmem:s2+$0x0] =	vst v3  }
.Ltmp6:
0x14d: {  	s2 =	sadd.s32 $0x40, s2;
	v5 =	vld.idx.msk [tilespmem:v6+s1+$0x0], $0xffff;
	(pc) =	sbr.rel @p1 .LBB2_10-.Ltmp6, $4  }
0x14e: {  	v2 =	vld.idx.msk [tilespmem:v1+s1+$0x0], $0xffff;
	[tilespmem:s2+$0x10] =	vst v4  }
0x14f: {  	v3 =	vld.idx.msk [tilespmem:v0+s1+$0x0], $0xffff;
	v1 =	vmov v8  }
0x150: {  	v0 =	vmov v9  }
0x151: {  	s10 =	sadd.s32 $0x40, s10;
	v4 =	vld.idx.msk [tilespmem:v7+s1+$0x0], $0xffff;
	v6 =	vmov v10  }
0x152: {  	_ =	sdelay $0x3  }
0x153: {  	v6 =	vld.idx.msk [tilespmem:v6+s1+$0x0], $0xffff  }
0x154: {  	[tilespmem:s2+$0xFFFFFFE0] =	vst v5;
	v1 =	vld.idx.msk [tilespmem:v1+s1+$0x0], $0xffff  }
0x155: {  	v0 =	vld.idx.msk [tilespmem:v0+s1+$0x0], $0xffff;
	[tilespmem:s2+$0xFFFFFFF0] =	vst v2  }
0x156: {  	s10 =	sadd.s32 $0x40, s2;
	[tilespmem:s2+$0x0] =	vst v3  }
0x157: {  	[tilespmem:s10+$0x10] =	vst v4  }
0x158: {  	[tilespmem:s10+$0xFFFFFFE0] =	vst v6  }
0x159: {  	[tilespmem:s10+$0xFFFFFFF0] =	vst v1  }
0x15a: {  	[tilespmem:s10+$0x0] =	vst v0  }
0x15b: {  	s2 =	rddreg [dreg:$0x17]  }
0x15c: {  	[hbm4b:s2+s25] =	stream.strided.scatter [tilespmem:s0], [sflag:$0x5], $0x4000, s26, s25, $0x38;
	[tilespmem:$0x1EF80] =	vst v63  }
0x15d: {  	_ =	swait.ge [sflag:s12], $0x9700  }
0x15e: {  	[sflag:s12] =	ssyncset.done $0x0  }
0x15f: {  	[sflag:s12] =	ssyncadd.s32 $0xFFFF6900  }
0x160: {  	_ =	swait.ge [sflag:s13], $0x4000  }
0x161: {  	[sflag:s13] =	ssyncset.done $0x0  }
0x162: {  	s14 =	rddreg [dreg:$0x18];
	[sflag:s13] =	ssyncadd.s32 $0xFFFFC000  }
0x163: {  	[tilespmem:s1], [sflag:$0x1] =	stream.strided.gather [hbm4b:s14+s25], $0x9700, s26, s25, $0x38;
	[tilespmem:$0x1EF80] =	vst v63  }
0x164: {  	s9 =	rddreg [dreg:$0x19]  }
0x165: {  	[tilespmem:s28], [sflag:$0x3] =	stream.strided.gather [hbm4b:s9+s25], $0x4000, s26, s25, $0x38;
	[tilespmem:$0x1EF80] =	vst v63  }
0x166: {  	_ =	swait.ge [sflag:s7], $0x4000  }
0x167: {  	[sflag:s7] =	ssyncset.done $0x0  }
0x168: {  	s10 =	simm.s32 $0x16F20;
	[sflag:s7] =	ssyncadd.s32 $0xFFFFC000  }
0x169: {  	v0 =	vld [tilespmem:s10+$0x10];
	_ =	sdelay $0x1  }
0x16a: {  	v2 =	vld [tilespmem:s10+$0xFFFFFFE0]  }
0x16b: {  	v3 =	vld [tilespmem:s10+$0xFFFFFFF0]  }
0x16c: {  	s14 =	simm.s32 $0x16F60;
	v4 =	vld [tilespmem:s10+$0x0]  }
0x16d: {  	v7 =	vld [tilespmem:s14+$0x10]  }
0x16e: {  	v1 =	vld [tilespmem:s14+$0xFFFFFFF0]  }
0x16f: {  	v6 =	vld [tilespmem:s14+$0xFFFFFFE0]  }
0x170: {  	v8 =	vld.idx.msk [tilespmem:v0+s31+$0x0], $0xffff  }
0x171: {  	v0 =	vld [tilespmem:s14+$0x0]  }
0x172: {  	v5 =	vld.idx.msk [tilespmem:v2+s31+$0x0], $0xffff  }
0x173: {  	v2 =	vld.idx.msk [tilespmem:v3+s31+$0x0], $0xffff  }
0x174: {  	s2 =	simm.s32 $0x1AF20;
	v3 =	vld.idx.msk [tilespmem:v4+s31+$0x0], $0xffff  }
0x175: {  	s9 =	simm.s32 $0x4;
	s10 =	simm.s32 $0x16FA0;
	v4 =	vld.idx.msk [tilespmem:v7+s31+$0x0], $0xffff;
	[tilespmem:s2+$0x10] =	vst v8  }
.LBB2_12:
0x176: {  	v7 =	vld [tilespmem:s10+$0x10];
	s9 =	sadd.s32 $0x4, s9  }
0x177: {  	v8 =	vld [tilespmem:s10+$0xFFFFFFF0];
	p1 =	slt.u32 s9, $0x3FC;
	[tilespmem:s2+$0xFFFFFFE0] =	vst v5  }
0x178: {  	v9 =	vld [tilespmem:s10+$0x0];
	[tilespmem:s2+$0xFFFFFFF0] =	vst v2  }
0x179: {  	v10 =	vld [tilespmem:s10+$0xFFFFFFE0];
	[tilespmem:s2+$0x0] =	vst v3  }
.Ltmp7:
0x17a: {  	s2 =	sadd.s32 $0x40, s2;
	v5 =	vld.idx.msk [tilespmem:v6+s31+$0x0], $0xffff;
	(pc) =	sbr.rel @p1 .LBB2_12-.Ltmp7, $4  }
0x17b: {  	v2 =	vld.idx.msk [tilespmem:v1+s31+$0x0], $0xffff;
	[tilespmem:s2+$0x10] =	vst v4  }
0x17c: {  	v3 =	vld.idx.msk [tilespmem:v0+s31+$0x0], $0xffff;
	v1 =	vmov v8  }
0x17d: {  	v0 =	vmov v9  }
0x17e: {  	s10 =	sadd.s32 $0x40, s10;
	v4 =	vld.idx.msk [tilespmem:v7+s31+$0x0], $0xffff;
	v6 =	vmov v10  }
0x17f: {  	_ =	sdelay $0x3  }
0x180: {  	v6 =	vld.idx.msk [tilespmem:v6+s31+$0x0], $0xffff  }
0x181: {  	[tilespmem:s2+$0xFFFFFFE0] =	vst v5;
	v1 =	vld.idx.msk [tilespmem:v1+s31+$0x0], $0xffff  }
0x182: {  	v0 =	vld.idx.msk [tilespmem:v0+s31+$0x0], $0xffff;
	[tilespmem:s2+$0xFFFFFFF0] =	vst v2  }
0x183: {  	s10 =	sadd.s32 $0x40, s2;
	[tilespmem:s2+$0x0] =	vst v3  }
0x184: {  	[tilespmem:s10+$0x10] =	vst v4  }
0x185: {  	[tilespmem:s10+$0xFFFFFFE0] =	vst v6  }
0x186: {  	[tilespmem:s10+$0xFFFFFFF0] =	vst v1  }
0x187: {  	[tilespmem:s10+$0x0] =	vst v0  }
0x188: {  	s2 =	rddreg [dreg:$0x1a]  }
0x189: {  	[hbm4b:s2+s25] =	stream.strided.scatter [tilespmem:s0], [sflag:$0x5], $0x4000, s26, s25, $0x38;
	[tilespmem:$0x1EF80] =	vst v63  }
0x18a: {  	_ =	swait.ge [sflag:s29], $0x9700  }
0x18b: {  	[sflag:s29] =	ssyncset.done $0x0  }
0x18c: {  	[sflag:s29] =	ssyncadd.s32 $0xFFFF6900  }
0x18d: {  	_ =	swait.ge [sflag:s30], $0x4000  }
0x18e: {  	[sflag:s30] =	ssyncset.done $0x0  }
0x18f: {  	s14 =	rddreg [dreg:$0x1b];
	[sflag:s30] =	ssyncadd.s32 $0xFFFFC000  }
0x190: {  	[tilespmem:s31], [sflag:$0x2] =	stream.strided.gather [hbm4b:s14+s25], $0x9700, s26, s25, $0x38;
	[tilespmem:$0x1EF80] =	vst v63  }
0x191: {  	s9 =	rddreg [dreg:$0x1c]  }
0x192: {  	[tilespmem:s6], [sflag:$0x4] =	stream.strided.gather [hbm4b:s9+s25], $0x4000, s26, s25, $0x38;
	[tilespmem:$0x1EF80] =	vst v63  }
0x193: {  	_ =	swait.ge [sflag:s7], $0x4000  }
0x194: {  	[sflag:s7] =	ssyncset.done $0x0  }
0x195: {  	s10 =	simm.s32 $0x12F20;
	[sflag:s7] =	ssyncadd.s32 $0xFFFFC000  }
0x196: {  	v0 =	vld [tilespmem:s10+$0x10];
	_ =	sdelay $0x1  }
0x197: {  	v2 =	vld [tilespmem:s10+$0xFFFFFFE0]  }
0x198: {  	v3 =	vld [tilespmem:s10+$0xFFFFFFF0]  }
0x199: {  	s14 =	simm.s32 $0x12F60;
	v4 =	vld [tilespmem:s10+$0x0]  }
0x19a: {  	v7 =	vld [tilespmem:s14+$0x10]  }
0x19b: {  	v1 =	vld [tilespmem:s14+$0xFFFFFFF0]  }
0x19c: {  	v6 =	vld [tilespmem:s14+$0xFFFFFFE0]  }
0x19d: {  	v8 =	vld.idx.msk [tilespmem:v0+s1+$0x0], $0xffff  }
0x19e: {  	v0 =	vld [tilespmem:s14+$0x0]  }
0x19f: {  	v5 =	vld.idx.msk [tilespmem:v2+s1+$0x0], $0xffff  }
0x1a0: {  	v2 =	vld.idx.msk [tilespmem:v3+s1+$0x0], $0xffff  }
0x1a1: {  	s2 =	simm.s32 $0x1AF20;
	v3 =	vld.idx.msk [tilespmem:v4+s1+$0x0], $0xffff  }
0x1a2: {  	s9 =	simm.s32 $0x4;
	s10 =	simm.s32 $0x12FA0;
	v4 =	vld.idx.msk [tilespmem:v7+s1+$0x0], $0xffff;
	[tilespmem:s2+$0x10] =	vst v8  }
.LBB2_14:
0x1a3: {  	v7 =	vld [tilespmem:s10+$0x10];
	s9 =	sadd.s32 $0x4, s9  }
0x1a4: {  	v8 =	vld [tilespmem:s10+$0xFFFFFFF0];
	p1 =	slt.u32 s9, $0x3FC;
	[tilespmem:s2+$0xFFFFFFE0] =	vst v5  }
0x1a5: {  	v9 =	vld [tilespmem:s10+$0x0];
	[tilespmem:s2+$0xFFFFFFF0] =	vst v2  }
0x1a6: {  	v10 =	vld [tilespmem:s10+$0xFFFFFFE0];
	[tilespmem:s2+$0x0] =	vst v3  }
.Ltmp8:
0x1a7: {  	s2 =	sadd.s32 $0x40, s2;
	v5 =	vld.idx.msk [tilespmem:v6+s1+$0x0], $0xffff;
	(pc) =	sbr.rel @p1 .LBB2_14-.Ltmp8, $4  }
0x1a8: {  	v2 =	vld.idx.msk [tilespmem:v1+s1+$0x0], $0xffff;
	[tilespmem:s2+$0x10] =	vst v4  }
0x1a9: {  	v3 =	vld.idx.msk [tilespmem:v0+s1+$0x0], $0xffff;
	v1 =	vmov v8  }
0x1aa: {  	v0 =	vmov v9  }
0x1ab: {  	s10 =	sadd.s32 $0x40, s10;
	v4 =	vld.idx.msk [tilespmem:v7+s1+$0x0], $0xffff;
	v6 =	vmov v10  }
0x1ac: {  	_ =	sdelay $0x3  }
0x1ad: {  	v6 =	vld.idx.msk [tilespmem:v6+s1+$0x0], $0xffff  }
0x1ae: {  	[tilespmem:s2+$0xFFFFFFE0] =	vst v5;
	v1 =	vld.idx.msk [tilespmem:v1+s1+$0x0], $0xffff  }
0x1af: {  	v0 =	vld.idx.msk [tilespmem:v0+s1+$0x0], $0xffff;
	[tilespmem:s2+$0xFFFFFFF0] =	vst v2  }
0x1b0: {  	s10 =	sadd.s32 $0x40, s2;
	[tilespmem:s2+$0x0] =	vst v3  }
0x1b1: {  	[tilespmem:s10+$0x10] =	vst v4  }
0x1b2: {  	[tilespmem:s10+$0xFFFFFFE0] =	vst v6  }
0x1b3: {  	[tilespmem:s10+$0xFFFFFFF0] =	vst v1  }
0x1b4: {  	[tilespmem:s10+$0x0] =	vst v0  }
0x1b5: {  	s2 =	rddreg [dreg:$0x1d]  }
0x1b6: {  	[hbm4b:s2+s25] =	stream.strided.scatter [tilespmem:s0], [sflag:$0x5], $0x4000, s26, s25, $0x38;
	[tilespmem:$0x1EF80] =	vst v63  }
0x1b7: {  	_ =	swait.ge [sflag:s12], $0x9700  }
0x1b8: {  	[sflag:s12] =	ssyncset.done $0x0  }
0x1b9: {  	[sflag:s12] =	ssyncadd.s32 $0xFFFF6900  }
0x1ba: {  	_ =	swait.ge [sflag:s13], $0x4000  }
0x1bb: {  	[sflag:s13] =	ssyncset.done $0x0  }
0x1bc: {  	s14 =	rddreg [dreg:$0x1e];
	[sflag:s13] =	ssyncadd.s32 $0xFFFFC000  }
0x1bd: {  	[tilespmem:s1], [sflag:$0x1] =	stream.strided.gather [hbm4b:s14+s25], $0x9700, s26, s25, $0x38;
	[tilespmem:$0x1EF80] =	vst v63  }
0x1be: {  	s9 =	rddreg [dreg:$0x1f]  }
0x1bf: {  	[tilespmem:s28], [sflag:$0x3] =	stream.strided.gather [hbm4b:s9+s25], $0x4000, s26, s25, $0x38;
	[tilespmem:$0x1EF80] =	vst v63  }
0x1c0: {  	_ =	swait.ge [sflag:s7], $0x4000  }
0x1c1: {  	[sflag:s7] =	ssyncset.done $0x0  }
0x1c2: {  	s10 =	simm.s32 $0x16F20;
	[sflag:s7] =	ssyncadd.s32 $0xFFFFC000  }
0x1c3: {  	v0 =	vld [tilespmem:s10+$0x10];
	_ =	sdelay $0x1  }
0x1c4: {  	v2 =	vld [tilespmem:s10+$0xFFFFFFE0]  }
0x1c5: {  	v3 =	vld [tilespmem:s10+$0xFFFFFFF0]  }
0x1c6: {  	s14 =	simm.s32 $0x16F60;
	v4 =	vld [tilespmem:s10+$0x0]  }
0x1c7: {  	v7 =	vld [tilespmem:s14+$0x10]  }
0x1c8: {  	v1 =	vld [tilespmem:s14+$0xFFFFFFF0]  }
0x1c9: {  	v6 =	vld [tilespmem:s14+$0xFFFFFFE0]  }
0x1ca: {  	v8 =	vld.idx.msk [tilespmem:v0+s31+$0x0], $0xffff  }
0x1cb: {  	v0 =	vld [tilespmem:s14+$0x0]  }
0x1cc: {  	v5 =	vld.idx.msk [tilespmem:v2+s31+$0x0], $0xffff  }
0x1cd: {  	v2 =	vld.idx.msk [tilespmem:v3+s31+$0x0], $0xffff  }
0x1ce: {  	s2 =	simm.s32 $0x1AF20;
	v3 =	vld.idx.msk [tilespmem:v4+s31+$0x0], $0xffff  }
0x1cf: {  	s9 =	simm.s32 $0x4;
	s10 =	simm.s32 $0x16FA0;
	v4 =	vld.idx.msk [tilespmem:v7+s31+$0x0], $0xffff;
	[tilespmem:s2+$0x10] =	vst v8  }
.LBB2_16:
0x1d0: {  	v7 =	vld [tilespmem:s10+$0x10];
	s9 =	sadd.s32 $0x4, s9  }
0x1d1: {  	v8 =	vld [tilespmem:s10+$0xFFFFFFF0];
	p1 =	slt.u32 s9, $0x3FC;
	[tilespmem:s2+$0xFFFFFFE0] =	vst v5  }
0x1d2: {  	v9 =	vld [tilespmem:s10+$0x0];
	[tilespmem:s2+$0xFFFFFFF0] =	vst v2  }
0x1d3: {  	v10 =	vld [tilespmem:s10+$0xFFFFFFE0];
	[tilespmem:s2+$0x0] =	vst v3  }
.Ltmp9:
0x1d4: {  	s2 =	sadd.s32 $0x40, s2;
	v5 =	vld.idx.msk [tilespmem:v6+s31+$0x0], $0xffff;
	(pc) =	sbr.rel @p1 .LBB2_16-.Ltmp9, $4  }
0x1d5: {  	v2 =	vld.idx.msk [tilespmem:v1+s31+$0x0], $0xffff;
	[tilespmem:s2+$0x10] =	vst v4  }
0x1d6: {  	v3 =	vld.idx.msk [tilespmem:v0+s31+$0x0], $0xffff;
	v1 =	vmov v8  }
0x1d7: {  	v0 =	vmov v9  }
0x1d8: {  	s10 =	sadd.s32 $0x40, s10;
	v4 =	vld.idx.msk [tilespmem:v7+s31+$0x0], $0xffff;
	v6 =	vmov v10  }
0x1d9: {  	_ =	sdelay $0x3  }
0x1da: {  	v6 =	vld.idx.msk [tilespmem:v6+s31+$0x0], $0xffff  }
0x1db: {  	[tilespmem:s2+$0xFFFFFFE0] =	vst v5;
	v1 =	vld.idx.msk [tilespmem:v1+s31+$0x0], $0xffff  }
0x1dc: {  	v0 =	vld.idx.msk [tilespmem:v0+s31+$0x0], $0xffff;
	[tilespmem:s2+$0xFFFFFFF0] =	vst v2  }
0x1dd: {  	s10 =	sadd.s32 $0x40, s2;
	[tilespmem:s2+$0x0] =	vst v3  }
0x1de: {  	[tilespmem:s10+$0x10] =	vst v4  }
0x1df: {  	[tilespmem:s10+$0xFFFFFFE0] =	vst v6  }
0x1e0: {  	[tilespmem:s10+$0xFFFFFFF0] =	vst v1  }
0x1e1: {  	[tilespmem:s10+$0x0] =	vst v0  }
0x1e2: {  	s2 =	sld [smem:$0x7F6];
	_ =	sdelay $0x2  }
0x1e3: {  	[hbm4b:s2+s25] =	stream.strided.scatter [tilespmem:s0], [sflag:$0x5], $0x4000, s26, s25, $0x38;
	[tilespmem:$0x1EF80] =	vst v63  }
0x1e4: {  	_ =	swait.ge [sflag:s29], $0x9700  }
0x1e5: {  	[sflag:s29] =	ssyncset.done $0x0  }
0x1e6: {  	[sflag:s29] =	ssyncadd.s32 $0xFFFF6900  }
0x1e7: {  	_ =	swait.ge [sflag:s30], $0x4000  }
0x1e8: {  	s14 =	sld [smem:$0x7F7]  }
0x1e9: {  	[sflag:s30] =	ssyncset.done $0x0  }
0x1ea: {  	s9 =	sld [smem:$0x7F9];
	[sflag:s30] =	ssyncadd.s32 $0xFFFFC000  }
0x1eb: {  	[tilespmem:s31], [sflag:$0x2] =	stream.strided.gather [hbm4b:s14+s25], $0x9700, s26, s25, $0x38;
	[tilespmem:$0x1EF80] =	vst v63  }
0x1ec: {  	_ = 	snop  }
0x1ed: {  	[tilespmem:s6], [sflag:$0x4] =	stream.strided.gather [hbm4b:s9+s25], $0x4000, s26, s25, $0x38;
	[tilespmem:$0x1EF80] =	vst v63  }
0x1ee: {  	_ =	swait.ge [sflag:s7], $0x4000  }
0x1ef: {  	[sflag:s7] =	ssyncset.done $0x0  }
0x1f0: {  	s10 =	simm.s32 $0x12F20;
	[sflag:s7] =	ssyncadd.s32 $0xFFFFC000  }
0x1f1: {  	v0 =	vld [tilespmem:s10+$0x10];
	_ =	sdelay $0x1  }
0x1f2: {  	v2 =	vld [tilespmem:s10+$0xFFFFFFE0]  }
0x1f3: {  	v3 =	vld [tilespmem:s10+$0xFFFFFFF0]  }
0x1f4: {  	s14 =	simm.s32 $0x12F60;
	v4 =	vld [tilespmem:s10+$0x0]  }
0x1f5: {  	v7 =	vld [tilespmem:s14+$0x10]  }
0x1f6: {  	v1 =	vld [tilespmem:s14+$0xFFFFFFF0]  }
0x1f7: {  	v6 =	vld [tilespmem:s14+$0xFFFFFFE0]  }
0x1f8: {  	v8 =	vld.idx.msk [tilespmem:v0+s1+$0x0], $0xffff  }
0x1f9: {  	v0 =	vld [tilespmem:s14+$0x0]  }
0x1fa: {  	v5 =	vld.idx.msk [tilespmem:v2+s1+$0x0], $0xffff  }
0x1fb: {  	v2 =	vld.idx.msk [tilespmem:v3+s1+$0x0], $0xffff  }
0x1fc: {  	s2 =	simm.s32 $0x1AF20;
	v3 =	vld.idx.msk [tilespmem:v4+s1+$0x0], $0xffff  }
0x1fd: {  	s9 =	simm.s32 $0x4;
	s10 =	simm.s32 $0x12FA0;
	v4 =	vld.idx.msk [tilespmem:v7+s1+$0x0], $0xffff;
	[tilespmem:s2+$0x10] =	vst v8  }
.LBB2_18:
0x1fe: {  	v7 =	vld [tilespmem:s10+$0x10];
	s9 =	sadd.s32 $0x4, s9  }
0x1ff: {  	v8 =	vld [tilespmem:s10+$0xFFFFFFF0];
	p1 =	slt.u32 s9, $0x3FC;
	[tilespmem:s2+$0xFFFFFFE0] =	vst v5  }
0x200: {  	v9 =	vld [tilespmem:s10+$0x0];
	[tilespmem:s2+$0xFFFFFFF0] =	vst v2  }
0x201: {  	v10 =	vld [tilespmem:s10+$0xFFFFFFE0];
	[tilespmem:s2+$0x0] =	vst v3  }
.Ltmp10:
0x202: {  	s2 =	sadd.s32 $0x40, s2;
	v5 =	vld.idx.msk [tilespmem:v6+s1+$0x0], $0xffff;
	(pc) =	sbr.rel @p1 .LBB2_18-.Ltmp10, $4  }
0x203: {  	v2 =	vld.idx.msk [tilespmem:v1+s1+$0x0], $0xffff;
	[tilespmem:s2+$0x10] =	vst v4  }
0x204: {  	v3 =	vld.idx.msk [tilespmem:v0+s1+$0x0], $0xffff;
	v1 =	vmov v8  }
0x205: {  	v0 =	vmov v9  }
0x206: {  	s10 =	sadd.s32 $0x40, s10;
	v4 =	vld.idx.msk [tilespmem:v7+s1+$0x0], $0xffff;
	v6 =	vmov v10  }
0x207: {  	_ =	sdelay $0x3  }
0x208: {  	v6 =	vld.idx.msk [tilespmem:v6+s1+$0x0], $0xffff  }
0x209: {  	[tilespmem:s2+$0xFFFFFFE0] =	vst v5;
	v1 =	vld.idx.msk [tilespmem:v1+s1+$0x0], $0xffff  }
0x20a: {  	v0 =	vld.idx.msk [tilespmem:v0+s1+$0x0], $0xffff;
	[tilespmem:s2+$0xFFFFFFF0] =	vst v2  }
0x20b: {  	s14 =	sadd.s32 $0x40, s2;
	[tilespmem:s2+$0x0] =	vst v3  }
0x20c: {  	[tilespmem:s14+$0x10] =	vst v4  }
0x20d: {  	[tilespmem:s14+$0xFFFFFFE0] =	vst v6  }
0x20e: {  	[tilespmem:s14+$0xFFFFFFF0] =	vst v1  }
0x20f: {  	[tilespmem:s14+$0x0] =	vst v0  }
0x210: {  	s2 =	sld [smem:$0x7FA];
	_ =	sdelay $0x2  }
0x211: {  	[hbm4b:s2+s25] =	stream.strided.scatter [tilespmem:s0], [sflag:$0x5], $0x4000, s26, s25, $0x38;
	[tilespmem:$0x1EF80] =	vst v63  }
0x212: {  	_ =	swait.ge [sflag:s12], $0x9700  }
0x213: {  	[sflag:s12] =	ssyncset.done $0x0  }
0x214: {  	[sflag:s12] =	ssyncadd.s32 $0xFFFF6900  }
0x215: {  	_ =	swait.ge [sflag:s13], $0x4000  }
0x216: {  	s9 =	sld [smem:$0x7FB]  }
0x217: {  	[sflag:s13] =	ssyncset.done $0x0  }
0x218: {  	[sflag:s13] =	ssyncadd.s32 $0xFFFFC000  }
0x219: {  	[tilespmem:s1], [sflag:$0x1] =	stream.strided.gather [hbm4b:s9+s25], $0x9700, s26, s25, $0x38;
	[tilespmem:$0x1EF80] =	vst v63  }
0x21a: {  	_ = 	snop  }
0x21b: {  	[tilespmem:s28], [sflag:$0x3] =	stream.strided.gather [hbm4b:s15+s25], $0x4000, s26, s25, $0x38;
	[tilespmem:$0x1EF80] =	vst v63  }
0x21c: {  	_ =	swait.ge [sflag:s7], $0x4000  }
0x21d: {  	[sflag:s7] =	ssyncset.done $0x0  }
0x21e: {  	s10 =	simm.s32 $0x16F20;
	[sflag:s7] =	ssyncadd.s32 $0xFFFFC000  }
0x21f: {  	v0 =	vld [tilespmem:s10+$0x10];
	_ =	sdelay $0x1  }
0x220: {  	v2 =	vld [tilespmem:s10+$0xFFFFFFE0]  }
0x221: {  	v3 =	vld [tilespmem:s10+$0xFFFFFFF0]  }
0x222: {  	s14 =	simm.s32 $0x16F60;
	v4 =	vld [tilespmem:s10+$0x0]  }
0x223: {  	v7 =	vld [tilespmem:s14+$0x10]  }
0x224: {  	v1 =	vld [tilespmem:s14+$0xFFFFFFF0]  }
0x225: {  	v6 =	vld [tilespmem:s14+$0xFFFFFFE0]  }
0x226: {  	v8 =	vld.idx.msk [tilespmem:v0+s31+$0x0], $0xffff  }
0x227: {  	v0 =	vld [tilespmem:s14+$0x0]  }
0x228: {  	v5 =	vld.idx.msk [tilespmem:v2+s31+$0x0], $0xffff  }
0x229: {  	v2 =	vld.idx.msk [tilespmem:v3+s31+$0x0], $0xffff  }
0x22a: {  	s2 =	simm.s32 $0x1AF20;
	v3 =	vld.idx.msk [tilespmem:v4+s31+$0x0], $0xffff  }
0x22b: {  	s9 =	simm.s32 $0x4;
	s10 =	simm.s32 $0x16FA0;
	v4 =	vld.idx.msk [tilespmem:v7+s31+$0x0], $0xffff;
	[tilespmem:s2+$0x10] =	vst v8  }
.LBB2_20:
0x22c: {  	v7 =	vld [tilespmem:s10+$0x10];
	s9 =	sadd.s32 $0x4, s9  }
0x22d: {  	v8 =	vld [tilespmem:s10+$0xFFFFFFF0];
	p1 =	slt.u32 s9, $0x3FC;
	[tilespmem:s2+$0xFFFFFFE0] =	vst v5  }
0x22e: {  	v9 =	vld [tilespmem:s10+$0x0];
	[tilespmem:s2+$0xFFFFFFF0] =	vst v2  }
0x22f: {  	v10 =	vld [tilespmem:s10+$0xFFFFFFE0];
	[tilespmem:s2+$0x0] =	vst v3  }
.Ltmp11:
0x230: {  	s2 =	sadd.s32 $0x40, s2;
	v5 =	vld.idx.msk [tilespmem:v6+s31+$0x0], $0xffff;
	(pc) =	sbr.rel @p1 .LBB2_20-.Ltmp11, $4  }
0x231: {  	v2 =	vld.idx.msk [tilespmem:v1+s31+$0x0], $0xffff;
	[tilespmem:s2+$0x10] =	vst v4  }
0x232: {  	v3 =	vld.idx.msk [tilespmem:v0+s31+$0x0], $0xffff;
	v1 =	vmov v8  }
0x233: {  	v0 =	vmov v9  }
0x234: {  	s10 =	sadd.s32 $0x40, s10;
	v4 =	vld.idx.msk [tilespmem:v7+s31+$0x0], $0xffff;
	v6 =	vmov v10  }
0x235: {  	_ =	sdelay $0x3  }
0x236: {  	v6 =	vld.idx.msk [tilespmem:v6+s31+$0x0], $0xffff  }
0x237: {  	[tilespmem:s2+$0xFFFFFFE0] =	vst v5;
	v1 =	vld.idx.msk [tilespmem:v1+s31+$0x0], $0xffff  }
0x238: {  	v0 =	vld.idx.msk [tilespmem:v0+s31+$0x0], $0xffff;
	[tilespmem:s2+$0xFFFFFFF0] =	vst v2  }
0x239: {  	s9 =	sadd.s32 $0x40, s2;
	[tilespmem:s2+$0x0] =	vst v3  }
0x23a: {  	[tilespmem:s9+$0x10] =	vst v4  }
0x23b: {  	[tilespmem:s9+$0xFFFFFFE0] =	vst v6  }
0x23c: {  	[tilespmem:s9+$0xFFFFFFF0] =	vst v1  }
0x23d: {  	[tilespmem:s9+$0x0] =	vst v0  }
0x23e: {  	[hbm4b:s19+s25] =	stream.strided.scatter [tilespmem:s0], [sflag:$0x5], $0x4000, s26, s25, $0x38;
	[tilespmem:$0x1EF80] =	vst v63  }
0x23f: {  	_ =	swait.ge [sflag:s29], $0x9700  }
0x240: {  	[sflag:s29] =	ssyncset.done $0x0  }
0x241: {  	[sflag:s29] =	ssyncadd.s32 $0xFFFF6900  }
0x242: {  	_ =	swait.ge [sflag:s30], $0x4000  }
0x243: {  	[sflag:s30] =	ssyncset.done $0x0  }
0x244: {  	[sflag:s30] =	ssyncadd.s32 $0xFFFFC000  }
0x245: {  	[tilespmem:s31], [sflag:$0x2] =	stream.strided.gather [hbm4b:s17+s25], $0x9700, s26, s25, $0x38;
	[tilespmem:$0x1EF80] =	vst v63  }
0x246: {  	_ = 	snop  }
0x247: {  	[tilespmem:s6], [sflag:$0x4] =	stream.strided.gather [hbm4b:s16+s25], $0x4000, s26, s25, $0x38;
	[tilespmem:$0x1EF80] =	vst v63  }
0x248: {  	_ =	swait.ge [sflag:s7], $0x4000  }
0x249: {  	[sflag:s7] =	ssyncset.done $0x0  }
0x24a: {  	s10 =	simm.s32 $0x12F20;
	[sflag:s7] =	ssyncadd.s32 $0xFFFFC000  }
0x24b: {  	v0 =	vld [tilespmem:s10+$0x10];
	_ =	sdelay $0x1  }
0x24c: {  	v2 =	vld [tilespmem:s10+$0xFFFFFFE0]  }
0x24d: {  	v3 =	vld [tilespmem:s10+$0xFFFFFFF0]  }
0x24e: {  	s14 =	simm.s32 $0x12F60;
	v4 =	vld [tilespmem:s10+$0x0]  }
0x24f: {  	v7 =	vld [tilespmem:s14+$0x10]  }
0x250: {  	v1 =	vld [tilespmem:s14+$0xFFFFFFF0]  }
0x251: {  	v6 =	vld [tilespmem:s14+$0xFFFFFFE0]  }
0x252: {  	v8 =	vld.idx.msk [tilespmem:v0+s1+$0x0], $0xffff  }
0x253: {  	v0 =	vld [tilespmem:s14+$0x0]  }
0x254: {  	v5 =	vld.idx.msk [tilespmem:v2+s1+$0x0], $0xffff  }
0x255: {  	v2 =	vld.idx.msk [tilespmem:v3+s1+$0x0], $0xffff  }
0x256: {  	s2 =	simm.s32 $0x1AF20;
	v3 =	vld.idx.msk [tilespmem:v4+s1+$0x0], $0xffff  }
0x257: {  	s9 =	simm.s32 $0x4;
	s10 =	simm.s32 $0x12FA0;
	v4 =	vld.idx.msk [tilespmem:v7+s1+$0x0], $0xffff;
	[tilespmem:s2+$0x10] =	vst v8  }
.LBB2_22:
0x258: {  	v7 =	vld [tilespmem:s10+$0x10];
	s9 =	sadd.s32 $0x4, s9  }
0x259: {  	v8 =	vld [tilespmem:s10+$0xFFFFFFF0];
	p1 =	slt.u32 s9, $0x3FC;
	[tilespmem:s2+$0xFFFFFFE0] =	vst v5  }
0x25a: {  	v9 =	vld [tilespmem:s10+$0x0];
	[tilespmem:s2+$0xFFFFFFF0] =	vst v2  }
0x25b: {  	v10 =	vld [tilespmem:s10+$0xFFFFFFE0];
	[tilespmem:s2+$0x0] =	vst v3  }
.Ltmp12:
0x25c: {  	s2 =	sadd.s32 $0x40, s2;
	v5 =	vld.idx.msk [tilespmem:v6+s1+$0x0], $0xffff;
	(pc) =	sbr.rel @p1 .LBB2_22-.Ltmp12, $4  }
0x25d: {  	v2 =	vld.idx.msk [tilespmem:v1+s1+$0x0], $0xffff;
	[tilespmem:s2+$0x10] =	vst v4  }
0x25e: {  	v3 =	vld.idx.msk [tilespmem:v0+s1+$0x0], $0xffff;
	v1 =	vmov v8  }
0x25f: {  	v0 =	vmov v9  }
0x260: {  	s10 =	sadd.s32 $0x40, s10;
	v4 =	vld.idx.msk [tilespmem:v7+s1+$0x0], $0xffff;
	v6 =	vmov v10  }
0x261: {  	_ =	sdelay $0x3  }
0x262: {  	v6 =	vld.idx.msk [tilespmem:v6+s1+$0x0], $0xffff  }
0x263: {  	[tilespmem:s2+$0xFFFFFFE0] =	vst v5;
	v1 =	vld.idx.msk [tilespmem:v1+s1+$0x0], $0xffff  }
0x264: {  	v0 =	vld.idx.msk [tilespmem:v0+s1+$0x0], $0xffff;
	[tilespmem:s2+$0xFFFFFFF0] =	vst v2  }
0x265: {  	s9 =	sadd.s32 $0x40, s2;
	[tilespmem:s2+$0x0] =	vst v3  }
0x266: {  	[tilespmem:s9+$0x10] =	vst v4  }
0x267: {  	[tilespmem:s9+$0xFFFFFFE0] =	vst v6  }
0x268: {  	[tilespmem:s9+$0xFFFFFFF0] =	vst v1  }
0x269: {  	[tilespmem:s9+$0x0] =	vst v0  }
0x26a: {  	[hbm4b:s22+s25] =	stream.strided.scatter [tilespmem:s0], [sflag:$0x5], $0x4000, s26, s25, $0x38;
	[tilespmem:$0x1EF80] =	vst v63  }
0x26b: {  	_ =	swait.ge [sflag:s12], $0x9700  }
0x26c: {  	[sflag:s12] =	ssyncset.done $0x0  }
0x26d: {  	[sflag:s12] =	ssyncadd.s32 $0xFFFF6900  }
0x26e: {  	_ =	swait.ge [sflag:s13], $0x4000  }
0x26f: {  	[sflag:s13] =	ssyncset.done $0x0  }
0x270: {  	[sflag:s13] =	ssyncadd.s32 $0xFFFFC000  }
0x271: {  	[tilespmem:s1], [sflag:$0x1] =	stream.strided.gather [hbm4b:s3+s25], $0x9700, s26, s25, $0x38;
	[tilespmem:$0x1EF80] =	vst v63  }
0x272: {  	_ = 	snop  }
0x273: {  	[tilespmem:s28], [sflag:$0x3] =	stream.strided.gather [hbm4b:s18+s25], $0x4000, s26, s25, $0x38;
	[tilespmem:$0x1EF80] =	vst v63  }
0x274: {  	_ =	swait.ge [sflag:s7], $0x4000  }
0x275: {  	[sflag:s7] =	ssyncset.done $0x0  }
0x276: {  	s10 =	simm.s32 $0x16F20;
	[sflag:s7] =	ssyncadd.s32 $0xFFFFC000  }
0x277: {  	v0 =	vld [tilespmem:s10+$0x10];
	_ =	sdelay $0x1  }
0x278: {  	v2 =	vld [tilespmem:s10+$0xFFFFFFE0]  }
0x279: {  	v3 =	vld [tilespmem:s10+$0xFFFFFFF0]  }
0x27a: {  	s14 =	simm.s32 $0x16F60;
	v4 =	vld [tilespmem:s10+$0x0]  }
0x27b: {  	v7 =	vld [tilespmem:s14+$0x10]  }
0x27c: {  	v1 =	vld [tilespmem:s14+$0xFFFFFFF0]  }
0x27d: {  	v6 =	vld [tilespmem:s14+$0xFFFFFFE0]  }
0x27e: {  	v8 =	vld.idx.msk [tilespmem:v0+s31+$0x0], $0xffff  }
0x27f: {  	v0 =	vld [tilespmem:s14+$0x0]  }
0x280: {  	v5 =	vld.idx.msk [tilespmem:v2+s31+$0x0], $0xffff  }
0x281: {  	v2 =	vld.idx.msk [tilespmem:v3+s31+$0x0], $0xffff  }
0x282: {  	s2 =	simm.s32 $0x1AF20;
	v3 =	vld.idx.msk [tilespmem:v4+s31+$0x0], $0xffff  }
0x283: {  	s9 =	simm.s32 $0x4;
	s10 =	simm.s32 $0x16FA0;
	v4 =	vld.idx.msk [tilespmem:v7+s31+$0x0], $0xffff;
	[tilespmem:s2+$0x10] =	vst v8  }
.LBB2_24:
0x284: {  	v7 =	vld [tilespmem:s10+$0x10];
	s9 =	sadd.s32 $0x4, s9  }
0x285: {  	v8 =	vld [tilespmem:s10+$0xFFFFFFF0];
	p1 =	slt.u32 s9, $0x3FC;
	[tilespmem:s2+$0xFFFFFFE0] =	vst v5  }
0x286: {  	v9 =	vld [tilespmem:s10+$0x0];
	[tilespmem:s2+$0xFFFFFFF0] =	vst v2  }
0x287: {  	v10 =	vld [tilespmem:s10+$0xFFFFFFE0];
	[tilespmem:s2+$0x0] =	vst v3  }
.Ltmp13:
0x288: {  	s2 =	sadd.s32 $0x40, s2;
	v5 =	vld.idx.msk [tilespmem:v6+s31+$0x0], $0xffff;
	(pc) =	sbr.rel @p1 .LBB2_24-.Ltmp13, $4  }
0x289: {  	v2 =	vld.idx.msk [tilespmem:v1+s31+$0x0], $0xffff;
	[tilespmem:s2+$0x10] =	vst v4  }
0x28a: {  	v3 =	vld.idx.msk [tilespmem:v0+s31+$0x0], $0xffff;
	v1 =	vmov v8  }
0x28b: {  	v0 =	vmov v9  }
0x28c: {  	s10 =	sadd.s32 $0x40, s10;
	v4 =	vld.idx.msk [tilespmem:v7+s31+$0x0], $0xffff;
	v6 =	vmov v10  }
0x28d: {  	_ =	sdelay $0x3  }
0x28e: {  	v6 =	vld.idx.msk [tilespmem:v6+s31+$0x0], $0xffff  }
0x28f: {  	[tilespmem:s2+$0xFFFFFFE0] =	vst v5;
	v1 =	vld.idx.msk [tilespmem:v1+s31+$0x0], $0xffff  }
0x290: {  	v0 =	vld.idx.msk [tilespmem:v0+s31+$0x0], $0xffff;
	[tilespmem:s2+$0xFFFFFFF0] =	vst v2  }
0x291: {  	s14 =	sadd.s32 $0x40, s2;
	[tilespmem:s2+$0x0] =	vst v3  }
0x292: {  	[tilespmem:s14+$0x10] =	vst v4  }
0x293: {  	[tilespmem:s14+$0xFFFFFFE0] =	vst v6  }
0x294: {  	[tilespmem:s14+$0xFFFFFFF0] =	vst v1  }
0x295: {  	[tilespmem:s14+$0x0] =	vst v0  }
0x296: {  	[hbm4b:s20+s25] =	stream.strided.scatter [tilespmem:s0], [sflag:$0x5], $0x4000, s26, s25, $0x38;
	[tilespmem:$0x1EF80] =	vst v63  }
0x297: {  	_ =	swait.ge [sflag:s29], $0x9700  }
0x298: {  	[sflag:s29] =	ssyncset.done $0x0  }
0x299: {  	[sflag:s29] =	ssyncadd.s32 $0xFFFF6900  }
0x29a: {  	_ =	swait.ge [sflag:s30], $0x4000  }
.Ltmp14:
0x29b: {  	[sflag:s30] =	ssyncset.done $0x0;
	(pc) =	sbr.rel @p0 .LBB2_29-.Ltmp14, $4  }
0x29c: {  	[sflag:s30] =	ssyncadd.s32 $0xFFFFC000  }
0x29d: {  	_ =	swait.ge [sflag:s7], $0x4000  }
0x29e: {  	[sflag:s7] =	ssyncset.done $0x0  }
0x29f: {  	s9 =	simm.s32 $0x1AF20;
	s2 =	simm.s32 $0x12F20;
	[sflag:s7] =	ssyncadd.s32 $0xFFFFC000  }
0x2a0: {  	v0 =	vld [tilespmem:s2+$0x10];
	_ =	sdelay $0x1  }
0x2a1: {  	v2 =	vld [tilespmem:s2+$0xFFFFFFE0]  }
0x2a2: {  	v3 =	vld [tilespmem:s2+$0xFFFFFFF0]  }
0x2a3: {  	v7 =	vld [tilespmem:s2+$0x0];
	s14 =	simm.s32 $0x12F60  }
0x2a4: {  	v8 =	vld [tilespmem:s14+$0x10]  }
0x2a5: {  	v1 =	vld [tilespmem:s14+$0xFFFFFFF0]  }
0x2a6: {  	v6 =	vld [tilespmem:s14+$0xFFFFFFE0]  }
0x2a7: {  	v9 =	vld.idx.msk [tilespmem:v0+s1+$0x0], $0xffff  }
0x2a8: {  	v0 =	vld [tilespmem:s14+$0x0]  }
0x2a9: {  	v5 =	vld.idx.msk [tilespmem:v2+s1+$0x0], $0xffff  }
0x2aa: {  	v4 =	vld.idx.msk [tilespmem:v3+s1+$0x0], $0xffff  }
0x2ab: {  	v2 =	vld.idx.msk [tilespmem:v7+s1+$0x0], $0xffff  }
0x2ac: {  	s2 =	simm.s32 $0x4;
	s10 =	simm.s32 $0x12FA0;
	v3 =	vld.idx.msk [tilespmem:v8+s1+$0x0], $0xffff;
	[tilespmem:s9+$0x10] =	vst v9  }
.LBB2_27:
0x2ad: {  	v7 =	vld [tilespmem:s10+$0x10];
	s2 =	sadd.s32 $0x4, s2  }
0x2ae: {  	v8 =	vld [tilespmem:s10+$0xFFFFFFF0];
	p1 =	slt.u32 s2, $0x3FC;
	[tilespmem:s9+$0xFFFFFFE0] =	vst v5  }
0x2af: {  	v9 =	vld [tilespmem:s10+$0x0];
	[tilespmem:s9+$0xFFFFFFF0] =	vst v4  }
0x2b0: {  	v10 =	vld [tilespmem:s10+$0xFFFFFFE0];
	[tilespmem:s9+$0x0] =	vst v2  }
.Ltmp15:
0x2b1: {  	s9 =	sadd.s32 $0x40, s9;
	v5 =	vld.idx.msk [tilespmem:v6+s1+$0x0], $0xffff;
	(pc) =	sbr.rel @p1 .LBB2_27-.Ltmp15, $4  }
0x2b2: {  	v4 =	vld.idx.msk [tilespmem:v1+s1+$0x0], $0xffff;
	[tilespmem:s9+$0x10] =	vst v3  }
0x2b3: {  	v2 =	vld.idx.msk [tilespmem:v0+s1+$0x0], $0xffff;
	v1 =	vmov v8  }
0x2b4: {  	v0 =	vmov v9  }
0x2b5: {  	s10 =	sadd.s32 $0x40, s10;
	v3 =	vld.idx.msk [tilespmem:v7+s1+$0x0], $0xffff;
	v6 =	vmov v10  }
0x2b6: {  	_ =	sdelay $0x3  }
0x2b7: {  	v6 =	vld.idx.msk [tilespmem:v6+s1+$0x0], $0xffff  }
0x2b8: {  	[tilespmem:s9+$0xFFFFFFE0] =	vst v5;
	v1 =	vld.idx.msk [tilespmem:v1+s1+$0x0], $0xffff  }
0x2b9: {  	v0 =	vld.idx.msk [tilespmem:v0+s1+$0x0], $0xffff;
	[tilespmem:s9+$0xFFFFFFF0] =	vst v4  }
0x2ba: {  	s2 =	sadd.s32 $0x40, s9;
	[tilespmem:s9+$0x0] =	vst v2  }
.Ltmp16:
0x2bb: {  	[tilespmem:s2+$0x10] =	vst v3;
	(pc) =	sbr.rel .LBB2_32-.Ltmp16, $4  }
0x2bc: {  	[tilespmem:s2+$0xFFFFFFE0] =	vst v6  }
0x2bd: {  	[tilespmem:s2+$0xFFFFFFF0] =	vst v1  }
0x2be: {  	[tilespmem:s2+$0x0] =	vst v0  }
0x2bf: {  	s2 =	rddreg [dreg:$0x9]  }
.LBB2_29:
0x2c0: {  	v6 =	vld [tilespmem:s2+$0x10]  }
0x2c1: {  	v4 =	vld [tilespmem:s2+$0xFFFFFFF0];
	_ =	sdelay $0x2  }
0x2c2: {  	v8 =	vld [tilespmem:s2+$0xFFFFFFE0];
	_ =	sdelay $0x1  }
0x2c3: {  	v9 =	vld [tilespmem:s2+$0x0];
	v0 =	vadd.s32 $0xFFFF6900, v6  }
0x2c4: {  	s14 =	simm.s32 $0x12F60;
	vm0 =	vgt.s32 v0, $0x0  }
0x2c5: {  	v1 =	vnsel vm0, $0x0, v0;
	v0 =	vld [tilespmem:s14+$0x10]  }
0x2c6: {  	v3 =	vadd.s32 $0xFFFF6900, v8;
	v5 =	vadd.s32 $0xFFFF6900, v4;
	v2 =	vld.idx.msk [tilespmem:v4+s1+$0x0], $0xffff  }
0x2c7: {  	vm1 =	vgt.s32 v5, $0x0;
	vm0 =	vgt.s32 v3, $0x0;
	v11 =	vld.idx.msk [tilespmem:v6+s1+$0x0], $0xffff  }
0x2c8: {  	v7 =	vadd.s32 $0xFFFF6900, v9;
	v12 =	vnsel vm1, $0x0, v5;
	v10 =	vnsel vm0, $0x0, v3;
	v3 =	vld [tilespmem:s14+$0xFFFFFFF0]  }
0x2c9: {  	vm1 =	vgt.s32 v4, $0x96FF;
	vm0 =	vgt.s32 v7, $0x0;
	v4 =	vld [tilespmem:s14+$0xFFFFFFE0]  }
0x2ca: {  	v14 =	vnsel vm0, $0x0, v7;
	v13 =	vld.idx.msk [tilespmem:v1+s4+$0x0], $0xffff  }
0x2cb: {  	v1 =	vld [tilespmem:s14+$0x0]  }
0x2cc: {  	vm0 =	vgt.s32 v8, $0x96FF  }
0x2cd: {  	vm3 =	vgt.s32 v9, $0x96FF;
	vm2 =	vmmov vm1;
	vm1 =	vmmov vm0;
	v7 =	vld.idx.msk [tilespmem:v12+s4+$0x0], $0xffff  }
0x2ce: {  	vm0 =	vmmov vm3;
	vm3 =	vgt.s32 v6, $0x96FF;
	v5 =	vld.idx.msk [tilespmem:v10+s4+$0x0], $0xffff;
	v10 =	vadd.s32 $0xFFFF6900, v0  }
0x2cf: {  	v12 =	vadd.s32 $0xFFFF6900, v3;
	vm4 =	vgt.s32 v10, $0x0;
	v6 =	vld.idx.msk [tilespmem:v14+s4+$0x0], $0xffff;
	v14 =	vadd.s32 $0xFFFF6900, v4  }
0x2d0: {  	v15 =	vsel vm3, v13, v11;
	v16 =	vadd.s32 $0xFFFF6900, v1;
	v13 =	vnsel vm4, $0x0, v10;
	v10 =	vld.idx.msk [tilespmem:v8+s1+$0x0], $0xffff  }
0x2d1: {  	vm3 =	vgt.s32 v12, $0x0;
	v11 =	vld.idx.msk [tilespmem:v9+s1+$0x0], $0xffff;
	vm4 =	vgt.s32 v14, $0x0;
	vm5 =	vgt.s32 v16, $0x0  }
0x2d2: {  	s2 =	simm.s32 $0x4;
	s10 =	simm.s32 $0x12FA0;
	v9 =	vld.idx.msk [tilespmem:v3+s1+$0x0], $0xffff;
	v8 =	vnsel vm3, $0x0, v12;
	[tilespmem:s9+$0x10] =	vst v15;
	vm3 =	vgt.s32 v4, $0x96FF;
	v12 =	vnsel vm5, $0x0, v16  }
.LBB2_30:
0x2d3: {  	v15 =	vld [tilespmem:s10+$0x10];
	v14 =	vnsel vm4, $0x0, v14;
	vm4 =	vgt.s32 v3, $0x96FF;
	vm5 =	vgt.s32 v1, $0x96FF  }
0x2d4: {  	v2 =	vsel vm2, v7, v2;
	v16 =	vld.idx.msk [tilespmem:v0+s1+$0x0], $0xffff;
	vm2 =	vmmov vm4  }
0x2d5: {  	s2 =	sadd.s32 $0x4, s2;
	v13 =	vld.idx.msk [tilespmem:v13+s4+$0x0], $0xffff;
	[tilespmem:s9+$0xFFFFFFF0] =	vst v2  }
0x2d6: {  	v7 =	vsel vm1, v5, v10;
	vm1 =	vmmov vm3;
	p1 =	slt.u32 s2, $0x3FC;
	v3 =	vld [tilespmem:s10+$0xFFFFFFF0]  }
0x2d7: {  	v5 =	vsel vm0, v6, v11;
	vm0 =	vmmov vm5;
	v17 =	vld [tilespmem:s10+$0x0];
	[tilespmem:s9+$0xFFFFFFE0] =	vst v7  }
0x2d8: {  	v2 =	vmov v9;
	v18 =	vld [tilespmem:s10+$0xFFFFFFE0];
	[tilespmem:s9+$0x0] =	vst v5  }
0x2d9: {  	v5 =	vld.idx.msk [tilespmem:v14+s4+$0x0], $0xffff  }
.Ltmp17:
0x2da: {  	vm3 =	vgt.s32 v0, $0x96FF;
	v9 =	vadd.s32 $0xFFFF6900, v15;
	v0 =	vmov v15;
	v7 =	vld.idx.msk [tilespmem:v8+s4+$0x0], $0xffff;
	(pc) =	sbr.rel @p1 .LBB2_30-.Ltmp17, $4  }
0x2db: {  	s9 =	sadd.s32 $0x40, s9;
	vm4 =	vgt.s32 v9, $0x0;
	v11 =	vsel vm3, v13, v16;
	v8 =	vadd.s32 $0xFFFF6900, v3;
	v6 =	vld.idx.msk [tilespmem:v12+s4+$0x0], $0xffff  }
0x2dc: {  	v13 =	vnsel vm4, $0x0, v9;
	vm3 =	vgt.s32 v8, $0x0;
	v12 =	vadd.s32 $0xFFFF6900, v17;
	v10 =	vld.idx.msk [tilespmem:v4+s1+$0x0], $0xffff;
	[tilespmem:s9+$0x10] =	vst v11  }
0x2dd: {  	v14 =	vadd.s32 $0xFFFF6900, v18;
	v8 =	vnsel vm3, $0x0, v8;
	vm5 =	vgt.s32 v12, $0x0;
	v11 =	vld.idx.msk [tilespmem:v1+s1+$0x0], $0xffff;
	v1 =	vmovc v17;
	v4 =	vmovc v18  }
0x2de: {  	s10 =	sadd.s32 $0x40, s10;
	vm4 =	vgt.s32 v14, $0x0;
	vm3 =	vgt.s32 v4, $0x96FF;
	v9 =	vld.idx.msk [tilespmem:v3+s1+$0x0], $0xffff;
	v12 =	vnsel vm5, $0x0, v12  }
.Ltmp18:
0x2df: {  	_ = 	snop;
	(pc) =	sbr.rel .LBB2_31-.Ltmp18, $1  }
0x2e0: {  	_ =	sdelay $0x3  }
.LBB2_33:
0x2e1: {  	_ =	sfence.sel $0x180000  }
0x2e2: {  	[bflag:$0x0] =	sbarrier.arrive $0xFFFF  }
0x2e3: {  	_ =	strace $0x90000047  }
0x2e4: {  	s0 =	stileid.u32;
	[bflag:$0x2] =	sbarrier.arrive $0xFFFF  }
0x2e5: {  	p0 =	sne.s32 s0, $0x0;
	s0 =	rddreg [dreg:$0x3]  }
0x2e6: {  	s0 =	sadd.s32 @!p0 $0x100000, s0  }
0x2e7: {  	[sflag:s0] =	ssyncadd.tile.s32 @!p0 $0x1;
	_ =	shalt  }
.Lfunc_end2:
_tile_overlayer_lowered:
.L_overlay_start_2:
0x2e8: {  	(tag) =	ssettag $0x2  }
0x2e9: {  	s0 =	rddreg [dreg:$0x0];
	s2 =	stileid.u32  }
0x2ea: {  	s1 =	rddreg [dreg:$0x1];
	p0 =	sne.s32 s2, $0x0  }
0x2eb: {  	s3 =	rddreg [dreg:$0x2];
	[bflag:$0x3] =	sbarrier.arrive $0xFFFF;
	s2 =	simm.s32 @!p0 $0x1C06  }
0x2ec: {  	[timem:s3], [sflag:s2] =	dma.local @!p0 [hbm:s0], s1  }
0x2ed: {  	s0 =	simm.s32 @!p0 $0x6  }
0x2ee: {  	_ =	swait.ge @!p0 [sflag:s0], s1  }
0x2ef: {  	s1 =	ssub.s32 @!p0 $0x0, s1;
	[sflag:s0] =	ssyncset.done @!p0 $0x0  }
0x2f0: {  	[sflag:s0] =	ssyncadd.s32 @!p0 s1  }
0x2f1: {  	[bflag:$0x3] =	sbarrier.arrive $0xFFFF  }
0x2f2: {  	_ =	shalt  }

</sc_bundles>
